<compile_context>
chip_gen: v7x
topology: tpu7x:2x2x1
jax: 0.10.2.dev20260603
libtpu: 0.0.44.dev20260713+nightly
codegen_flags: <defaults>
</compile_context>

<pallas_src>
import jax
import jax.numpy as jnp
from jax import lax
from jax.experimental import pallas as pl
from jax.experimental.pallas import tpu as pltpu
from jax.experimental.pallas import tpu_sc as plsc

_BPW = 4
_GS = 128
_NBUF = 2
_M = 2 * _NBUF
_NC = 2
_NS = 16
_NWORKERS = _NC * _NS
_HPAD = 56
_DPAD = 128


def _embedding_gather(flat_idx, table_pad, batch, hist, d_model):
    num_indices = batch * hist
    per_worker = num_indices // _NWORKERS
    batches_per_worker = batch // _NWORKERS
    nwin = batches_per_worker // _BPW
    win_idx = _BPW * hist
    mesh = plsc.VectorSubcoreMesh(core_axis_name="core",
                                  subcore_axis_name="subcore")

    @pl.kernel(
        out_type=jax.ShapeDtypeStruct((batch, _HPAD, _DPAD), table_pad.dtype),
        mesh=mesh,
        scratch_types=[
            pltpu.VMEM((per_worker,), jnp.int32),
            pltpu.VMEM((_M, win_idx, _DPAD), table_pad.dtype),
            pltpu.SemaphoreType.DMA((2 * _M,)),
            pltpu.SemaphoreType.DMA((_BPW * _M,)),
        ],
        compiler_params=pltpu.CompilerParams(use_tc_tiling_on_sc=False),
    )
    def gather_kernel(table_hbm, idx_hbm, out_hbm, idx_v, rows_v, gsem, ssem):
        wid = lax.axis_index("subcore") * _NC + lax.axis_index("core")
        idx_base = wid * per_worker
        b_base = wid * batches_per_worker
        pltpu.sync_copy(idx_hbm.at[pl.ds(idx_base, per_worker)], idx_v)

        def gather_part(w, slot, p, off, n):
            return pltpu.make_async_copy(
                table_hbm.at[idx_v.at[pl.ds(w * win_idx + off, n)]],
                rows_v.at[slot].at[pl.ds(off, n)],
                gsem.at[2 * slot + p],
            )

        def gather_start(w, slot):
            gather_part(w, slot, 0, 0, _GS).start()
            gather_part(w, slot, 1, _GS, win_idx - _GS).start()

        def gather_wait(slot):
            gather_part(0, slot, 0, 0, _GS).wait()
            gather_part(0, slot, 1, _GS, win_idx - _GS).wait()

        def store_part(w, slot, part):
            return pltpu.make_async_copy(
                rows_v.at[slot].at[pl.ds(part * hist, hist)],
                out_hbm.at[b_base + w * _BPW + part, pl.ds(0, hist)],
                ssem.at[_BPW * slot + part],
            )

        def store_start(w, slot):
            for part in range(_BPW):
                store_part(w, slot, part).start()

        def store_wait(slot):
            for part in range(_BPW):
                store_part(0, slot, part).wait()

        for w in range(_NBUF):
            gather_start(w, w)

        @pl.loop(0, nwin, step=_M)
        def _(g):
            for j in range(_M):
                w = g + j
                gather_wait(j)
                store_start(w, j)
                v = w + _NBUF
                slot = (j + _NBUF) % _M

                @pl.when(jnp.logical_and(v < nwin, v >= _M))
                def _():
                    store_wait(slot)

                @pl.when(v < nwin)
                def _():
                    gather_start(v, slot)

        for j in range(_M):
            store_wait(j)

    return gather_kernel(table_pad, flat_idx)


def kernel(x, table):
    batch, hist = x.shape
    vocab, d_model = table.shape
    flat_idx = x.reshape(batch * hist).astype(jnp.int32)
    table_pad = jnp.pad(table, ((0, 0), (0, _DPAD - d_model)))
    out_pad = _embedding_gather(flat_idx, table_pad, batch, hist, d_model)
    return out_pad[:, :hist, :d_model]

# --- scband reference (transcript-rebuilt; emitter-appended) ---
"""Pipeline reference for scband-embedding-17944373363272 (READ-ONLY COPY).

The authoritative reference and input builder live on the scoring server;
editing this copy changes nothing except your own understanding.
"""

import jax, jax.numpy as jnp
import numpy as np

VOCAB = 1000000
D_MODEL = 64
BATCH = 16384
HIST = 50

def setup_inputs(seed: int = 0) -> dict:
    key = jax.random.key(seed)
    k1, k2 = jax.random.split(key)
    x = jax.random.randint(k1, (BATCH, HIST), 0, VOCAB, dtype=jnp.int64 if jax.config.jax_enable_x64 else jnp.int32)
    table = jax.random.normal(k2, (VOCAB, D_MODEL), dtype=jnp.float32) * 0.02
    return {"x": x, "table": table}

def reference(x, table):
    # Faithful translation of nn.Embedding lookup: out = table[x]
    return jnp.take(table, x, axis=0)

if __name__ == "__main__":
    import jax
    _d = setup_inputs()
    print(jax.jit(kernel)(*tuple(_d.values())))

</pallas_src>

<mosaic_0001>
#map = affine_map<(d0, d1) -> (0, 0)>
#map1 = affine_map<(d0, d1) -> (0)>
#map2 = affine_map<(d0, d1) -> (0, 0, 0)>
module attributes {stable_mosaic.version = 14 : i64} {
  func.func @gather_kernel(%arg0: i32, %arg1: i32, %arg2: memref<1000000x128xf32, #tpu.memory_space<hbm>>, %arg3: memref<819200xi32, #tpu.memory_space<hbm>>, %arg4: memref<16384x56x128xf32, #tpu.memory_space<hbm>>, %arg5: memref<25600xi32, #tpu.memory_space<vmem>>, %arg6: memref<4x200x128xf32, #tpu.memory_space<vmem>>, %arg7: memref<8x!tpu.dma_semaphore, #tpu.memory_space<semaphore_mem>>, %arg8: memref<16x!tpu.dma_semaphore, #tpu.memory_space<semaphore_mem>>) attributes {dimension_semantics = [#tpu.dimension_semantics<core_parallel>, #tpu.dimension_semantics<subcore_parallel>], iteration_bounds = array<i64: 2, 16>, scalar_prefetch = 0 : i64, scratch_operands = 4 : i64, tpu.core_type = #tpu.core_type<sc_vector_subcore>, window_params = [{transform_indices = #map}, {transform_indices = #map1}, {transform_indices = #map2}]} {
    %mul3A = arith.constant 2 : i32
    %mul3A_0 = arith.muli %arg1, %mul3A : i32
    %add3A = arith.addi %mul3A_0, %arg0 : i32
    %mul3A_1 = arith.constant 25600 : i32
    %mul3A_2 = arith.muli %add3A, %mul3A_1 : i32
    %mul3A_3 = arith.constant 512 : i32
    %mul3A_4 = arith.muli %add3A, %mul3A_3 : i32
    "tpu.region"() ({
      %run_scoped3A = tpu.sem_alloc : memref<!tpu.dma_semaphore, #tpu.memory_space<semaphore_mem>>
      %dma_start3A_551 = tpu.memref_slice %arg3[%mul3A_2] : memref<819200xi32, #tpu.memory_space<hbm>> -> memref<25600xi32, #tpu.memory_space<hbm>>
      %dma_start3A_552 = tpu.memref_slice %arg3[%mul3A_2] : memref<819200xi32, #tpu.memory_space<hbm>> -> memref<25600xi32, #tpu.memory_space<hbm>>
      tpu.enqueue_dma source(%dma_start3A_552 : memref<25600xi32, #tpu.memory_space<hbm>>) target(%arg5 : memref<25600xi32, #tpu.memory_space<vmem>>) target_semaphore(%run_scoped3A : memref<!tpu.dma_semaphore, #tpu.memory_space<semaphore_mem>>)
      %dma_wait3A_553 = tpu.memref_slice %arg3[%mul3A_2] : memref<819200xi32, #tpu.memory_space<hbm>> -> memref<25600xi32, #tpu.memory_space<hbm>>
      %dma_wait3A_554 = tpu.memref_slice %arg3[%mul3A_2] : memref<819200xi32, #tpu.memory_space<hbm>> -> memref<25600xi32, #tpu.memory_space<hbm>>
      tpu.wait_dma2 semaphore(%run_scoped3A : memref<!tpu.dma_semaphore, #tpu.memory_space<semaphore_mem>>) src(%dma_wait3A_554 : memref<25600xi32, #tpu.memory_space<hbm>>) dst(%arg5 : memref<25600xi32, #tpu.memory_space<vmem>>)
      tpu.yield
    }) : () -> ()
    %dma_start3A = arith.constant 0 : i32
    %dma_start3A_5 = arith.constant 0 : i32
    %dma_start3A_6 = arith.constant 0 : i32
    %dma_start3A_7 = arith.constant 0 : i32
    %dma_start3A_8 = tpu.memref_slice %arg6[%dma_start3A, %dma_start3A_6, %dma_start3A_7] : memref<4x200x128xf32, #tpu.memory_space<vmem>> -> memref<1x200x128xf32, #tpu.memory_space<vmem>>
    %dma_start3A_9 = tpu.memref_squeeze %dma_start3A_8 : memref<1x200x128xf32, #tpu.memory_space<vmem>> -> memref<200x128xf32, #tpu.memory_space<vmem>>
    %dma_start3A_10 = arith.constant 0 : i32
    %dma_start3A_11 = arith.constant 0 : i32
    %dma_start3A_12 = tpu.memref_slice %dma_start3A_9[%dma_start3A_10, %dma_start3A_11] : memref<200x128xf32, #tpu.memory_space<vmem>> -> memref<128x128xf32, #tpu.memory_space<vmem>>
    %dma_start3A_13 = arith.constant 0 : i32
    %dma_start3A_14 = tpu.memref_slice %arg5[%dma_start3A_13] : memref<25600xi32, #tpu.memory_space<vmem>> -> memref<128xi32, #tpu.memory_space<vmem>>
    %dma_start3A_15 = arith.constant 0 : i32
    %dma_start3A_16 = arith.constant 0 : i32
    %dma_start3A_17 = tpu.memref_slice %arg2[%dma_start3A_15, %dma_start3A_16] : memref<1000000x128xf32, #tpu.memory_space<hbm>> -> memref<1000000x128xf32, #tpu.memory_space<hbm>>
    %dma_start3A_18 = tpu.memref_slice %arg7[%dma_start3A_5] : memref<8x!tpu.dma_semaphore, #tpu.memory_space<semaphore_mem>> -> memref<1x!tpu.dma_semaphore, #tpu.memory_space<semaphore_mem>>
    %dma_start3A_19 = tpu.memref_squeeze %dma_start3A_18 : memref<1x!tpu.dma_semaphore, #tpu.memory_space<semaphore_mem>> -> memref<!tpu.dma_semaphore, #tpu.memory_space<semaphore_mem>>
    tpu.enqueue_indirect_dma source(%dma_start3A_17 : memref<1000000x128xf32, #tpu.memory_space<hbm>>) target(%dma_start3A_12 : memref<128x128xf32, #tpu.memory_space<vmem>>) offsets(%dma_start3A_14 : memref<128xi32, #tpu.memory_space<vmem>>) semaphore(%dma_start3A_19 : memref<!tpu.dma_semaphore, #tpu.memory_space<semaphore_mem>>)
    %dma_start3A_20 = arith.constant 0 : i32
    %dma_start3A_21 = arith.constant 1 : i32
    %dma_start3A_22 = arith.constant 0 : i32
    %dma_start3A_23 = arith.constant 0 : i32
    %dma_start3A_24 = tpu.memref_slice %arg6[%dma_start3A_20, %dma_start3A_22, %dma_start3A_23] : memref<4x200x128xf32, #tpu.memory_space<vmem>> -> memref<1x200x128xf32, #tpu.memory_space<vmem>>
    %dma_start3A_25 = tpu.memref_squeeze %dma_start3A_24 : memref<1x200x128xf32, #tpu.memory_space<vmem>> -> memref<200x128xf32, #tpu.memory_space<vmem>>
    %dma_start3A_26 = arith.constant 128 : i32
    %dma_start3A_27 = arith.constant 0 : i32
    %dma_start3A_28 = tpu.memref_slice %dma_start3A_25[%dma_start3A_26, %dma_start3A_27] : memref<200x128xf32, #tpu.memory_space<vmem>> -> memref<72x128xf32, #tpu.memory_space<vmem>>
    %dma_start3A_29 = arith.constant 128 : i32
    %dma_start3A_30 = tpu.memref_slice %arg5[%dma_start3A_29] : memref<25600xi32, #tpu.memory_space<vmem>> -> memref<72xi32, #tpu.memory_space<vmem>>
    %dma_start3A_31 = arith.constant 0 : i32
    %dma_start3A_32 = arith.constant 0 : i32
    %dma_start3A_33 = tpu.memref_slice %arg2[%dma_start3A_31, %dma_start3A_32] : memref<1000000x128xf32, #tpu.memory_space<hbm>> -> memref<1000000x128xf32, #tpu.memory_space<hbm>>
    %dma_start3A_34 = tpu.memref_slice %arg7[%dma_start3A_21] : memref<8x!tpu.dma_semaphore, #tpu.memory_space<semaphore_mem>> -> memref<1x!tpu.dma_semaphore, #tpu.memory_space<semaphore_mem>>
    %dma_start3A_35 = tpu.memref_squeeze %dma_start3A_34 : memref<1x!tpu.dma_semaphore, #tpu.memory_space<semaphore_mem>> -> memref<!tpu.dma_semaphore, #tpu.memory_space<semaphore_mem>>
    tpu.enqueue_indirect_dma source(%dma_start3A_33 : memref<1000000x128xf32, #tpu.memory_space<hbm>>) target(%dma_start3A_28 : memref<72x128xf32, #tpu.memory_space<vmem>>) offsets(%dma_start3A_30 : memref<72xi32, #tpu.memory_space<vmem>>) semaphore(%dma_start3A_35 : memref<!tpu.dma_semaphore, #tpu.memory_space<semaphore_mem>>)
    %dma_start3A_36 = arith.constant 1 : i32
    %dma_start3A_37 = arith.constant 2 : i32
    %dma_start3A_38 = arith.constant 0 : i32
    %dma_start3A_39 = arith.constant 0 : i32
    %dma_start3A_40 = tpu.memref_slice %arg6[%dma_start3A_36, %dma_start3A_38, %dma_start3A_39] : memref<4x200x128xf32, #tpu.memory_space<vmem>> -> memref<1x200x128xf32, #tpu.memory_space<vmem>>
    %dma_start3A_41 = tpu.memref_squeeze %dma_start3A_40 : memref<1x200x128xf32, #tpu.memory_space<vmem>> -> memref<200x128xf32, #tpu.memory_space<vmem>>
    %dma_start3A_42 = arith.constant 0 : i32
    %dma_start3A_43 = arith.constant 0 : i32
    %dma_start3A_44 = tpu.memref_slice %dma_start3A_41[%dma_start3A_42, %dma_start3A_43] : memref<200x128xf32, #tpu.memory_space<vmem>> -> memref<128x128xf32, #tpu.memory_space<vmem>>
    %dma_start3A_45 = arith.constant 200 : i32
    %dma_start3A_46 = tpu.memref_slice %arg5[%dma_start3A_45] : memref<25600xi32, #tpu.memory_space<vmem>> -> memref<128xi32, #tpu.memory_space<vmem>>
    %dma_start3A_47 = arith.constant 0 : i32
    %dma_start3A_48 = arith.constant 0 : i32
    %dma_start3A_49 = tpu.memref_slice %arg2[%dma_start3A_47, %dma_start3A_48] : memref<1000000x128xf32, #tpu.memory_space<hbm>> -> memref<1000000x128xf32, #tpu.memory_space<hbm>>
    %dma_start3A_50 = tpu.memref_slice %arg7[%dma_start3A_37] : memref<8x!tpu.dma_semaphore, #tpu.memory_space<semaphore_mem>> -> memref<1x!tpu.dma_semaphore, #tpu.memory_space<semaphore_mem>>
    %dma_start3A_51 = tpu.memref_squeeze %dma_start3A_50 : memref<1x!tpu.dma_semaphore, #tpu.memory_space<semaphore_mem>> -> memref<!tpu.dma_semaphore, #tpu.memory_space<semaphore_mem>>
    tpu.enqueue_indirect_dma source(%dma_start3A_49 : memref<1000000x128xf32, #tpu.memory_space<hbm>>) target(%dma_start3A_44 : memref<128x128xf32, #tpu.memory_space<vmem>>) offsets(%dma_start3A_46 : memref<128xi32, #tpu.memory_space<vmem>>) semaphore(%dma_start3A_51 : memref<!tpu.dma_semaphore, #tpu.memory_space<semaphore_mem>>)
    %dma_start3A_52 = arith.constant 1 : i32
    %dma_start3A_53 = arith.constant 3 : i32
    %dma_start3A_54 = arith.constant 0 : i32
    %dma_start3A_55 = arith.constant 0 : i32
    %dma_start3A_56 = tpu.memref_slice %arg6[%dma_start3A_52, %dma_start3A_54, %dma_start3A_55] : memref<4x200x128xf32, #tpu.memory_space<vmem>> -> memref<1x200x128xf32, #tpu.memory_space<vmem>>
    %dma_start3A_57 = tpu.memref_squeeze %dma_start3A_56 : memref<1x200x128xf32, #tpu.memory_space<vmem>> -> memref<200x128xf32, #tpu.memory_space<vmem>>
    %dma_start3A_58 = arith.constant 128 : i32
    %dma_start3A_59 = arith.constant 0 : i32
    %dma_start3A_60 = tpu.memref_slice %dma_start3A_57[%dma_start3A_58, %dma_start3A_59] : memref<200x128xf32, #tpu.memory_space<vmem>> -> memref<72x128xf32, #tpu.memory_space<vmem>>
    %dma_start3A_61 = arith.constant 328 : i32
    %dma_start3A_62 = tpu.memref_slice %arg5[%dma_start3A_61] : memref<25600xi32, #tpu.memory_space<vmem>> -> memref<72xi32, #tpu.memory_space<vmem>>
    %dma_start3A_63 = arith.constant 0 : i32
    %dma_start3A_64 = arith.constant 0 : i32
    %dma_start3A_65 = tpu.memref_slice %arg2[%dma_start3A_63, %dma_start3A_64] : memref<1000000x128xf32, #tpu.memory_space<hbm>> -> memref<1000000x128xf32, #tpu.memory_space<hbm>>
    %dma_start3A_66 = tpu.memref_slice %arg7[%dma_start3A_53] : memref<8x!tpu.dma_semaphore, #tpu.memory_space<semaphore_mem>> -> memref<1x!tpu.dma_semaphore, #tpu.memory_space<semaphore_mem>>
    %dma_start3A_67 = tpu.memref_squeeze %dma_start3A_66 : memref<1x!tpu.dma_semaphore, #tpu.memory_space<semaphore_mem>> -> memref<!tpu.dma_semaphore, #tpu.memory_space<semaphore_mem>>
    tpu.enqueue_indirect_dma source(%dma_start3A_65 : memref<1000000x128xf32, #tpu.memory_space<hbm>>) target(%dma_start3A_60 : memref<72x128xf32, #tpu.memory_space<vmem>>) offsets(%dma_start3A_62 : memref<72xi32, #tpu.memory_space<vmem>>) semaphore(%dma_start3A_67 : memref<!tpu.dma_semaphore, #tpu.memory_space<semaphore_mem>>)
    %scan3A = arith.constant 0 : i32
    %scan3A_68 = arith.constant 32 : i32
    %scan3A_69 = arith.addi %scan3A, %scan3A_68 : i32
    %scan3A_70 = arith.constant 1 : i32
    scf.for %scan3A_551 = %scan3A to %scan3A_69 step %scan3A_70  : i32 {
      %mul3A_552 = arith.constant 4 : i32
      %mul3A_553 = arith.muli %scan3A_551, %mul3A_552 : i32
      %add3A_554 = arith.constant 0 : i32
      %add3A_555 = arith.addi %add3A_554, %mul3A_553 : i32
      %add3A_556 = arith.constant 0 : i32
      %add3A_557 = arith.addi %add3A_555, %add3A_556 : i32
      %dma_wait3A_558 = arith.constant 0 : i32
      %dma_wait3A_559 = arith.constant 0 : i32
      %dma_wait3A_560 = arith.constant 0 : i32
      %dma_wait3A_561 = arith.constant 0 : i32
      %dma_wait3A_562 = tpu.memref_slice %arg6[%dma_wait3A_558, %dma_wait3A_560, %dma_wait3A_561] : memref<4x200x128xf32, #tpu.memory_space<vmem>> -> memref<1x200x128xf32, #tpu.memory_space<vmem>>
      %dma_wait3A_563 = tpu.memref_squeeze %dma_wait3A_562 : memref<1x200x128xf32, #tpu.memory_space<vmem>> -> memref<200x128xf32, #tpu.memory_space<vmem>>
      %dma_wait3A_564 = arith.constant 0 : i32
      %dma_wait3A_565 = arith.constant 0 : i32
      %dma_wait3A_566 = tpu.memref_slice %dma_wait3A_563[%dma_wait3A_564, %dma_wait3A_565] : memref<200x128xf32, #tpu.memory_space<vmem>> -> memref<128x128xf32, #tpu.memory_space<vmem>>
      %dma_wait3A_567 = arith.constant 0 : i32
      %dma_wait3A_568 = tpu.memref_slice %arg5[%dma_wait3A_567] : memref<25600xi32, #tpu.memory_space<vmem>> -> memref<128xi32, #tpu.memory_space<vmem>>
      %dma_wait3A_569 = arith.constant 0 : i32
      %dma_wait3A_570 = arith.constant 0 : i32
      %dma_wait3A_571 = tpu.memref_slice %arg2[%dma_wait3A_569, %dma_wait3A_570] : memref<1000000x128xf32, #tpu.memory_space<hbm>> -> memref<1000000x128xf32, #tpu.memory_space<hbm>>
      %dma_wait3A_572 = tpu.memref_slice %arg7[%dma_wait3A_559] : memref<8x!tpu.dma_semaphore, #tpu.memory_space<semaphore_mem>> -> memref<1x!tpu.dma_semaphore, #tpu.memory_space<semaphore_mem>>
      %dma_wait3A_573 = tpu.memref_squeeze %dma_wait3A_572 : memref<1x!tpu.dma_semaphore, #tpu.memory_space<semaphore_mem>> -> memref<!tpu.dma_semaphore, #tpu.memory_space<semaphore_mem>>
      tpu.wait_indirect_dma semaphore(%dma_wait3A_573 : memref<!tpu.dma_semaphore, #tpu.memory_space<semaphore_mem>>) src(%dma_wait3A_571 : memref<1000000x128xf32, #tpu.memory_space<hbm>>) dst(%dma_wait3A_566 : memref<128x128xf32, #tpu.memory_space<vmem>>)
      %dma_wait3A_574 = arith.constant 0 : i32
      %dma_wait3A_575 = arith.constant 1 : i32
      %dma_wait3A_576 = arith.constant 0 : i32
      %dma_wait3A_577 = arith.constant 0 : i32
      %dma_wait3A_578 = tpu.memref_slice %arg6[%dma_wait3A_574, %dma_wait3A_576, %dma_wait3A_577] : memref<4x200x128xf32, #tpu.memory_space<vmem>> -> memref<1x200x128xf32, #tpu.memory_space<vmem>>
      %dma_wait3A_579 = tpu.memref_squeeze %dma_wait3A_578 : memref<1x200x128xf32, #tpu.memory_space<vmem>> -> memref<200x128xf32, #tpu.memory_space<vmem>>
      %dma_wait3A_580 = arith.constant 128 : i32
      %dma_wait3A_581 = arith.constant 0 : i32
      %dma_wait3A_582 = tpu.memref_slice %dma_wait3A_579[%dma_wait3A_580, %dma_wait3A_581] : memref<200x128xf32, #tpu.memory_space<vmem>> -> memref<72x128xf32, #tpu.memory_space<vmem>>
      %dma_wait3A_583 = arith.constant 128 : i32
      %dma_wait3A_584 = tpu.memref_slice %arg5[%dma_wait3A_583] : memref<25600xi32, #tpu.memory_space<vmem>> -> memref<72xi32, #tpu.memory_space<vmem>>
      %dma_wait3A_585 = arith.constant 0 : i32
      %dma_wait3A_586 = arith.constant 0 : i32
      %dma_wait3A_587 = tpu.memref_slice %arg2[%dma_wait3A_585, %dma_wait3A_586] : memref<1000000x128xf32, #tpu.memory_space<hbm>> -> memref<1000000x128xf32, #tpu.memory_space<hbm>>
      %dma_wait3A_588 = tpu.memref_slice %arg7[%dma_wait3A_575] : memref<8x!tpu.dma_semaphore, #tpu.memory_space<semaphore_mem>> -> memref<1x!tpu.dma_semaphore, #tpu.memory_space<semaphore_mem>>
      %dma_wait3A_589 = tpu.memref_squeeze %dma_wait3A_588 : memref<1x!tpu.dma_semaphore, #tpu.memory_space<semaphore_mem>> -> memref<!tpu.dma_semaphore, #tpu.memory_space<semaphore_mem>>
      tpu.wait_indirect_dma semaphore(%dma_wait3A_589 : memref<!tpu.dma_semaphore, #tpu.memory_space<semaphore_mem>>) src(%dma_wait3A_587 : memref<1000000x128xf32, #tpu.memory_space<hbm>>) dst(%dma_wait3A_582 : memref<72x128xf32, #tpu.memory_space<vmem>>)
      %mul3A_590 = arith.constant 4 : i32
      %mul3A_591 = arith.muli %add3A_557, %mul3A_590 : i32
      %add3A_592 = arith.addi %mul3A_4, %mul3A_591 : i32
      %add3A_593 = arith.constant 0 : i32
      %add3A_594 = arith.addi %add3A_592, %add3A_593 : i32
      %dma_start3A_595 = arith.constant 0 : i32
      %dma_start3A_596 = arith.constant 0 : i32
      %dma_start3A_597 = arith.constant 0 : i32
      %dma_start3A_598 = arith.constant 0 : i32
      %dma_start3A_599 = tpu.memref_slice %arg6[%dma_start3A_595, %dma_start3A_597, %dma_start3A_598] : memref<4x200x128xf32, #tpu.memory_space<vmem>> -> memref<1x200x128xf32, #tpu.memory_space<vmem>>
      %dma_start3A_600 = tpu.memref_squeeze %dma_start3A_599 : memref<1x200x128xf32, #tpu.memory_space<vmem>> -> memref<200x128xf32, #tpu.memory_space<vmem>>
      %dma_start3A_601 = arith.constant 0 : i32
      %dma_start3A_602 = arith.constant 0 : i32
      %dma_start3A_603 = tpu.memref_slice %dma_start3A_600[%dma_start3A_601, %dma_start3A_602] : memref<200x128xf32, #tpu.memory_space<vmem>> -> memref<50x128xf32, #tpu.memory_space<vmem>>
      %dma_start3A_604 = arith.constant 0 : i32
      %dma_start3A_605 = arith.constant 0 : i32
      %dma_start3A_606 = tpu.memref_slice %arg4[%add3A_594, %dma_start3A_604, %dma_start3A_605] : memref<16384x56x128xf32, #tpu.memory_space<hbm>> -> memref<1x50x128xf32, #tpu.memory_space<hbm>>
      %dma_start3A_607 = tpu.memref_squeeze %dma_start3A_606 : memref<1x50x128xf32, #tpu.memory_space<hbm>> -> memref<50x128xf32, #tpu.memory_space<hbm>>
      %dma_start3A_608 = tpu.memref_slice %arg8[%dma_start3A_596] : memref<16x!tpu.dma_semaphore, #tpu.memory_space<semaphore_mem>> -> memref<1x!tpu.dma_semaphore, #tpu.memory_space<semaphore_mem>>
      %dma_start3A_609 = tpu.memref_squeeze %dma_start3A_608 : memref<1x!tpu.dma_semaphore, #tpu.memory_space<semaphore_mem>> -> memref<!tpu.dma_semaphore, #tpu.memory_space<semaphore_mem>>
      %dma_start3A_610 = arith.constant 0 : i32
      %dma_start3A_611 = arith.constant 0 : i32
      %dma_start3A_612 = tpu.memref_slice %arg4[%add3A_594, %dma_start3A_610, %dma_start3A_611] : memref<16384x56x128xf32, #tpu.memory_space<hbm>> -> memref<1x50x128xf32, #tpu.memory_space<hbm>>
      %dma_start3A_613 = tpu.memref_squeeze %dma_start3A_612 : memref<1x50x128xf32, #tpu.memory_space<hbm>> -> memref<50x128xf32, #tpu.memory_space<hbm>>
      %dma_start3A_614 = arith.constant 0 : i32
      %dma_start3A_615 = arith.constant 0 : i32
      %dma_start3A_616 = tpu.memref_slice %arg6[%dma_start3A_595, %dma_start3A_614, %dma_start3A_615] : memref<4x200x128xf32, #tpu.memory_space<vmem>> -> memref<1x200x128xf32, #tpu.memory_space<vmem>>
      %dma_start3A_617 = tpu.memref_squeeze %dma_start3A_616 : memref<1x200x128xf32, #tpu.memory_space<vmem>> -> memref<200x128xf32, #tpu.memory_space<vmem>>
      %dma_start3A_618 = arith.constant 0 : i32
      %dma_start3A_619 = arith.constant 0 : i32
      %dma_start3A_620 = tpu.memref_slice %dma_start3A_617[%dma_start3A_618, %dma_start3A_619] : memref<200x128xf32, #tpu.memory_space<vmem>> -> memref<50x128xf32, #tpu.memory_space<vmem>>
      tpu.enqueue_dma source(%dma_start3A_620 : memref<50x128xf32, #tpu.memory_space<vmem>>) target(%dma_start3A_613 : memref<50x128xf32, #tpu.memory_space<hbm>>) target_semaphore(%dma_start3A_609 : memref<!tpu.dma_semaphore, #tpu.memory_space<semaphore_mem>>)
      %mul3A_621 = arith.constant 4 : i32
      %mul3A_622 = arith.muli %add3A_557, %mul3A_621 : i32
      %add3A_623 = arith.addi %mul3A_4, %mul3A_622 : i32
      %add3A_624 = arith.constant 1 : i32
      %add3A_625 = arith.addi %add3A_623, %add3A_624 : i32
      %dma_start3A_626 = arith.constant 0 : i32
      %dma_start3A_627 = arith.constant 1 : i32
      %dma_start3A_628 = arith.constant 0 : i32
      %dma_start3A_629 = arith.constant 0 : i32
      %dma_start3A_630 = tpu.memref_slice %arg6[%dma_start3A_626, %dma_start3A_628, %dma_start3A_629] : memref<4x200x128xf32, #tpu.memory_space<vmem>> -> memref<1x200x128xf32, #tpu.memory_space<vmem>>
      %dma_start3A_631 = tpu.memref_squeeze %dma_start3A_630 : memref<1x200x128xf32, #tpu.memory_space<vmem>> -> memref<200x128xf32, #tpu.memory_space<vmem>>
      %dma_start3A_632 = arith.constant 50 : i32
      %dma_start3A_633 = arith.constant 0 : i32
      %dma_start3A_634 = tpu.memref_slice %dma_start3A_631[%dma_start3A_632, %dma_start3A_633] : memref<200x128xf32, #tpu.memory_space<vmem>> -> memref<50x128xf32, #tpu.memory_space<vmem>>
      %dma_start3A_635 = arith.constant 0 : i32
      %dma_start3A_636 = arith.constant 0 : i32
      %dma_start3A_637 = tpu.memref_slice %arg4[%add3A_625, %dma_start3A_635, %dma_start3A_636] : memref<16384x56x128xf32, #tpu.memory_space<hbm>> -> memref<1x50x128xf32, #tpu.memory_space<hbm>>
      %dma_start3A_638 = tpu.memref_squeeze %dma_start3A_637 : memref<1x50x128xf32, #tpu.memory_space<hbm>> -> memref<50x128xf32, #tpu.memory_space<hbm>>
      %dma_start3A_639 = tpu.memref_slice %arg8[%dma_start3A_627] : memref<16x!tpu.dma_semaphore, #tpu.memory_space<semaphore_mem>> -> memref<1x!tpu.dma_semaphore, #tpu.memory_space<semaphore_mem>>
      %dma_start3A_640 = tpu.memref_squeeze %dma_start3A_639 : memref<1x!tpu.dma_semaphore, #tpu.memory_space<semaphore_mem>> -> memref<!tpu.dma_semaphore, #tpu.memory_space<semaphore_mem>>
      %dma_start3A_641 = arith.constant 0 : i32
      %dma_start3A_642 = arith.constant 0 : i32
      %dma_start3A_643 = tpu.memref_slice %arg4[%add3A_625, %dma_start3A_641, %dma_start3A_642] : memref<16384x56x128xf32, #tpu.memory_space<hbm>> -> memref<1x50x128xf32, #tpu.memory_space<hbm>>
      %dma_start3A_644 = tpu.memref_squeeze %dma_start3A_643 : memref<1x50x128xf32, #tpu.memory_space<hbm>> -> memref<50x128xf32, #tpu.memory_space<hbm>>
      %dma_start3A_645 = arith.constant 0 : i32
      %dma_start3A_646 = arith.constant 0 : i32
      %dma_start3A_647 = tpu.memref_slice %arg6[%dma_start3A_626, %dma_start3A_645, %dma_start3A_646] : memref<4x200x128xf32, #tpu.memory_space<vmem>> -> memref<1x200x128xf32, #tpu.memory_space<vmem>>
      %dma_start3A_648 = tpu.memref_squeeze %dma_start3A_647 : memref<1x200x128xf32, #tpu.memory_space<vmem>> -> memref<200x128xf32, #tpu.memory_space<vmem>>
      %dma_start3A_649 = arith.constant 50 : i32
      %dma_start3A_650 = arith.constant 0 : i32
      %dma_start3A_651 = tpu.memref_slice %dma_start3A_648[%dma_start3A_649, %dma_start3A_650] : memref<200x128xf32, #tpu.memory_space<vmem>> -> memref<50x128xf32, #tpu.memory_space<vmem>>
      tpu.enqueue_dma source(%dma_start3A_651 : memref<50x128xf32, #tpu.memory_space<vmem>>) target(%dma_start3A_644 : memref<50x128xf32, #tpu.memory_space<hbm>>) target_semaphore(%dma_start3A_640 : memref<!tpu.dma_semaphore, #tpu.memory_space<semaphore_mem>>)
      %mul3A_652 = arith.constant 4 : i32
      %mul3A_653 = arith.muli %add3A_557, %mul3A_652 : i32
      %add3A_654 = arith.addi %mul3A_4, %mul3A_653 : i32
      %add3A_655 = arith.constant 2 : i32
      %add3A_656 = arith.addi %add3A_654, %add3A_655 : i32
      %dma_start3A_657 = arith.constant 0 : i32
      %dma_start3A_658 = arith.constant 2 : i32
      %dma_start3A_659 = arith.constant 0 : i32
      %dma_start3A_660 = arith.constant 0 : i32
      %dma_start3A_661 = tpu.memref_slice %arg6[%dma_start3A_657, %dma_start3A_659, %dma_start3A_660] : memref<4x200x128xf32, #tpu.memory_space<vmem>> -> memref<1x200x128xf32, #tpu.memory_space<vmem>>
      %dma_start3A_662 = tpu.memref_squeeze %dma_start3A_661 : memref<1x200x128xf32, #tpu.memory_space<vmem>> -> memref<200x128xf32, #tpu.memory_space<vmem>>
      %dma_start3A_663 = arith.constant 100 : i32
      %dma_start3A_664 = arith.constant 0 : i32
      %dma_start3A_665 = tpu.memref_slice %dma_start3A_662[%dma_start3A_663, %dma_start3A_664] : memref<200x128xf32, #tpu.memory_space<vmem>> -> memref<50x128xf32, #tpu.memory_space<vmem>>
      %dma_start3A_666 = arith.constant 0 : i32
      %dma_start3A_667 = arith.constant 0 : i32
      %dma_start3A_668 = tpu.memref_slice %arg4[%add3A_656, %dma_start3A_666, %dma_start3A_667] : memref<16384x56x128xf32, #tpu.memory_space<hbm>> -> memref<1x50x128xf32, #tpu.memory_space<hbm>>
      %dma_start3A_669 = tpu.memref_squeeze %dma_start3A_668 : memref<1x50x128xf32, #tpu.memory_space<hbm>> -> memref<50x128xf32, #tpu.memory_space<hbm>>
      %dma_start3A_670 = tpu.memref_slice %arg8[%dma_start3A_658] : memref<16x!tpu.dma_semaphore, #tpu.memory_space<semaphore_mem>> -> memref<1x!tpu.dma_semaphore, #tpu.memory_space<semaphore_mem>>
      %dma_start3A_671 = tpu.memref_squeeze %dma_start3A_670 : memref<1x!tpu.dma_semaphore, #tpu.memory_space<semaphore_mem>> -> memref<!tpu.dma_semaphore, #tpu.memory_space<semaphore_mem>>
      %dma_start3A_672 = arith.constant 0 : i32
      %dma_start3A_673 = arith.constant 0 : i32
      %dma_start3A_674 = tpu.memref_slice %arg4[%add3A_656, %dma_start3A_672, %dma_start3A_673] : memref<16384x56x128xf32, #tpu.memory_space<hbm>> -> memref<1x50x128xf32, #tpu.memory_space<hbm>>
      %dma_start3A_675 = tpu.memref_squeeze %dma_start3A_674 : memref<1x50x128xf32, #tpu.memory_space<hbm>> -> memref<50x128xf32, #tpu.memory_space<hbm>>
      %dma_start3A_676 = arith.constant 0 : i32
      %dma_start3A_677 = arith.constant 0 : i32
      %dma_start3A_678 = tpu.memref_slice %arg6[%dma_start3A_657, %dma_start3A_676, %dma_start3A_677] : memref<4x200x128xf32, #tpu.memory_space<vmem>> -> memref<1x200x128xf32, #tpu.memory_space<vmem>>
      %dma_start3A_679 = tpu.memref_squeeze %dma_start3A_678 : memref<1x200x128xf32, #tpu.memory_space<vmem>> -> memref<200x128xf32, #tpu.memory_space<vmem>>
      %dma_start3A_680 = arith.constant 100 : i32
      %dma_start3A_681 = arith.constant 0 : i32
      %dma_start3A_682 = tpu.memref_slice %dma_start3A_679[%dma_start3A_680, %dma_start3A_681] : memref<200x128xf32, #tpu.memory_space<vmem>> -> memref<50x128xf32, #tpu.memory_space<vmem>>
      tpu.enqueue_dma source(%dma_start3A_682 : memref<50x128xf32, #tpu.memory_space<vmem>>) target(%dma_start3A_675 : memref<50x128xf32, #tpu.memory_space<hbm>>) target_semaphore(%dma_start3A_671 : memref<!tpu.dma_semaphore, #tpu.memory_space<semaphore_mem>>)
      %mul3A_683 = arith.constant 4 : i32
      %mul3A_684 = arith.muli %add3A_557, %mul3A_683 : i32
      %add3A_685 = arith.addi %mul3A_4, %mul3A_684 : i32
      %add3A_686 = arith.constant 3 : i32
      %add3A_687 = arith.addi %add3A_685, %add3A_686 : i32
      %dma_start3A_688 = arith.constant 0 : i32
      %dma_start3A_689 = arith.constant 3 : i32
      %dma_start3A_690 = arith.constant 0 : i32
      %dma_start3A_691 = arith.constant 0 : i32
      %dma_start3A_692 = tpu.memref_slice %arg6[%dma_start3A_688, %dma_start3A_690, %dma_start3A_691] : memref<4x200x128xf32, #tpu.memory_space<vmem>> -> memref<1x200x128xf32, #tpu.memory_space<vmem>>
      %dma_start3A_693 = tpu.memref_squeeze %dma_start3A_692 : memref<1x200x128xf32, #tpu.memory_space<vmem>> -> memref<200x128xf32, #tpu.memory_space<vmem>>
      %dma_start3A_694 = arith.constant 150 : i32
      %dma_start3A_695 = arith.constant 0 : i32
      %dma_start3A_696 = tpu.memref_slice %dma_start3A_693[%dma_start3A_694, %dma_start3A_695] : memref<200x128xf32, #tpu.memory_space<vmem>> -> memref<50x128xf32, #tpu.memory_space<vmem>>
      %dma_start3A_697 = arith.constant 0 : i32
      %dma_start3A_698 = arith.constant 0 : i32
      %dma_start3A_699 = tpu.memref_slice %arg4[%add3A_687, %dma_start3A_697, %dma_start3A_698] : memref<16384x56x128xf32, #tpu.memory_space<hbm>> -> memref<1x50x128xf32, #tpu.memory_space<hbm>>
      %dma_start3A_700 = tpu.memref_squeeze %dma_start3A_699 : memref<1x50x128xf32, #tpu.memory_space<hbm>> -> memref<50x128xf32, #tpu.memory_space<hbm>>
      %dma_start3A_701 = tpu.memref_slice %arg8[%dma_start3A_689] : memref<16x!tpu.dma_semaphore, #tpu.memory_space<semaphore_mem>> -> memref<1x!tpu.dma_semaphore, #tpu.memory_space<semaphore_mem>>
      %dma_start3A_702 = tpu.memref_squeeze %dma_start3A_701 : memref<1x!tpu.dma_semaphore, #tpu.memory_space<semaphore_mem>> -> memref<!tpu.dma_semaphore, #tpu.memory_space<semaphore_mem>>
      %dma_start3A_703 = arith.constant 0 : i32
      %dma_start3A_704 = arith.constant 0 : i32
      %dma_start3A_705 = tpu.memref_slice %arg4[%add3A_687, %dma_start3A_703, %dma_start3A_704] : memref<16384x56x128xf32, #tpu.memory_space<hbm>> -> memref<1x50x128xf32, #tpu.memory_space<hbm>>
      %dma_start3A_706 = tpu.memref_squeeze %dma_start3A_705 : memref<1x50x128xf32, #tpu.memory_space<hbm>> -> memref<50x128xf32, #tpu.memory_space<hbm>>
      %dma_start3A_707 = arith.constant 0 : i32
      %dma_start3A_708 = arith.constant 0 : i32
      %dma_start3A_709 = tpu.memref_slice %arg6[%dma_start3A_688, %dma_start3A_707, %dma_start3A_708] : memref<4x200x128xf32, #tpu.memory_space<vmem>> -> memref<1x200x128xf32, #tpu.memory_space<vmem>>
      %dma_start3A_710 = tpu.memref_squeeze %dma_start3A_709 : memref<1x200x128xf32, #tpu.memory_space<vmem>> -> memref<200x128xf32, #tpu.memory_space<vmem>>
      %dma_start3A_711 = arith.constant 150 : i32
      %dma_start3A_712 = arith.constant 0 : i32
      %dma_start3A_713 = tpu.memref_slice %dma_start3A_710[%dma_start3A_711, %dma_start3A_712] : memref<200x128xf32, #tpu.memory_space<vmem>> -> memref<50x128xf32, #tpu.memory_space<vmem>>
      tpu.enqueue_dma source(%dma_start3A_713 : memref<50x128xf32, #tpu.memory_space<vmem>>) target(%dma_start3A_706 : memref<50x128xf32, #tpu.memory_space<hbm>>) target_semaphore(%dma_start3A_702 : memref<!tpu.dma_semaphore, #tpu.memory_space<semaphore_mem>>)
      %add3A_714 = arith.constant 2 : i32
      %add3A_715 = arith.addi %add3A_557, %add3A_714 : i32
      %lt3A = arith.constant 128 : i32
      %lt3A_716 = arith.cmpi slt, %add3A_715, %lt3A : i32
      %ge3A = arith.constant 4 : i32
      %ge3A_717 = arith.cmpi sge, %add3A_715, %ge3A : i32
      %and3A = arith.andi %lt3A_716, %ge3A_717 : i1
      %convert_element_type3A = arith.extui %and3A : i1 to i32
      %cond3A = arith.constant 0 : i32
      %cond3A_718 = arith.cmpi ne, %convert_element_type3A, %cond3A : i32
      scf.if %cond3A_718 {
        %add3A_1243 = arith.constant 0 : i32
        %add3A_1244 = arith.addi %mul3A_4, %add3A_1243 : i32
        %add3A_1245 = arith.constant 0 : i32
        %add3A_1246 = arith.addi %add3A_1244, %add3A_1245 : i32
        %dma_wait3A_1247 = arith.constant 2 : i32
        %dma_wait3A_1248 = arith.constant 8 : i32
        %dma_wait3A_1249 = arith.constant 0 : i32
        %dma_wait3A_1250 = arith.constant 0 : i32
        %dma_wait3A_1251 = tpu.memref_slice %arg6[%dma_wait3A_1247, %dma_wait3A_1249, %dma_wait3A_1250] : memref<4x200x128xf32, #tpu.memory_space<vmem>> -> memref<1x200x128xf32, #tpu.memory_space<vmem>>
        %dma_wait3A_1252 = tpu.memref_squeeze %dma_wait3A_1251 : memref<1x200x128xf32, #tpu.memory_space<vmem>> -> memref<200x128xf32, #tpu.memory_space<vmem>>
        %dma_wait3A_1253 = arith.constant 0 : i32
        %dma_wait3A_1254 = arith.constant 0 : i32
        %dma_wait3A_1255 = tpu.memref_slice %dma_wait3A_1252[%dma_wait3A_1253, %dma_wait3A_1254] : memref<200x128xf32, #tpu.memory_space<vmem>> -> memref<50x128xf32, #tpu.memory_space<vmem>>
        %dma_wait3A_1256 = arith.constant 0 : i32
        %dma_wait3A_1257 = arith.constant 0 : i32
        %dma_wait3A_1258 = tpu.memref_slice %arg4[%add3A_1246, %dma_wait3A_1256, %dma_wait3A_1257] : memref<16384x56x128xf32, #tpu.memory_space<hbm>> -> memref<1x50x128xf32, #tpu.memory_space<hbm>>
        %dma_wait3A_1259 = tpu.memref_squeeze %dma_wait3A_1258 : memref<1x50x128xf32, #tpu.memory_space<hbm>> -> memref<50x128xf32, #tpu.memory_space<hbm>>
        %dma_wait3A_1260 = tpu.memref_slice %arg8[%dma_wait3A_1248] : memref<16x!tpu.dma_semaphore, #tpu.memory_space<semaphore_mem>> -> memref<1x!tpu.dma_semaphore, #tpu.memory_space<semaphore_mem>>
        %dma_wait3A_1261 = tpu.memref_squeeze %dma_wait3A_1260 : memref<1x!tpu.dma_semaphore, #tpu.memory_space<semaphore_mem>> -> memref<!tpu.dma_semaphore, #tpu.memory_space<semaphore_mem>>
        %dma_wait3A_1262 = arith.constant 0 : i32
        %dma_wait3A_1263 = arith.constant 0 : i32
        %dma_wait3A_1264 = tpu.memref_slice %arg4[%add3A_1246, %dma_wait3A_1262, %dma_wait3A_1263] : memref<16384x56x128xf32, #tpu.memory_space<hbm>> -> memref<1x50x128xf32, #tpu.memory_space<hbm>>
        %dma_wait3A_1265 = tpu.memref_squeeze %dma_wait3A_1264 : memref<1x50x128xf32, #tpu.memory_space<hbm>> -> memref<50x128xf32, #tpu.memory_space<hbm>>
        %dma_wait3A_1266 = arith.constant 0 : i32
        %dma_wait3A_1267 = arith.constant 0 : i32
        %dma_wait3A_1268 = tpu.memref_slice %arg6[%dma_wait3A_1247, %dma_wait3A_1266, %dma_wait3A_1267] : memref<4x200x128xf32, #tpu.memory_space<vmem>> -> memref<1x200x128xf32, #tpu.memory_space<vmem>>
        %dma_wait3A_1269 = tpu.memref_squeeze %dma_wait3A_1268 : memref<1x200x128xf32, #tpu.memory_space<vmem>> -> memref<200x128xf32, #tpu.memory_space<vmem>>
        %dma_wait3A_1270 = arith.constant 0 : i32
        %dma_wait3A_1271 = arith.constant 0 : i32
        %dma_wait3A_1272 = tpu.memref_slice %dma_wait3A_1269[%dma_wait3A_1270, %dma_wait3A_1271] : memref<200x128xf32, #tpu.memory_space<vmem>> -> memref<50x128xf32, #tpu.memory_space<vmem>>
        tpu.wait_dma2 semaphore(%dma_wait3A_1261 : memref<!tpu.dma_semaphore, #tpu.memory_space<semaphore_mem>>) src(%dma_wait3A_1272 : memref<50x128xf32, #tpu.memory_space<vmem>>) dst(%dma_wait3A_1265 : memref<50x128xf32, #tpu.memory_space<hbm>>)
        %add3A_1273 = arith.constant 0 : i32
        %add3A_1274 = arith.addi %mul3A_4, %add3A_1273 : i32
        %add3A_1275 = arith.constant 1 : i32
        %add3A_1276 = arith.addi %add3A_1274, %add3A_1275 : i32
        %dma_wait3A_1277 = arith.constant 2 : i32
        %dma_wait3A_1278 = arith.constant 9 : i32
        %dma_wait3A_1279 = arith.constant 0 : i32
        %dma_wait3A_1280 = arith.constant 0 : i32
        %dma_wait3A_1281 = tpu.memref_slice %arg6[%dma_wait3A_1277, %dma_wait3A_1279, %dma_wait3A_1280] : memref<4x200x128xf32, #tpu.memory_space<vmem>> -> memref<1x200x128xf32, #tpu.memory_space<vmem>>
        %dma_wait3A_1282 = tpu.memref_squeeze %dma_wait3A_1281 : memref<1x200x128xf32, #tpu.memory_space<vmem>> -> memref<200x128xf32, #tpu.memory_space<vmem>>
        %dma_wait3A_1283 = arith.constant 50 : i32
        %dma_wait3A_1284 = arith.constant 0 : i32
        %dma_wait3A_1285 = tpu.memref_slice %dma_wait3A_1282[%dma_wait3A_1283, %dma_wait3A_1284] : memref<200x128xf32, #tpu.memory_space<vmem>> -> memref<50x128xf32, #tpu.memory_space<vmem>>
        %dma_wait3A_1286 = arith.constant 0 : i32
        %dma_wait3A_1287 = arith.constant 0 : i32
        %dma_wait3A_1288 = tpu.memref_slice %arg4[%add3A_1276, %dma_wait3A_1286, %dma_wait3A_1287] : memref<16384x56x128xf32, #tpu.memory_space<hbm>> -> memref<1x50x128xf32, #tpu.memory_space<hbm>>
        %dma_wait3A_1289 = tpu.memref_squeeze %dma_wait3A_1288 : memref<1x50x128xf32, #tpu.memory_space<hbm>> -> memref<50x128xf32, #tpu.memory_space<hbm>>
        %dma_wait3A_1290 = tpu.memref_slice %arg8[%dma_wait3A_1278] : memref<16x!tpu.dma_semaphore, #tpu.memory_space<semaphore_mem>> -> memref<1x!tpu.dma_semaphore, #tpu.memory_space<semaphore_mem>>
        %dma_wait3A_1291 = tpu.memref_squeeze %dma_wait3A_1290 : memref<1x!tpu.dma_semaphore, #tpu.memory_space<semaphore_mem>> -> memref<!tpu.dma_semaphore, #tpu.memory_space<semaphore_mem>>
        %dma_wait3A_1292 = arith.constant 0 : i32
        %dma_wait3A_1293 = arith.constant 0 : i32
        %dma_wait3A_1294 = tpu.memref_slice %arg4[%add3A_1276, %dma_wait3A_1292, %dma_wait3A_1293] : memref<16384x56x128xf32, #tpu.memory_space<hbm>> -> memref<1x50x128xf32, #tpu.memory_space<hbm>>
        %dma_wait3A_1295 = tpu.memref_squeeze %dma_wait3A_1294 : memref<1x50x128xf32, #tpu.memory_space<hbm>> -> memref<50x128xf32, #tpu.memory_space<hbm>>
        %dma_wait3A_1296 = arith.constant 0 : i32
        %dma_wait3A_1297 = arith.constant 0 : i32
        %dma_wait3A_1298 = tpu.memref_slice %arg6[%dma_wait3A_1277, %dma_wait3A_1296, %dma_wait3A_1297] : memref<4x200x128xf32, #tpu.memory_space<vmem>> -> memref<1x200x128xf32, #tpu.memory_space<vmem>>
        %dma_wait3A_1299 = tpu.memref_squeeze %dma_wait3A_1298 : memref<1x200x128xf32, #tpu.memory_space<vmem>> -> memref<200x128xf32, #tpu.memory_space<vmem>>
        %dma_wait3A_1300 = arith.constant 50 : i32
        %dma_wait3A_1301 = arith.constant 0 : i32
        %dma_wait3A_1302 = tpu.memref_slice %dma_wait3A_1299[%dma_wait3A_1300, %dma_wait3A_1301] : memref<200x128xf32, #tpu.memory_space<vmem>> -> memref<50x128xf32, #tpu.memory_space<vmem>>
        tpu.wait_dma2 semaphore(%dma_wait3A_1291 : memref<!tpu.dma_semaphore, #tpu.memory_space<semaphore_mem>>) src(%dma_wait3A_1302 : memref<50x128xf32, #tpu.memory_space<vmem>>) dst(%dma_wait3A_1295 : memref<50x128xf32, #tpu.memory_space<hbm>>)
        %add3A_1303 = arith.constant 0 : i32
        %add3A_1304 = arith.addi %mul3A_4, %add3A_1303 : i32
        %add3A_1305 = arith.constant 2 : i32
        %add3A_1306 = arith.addi %add3A_1304, %add3A_1305 : i32
        %dma_wait3A_1307 = arith.constant 2 : i32
        %dma_wait3A_1308 = arith.constant 10 : i32
        %dma_wait3A_1309 = arith.constant 0 : i32
        %dma_wait3A_1310 = arith.constant 0 : i32
        %dma_wait3A_1311 = tpu.memref_slice %arg6[%dma_wait3A_1307, %dma_wait3A_1309, %dma_wait3A_1310] : memref<4x200x128xf32, #tpu.memory_space<vmem>> -> memref<1x200x128xf32, #tpu.memory_space<vmem>>
        %dma_wait3A_1312 = tpu.memref_squeeze %dma_wait3A_1311 : memref<1x200x128xf32, #tpu.memory_space<vmem>> -> memref<200x128xf32, #tpu.memory_space<vmem>>
        %dma_wait3A_1313 = arith.constant 100 : i32
        %dma_wait3A_1314 = arith.constant 0 : i32
        %dma_wait3A_1315 = tpu.memref_slice %dma_wait3A_1312[%dma_wait3A_1313, %dma_wait3A_1314] : memref<200x128xf32, #tpu.memory_space<vmem>> -> memref<50x128xf32, #tpu.memory_space<vmem>>
        %dma_wait3A_1316 = arith.constant 0 : i32
        %dma_wait3A_1317 = arith.constant 0 : i32
        %dma_wait3A_1318 = tpu.memref_slice %arg4[%add3A_1306, %dma_wait3A_1316, %dma_wait3A_1317] : memref<16384x56x128xf32, #tpu.memory_space<hbm>> -> memref<1x50x128xf32, #tpu.memory_space<hbm>>
        %dma_wait3A_1319 = tpu.memref_squeeze %dma_wait3A_1318 : memref<1x50x128xf32, #tpu.memory_space<hbm>> -> memref<50x128xf32, #tpu.memory_space<hbm>>
        %dma_wait3A_1320 = tpu.memref_slice %arg8[%dma_wait3A_1308] : memref<16x!tpu.dma_semaphore, #tpu.memory_space<semaphore_mem>> -> memref<1x!tpu.dma_semaphore, #tpu.memory_space<semaphore_mem>>
        %dma_wait3A_1321 = tpu.memref_squeeze %dma_wait3A_1320 : memref<1x!tpu.dma_semaphore, #tpu.memory_space<semaphore_mem>> -> memref<!tpu.dma_semaphore, #tpu.memory_space<semaphore_mem>>
        %dma_wait3A_1322 = arith.constant 0 : i32
        %dma_wait3A_1323 = arith.constant 0 : i32
        %dma_wait3A_1324 = tpu.memref_slice %arg4[%add3A_1306, %dma_wait3A_1322, %dma_wait3A_1323] : memref<16384x56x128xf32, #tpu.memory_space<hbm>> -> memref<1x50x128xf32, #tpu.memory_space<hbm>>
        %dma_wait3A_1325 = tpu.memref_squeeze %dma_wait3A_1324 : memref<1x50x128xf32, #tpu.memory_space<hbm>> -> memref<50x128xf32, #tpu.memory_space<hbm>>
        %dma_wait3A_1326 = arith.constant 0 : i32
        %dma_wait3A_1327 = arith.constant 0 : i32
        %dma_wait3A_1328 = tpu.memref_slice %arg6[%dma_wait3A_1307, %dma_wait3A_1326, %dma_wait3A_1327] : memref<4x200x128xf32, #tpu.memory_space<vmem>> -> memref<1x200x128xf32, #tpu.memory_space<vmem>>
        %dma_wait3A_1329 = tpu.memref_squeeze %dma_wait3A_1328 : memref<1x200x128xf32, #tpu.memory_space<vmem>> -> memref<200x128xf32, #tpu.memory_space<vmem>>
        %dma_wait3A_1330 = arith.constant 100 : i32
        %dma_wait3A_1331 = arith.constant 0 : i32
        %dma_wait3A_1332 = tpu.memref_slice %dma_wait3A_1329[%dma_wait3A_1330, %dma_wait3A_1331] : memref<200x128xf32, #tpu.memory_space<vmem>> -> memref<50x128xf32, #tpu.memory_space<vmem>>
        tpu.wait_dma2 semaphore(%dma_wait3A_1321 : memref<!tpu.dma_semaphore, #tpu.memory_space<semaphore_mem>>) src(%dma_wait3A_1332 : memref<50x128xf32, #tpu.memory_space<vmem>>) dst(%dma_wait3A_1325 : memref<50x128xf32, #tpu.memory_space<hbm>>)
        %add3A_1333 = arith.constant 0 : i32
        %add3A_1334 = arith.addi %mul3A_4, %add3A_1333 : i32
        %add3A_1335 = arith.constant 3 : i32
        %add3A_1336 = arith.addi %add3A_1334, %add3A_1335 : i32
        %dma_wait3A_1337 = arith.constant 2 : i32
        %dma_wait3A_1338 = arith.constant 11 : i32
        %dma_wait3A_1339 = arith.constant 0 : i32
        %dma_wait3A_1340 = arith.constant 0 : i32
        %dma_wait3A_1341 = tpu.memref_slice %arg6[%dma_wait3A_1337, %dma_wait3A_1339, %dma_wait3A_1340] : memref<4x200x128xf32, #tpu.memory_space<vmem>> -> memref<1x200x128xf32, #tpu.memory_space<vmem>>
        %dma_wait3A_1342 = tpu.memref_squeeze %dma_wait3A_1341 : memref<1x200x128xf32, #tpu.memory_space<vmem>> -> memref<200x128xf32, #tpu.memory_space<vmem>>
        %dma_wait3A_1343 = arith.constant 150 : i32
        %dma_wait3A_1344 = arith.constant 0 : i32
        %dma_wait3A_1345 = tpu.memref_slice %dma_wait3A_1342[%dma_wait3A_1343, %dma_wait3A_1344] : memref<200x128xf32, #tpu.memory_space<vmem>> -> memref<50x128xf32, #tpu.memory_space<vmem>>
        %dma_wait3A_1346 = arith.constant 0 : i32
        %dma_wait3A_1347 = arith.constant 0 : i32
        %dma_wait3A_1348 = tpu.memref_slice %arg4[%add3A_1336, %dma_wait3A_1346, %dma_wait3A_1347] : memref<16384x56x128xf32, #tpu.memory_space<hbm>> -> memref<1x50x128xf32, #tpu.memory_space<hbm>>
        %dma_wait3A_1349 = tpu.memref_squeeze %dma_wait3A_1348 : memref<1x50x128xf32, #tpu.memory_space<hbm>> -> memref<50x128xf32, #tpu.memory_space<hbm>>
        %dma_wait3A_1350 = tpu.memref_slice %arg8[%dma_wait3A_1338] : memref<16x!tpu.dma_semaphore, #tpu.memory_space<semaphore_mem>> -> memref<1x!tpu.dma_semaphore, #tpu.memory_space<semaphore_mem>>
        %dma_wait3A_1351 = tpu.memref_squeeze %dma_wait3A_1350 : memref<1x!tpu.dma_semaphore, #tpu.memory_space<semaphore_mem>> -> memref<!tpu.dma_semaphore, #tpu.memory_space<semaphore_mem>>
        %dma_wait3A_1352 = arith.constant 0 : i32
        %dma_wait3A_1353 = arith.constant 0 : i32
        %dma_wait3A_1354 = tpu.memref_slice %arg4[%add3A_1336, %dma_wait3A_1352, %dma_wait3A_1353] : memref<16384x56x128xf32, #tpu.memory_space<hbm>> -> memref<1x50x128xf32, #tpu.memory_space<hbm>>
        %dma_wait3A_1355 = tpu.memref_squeeze %dma_wait3A_1354 : memref<1x50x128xf32, #tpu.memory_space<hbm>> -> memref<50x128xf32, #tpu.memory_space<hbm>>
        %dma_wait3A_1356 = arith.constant 0 : i32
        %dma_wait3A_1357 = arith.constant 0 : i32
        %dma_wait3A_1358 = tpu.memref_slice %arg6[%dma_wait3A_1337, %dma_wait3A_1356, %dma_wait3A_1357] : memref<4x200x128xf32, #tpu.memory_space<vmem>> -> memref<1x200x128xf32, #tpu.memory_space<vmem>>
        %dma_wait3A_1359 = tpu.memref_squeeze %dma_wait3A_1358 : memref<1x200x128xf32, #tpu.memory_space<vmem>> -> memref<200x128xf32, #tpu.memory_space<vmem>>
        %dma_wait3A_1360 = arith.constant 150 : i32
        %dma_wait3A_1361 = arith.constant 0 : i32
        %dma_wait3A_1362 = tpu.memref_slice %dma_wait3A_1359[%dma_wait3A_1360, %dma_wait3A_1361] : memref<200x128xf32, #tpu.memory_space<vmem>> -> memref<50x128xf32, #tpu.memory_space<vmem>>
        tpu.wait_dma2 semaphore(%dma_wait3A_1351 : memref<!tpu.dma_semaphore, #tpu.memory_space<semaphore_mem>>) src(%dma_wait3A_1362 : memref<50x128xf32, #tpu.memory_space<vmem>>) dst(%dma_wait3A_1355 : memref<50x128xf32, #tpu.memory_space<hbm>>)
      } else {
      }
      %lt3A_719 = arith.constant 128 : i32
      %lt3A_720 = arith.cmpi slt, %add3A_715, %lt3A_719 : i32
      %convert_element_type3A_721 = arith.extui %lt3A_720 : i1 to i32
      %cond3A_722 = arith.constant 0 : i32
      %cond3A_723 = arith.cmpi ne, %convert_element_type3A_721, %cond3A_722 : i32
      scf.if %cond3A_723 {
        %mul3A_1243 = arith.constant 200 : i32
        %mul3A_1244 = arith.muli %add3A_715, %mul3A_1243 : i32
        %add3A_1245 = arith.constant 0 : i32
        %add3A_1246 = arith.addi %mul3A_1244, %add3A_1245 : i32
        %dma_start3A_1247 = arith.constant 2 : i32
        %dma_start3A_1248 = arith.constant 4 : i32
        %dma_start3A_1249 = arith.constant 0 : i32
        %dma_start3A_1250 = arith.constant 0 : i32
        %dma_start3A_1251 = tpu.memref_slice %arg6[%dma_start3A_1247, %dma_start3A_1249, %dma_start3A_1250] : memref<4x200x128xf32, #tpu.memory_space<vmem>> -> memref<1x200x128xf32, #tpu.memory_space<vmem>>
        %dma_start3A_1252 = tpu.memref_squeeze %dma_start3A_1251 : memref<1x200x128xf32, #tpu.memory_space<vmem>> -> memref<200x128xf32, #tpu.memory_space<vmem>>
        %dma_start3A_1253 = arith.constant 0 : i32
        %dma_start3A_1254 = arith.constant 0 : i32
        %dma_start3A_1255 = tpu.memref_slice %dma_start3A_1252[%dma_start3A_1253, %dma_start3A_1254] : memref<200x128xf32, #tpu.memory_space<vmem>> -> memref<128x128xf32, #tpu.memory_space<vmem>>
        %dma_start3A_1256 = tpu.memref_slice %arg5[%add3A_1246] : memref<25600xi32, #tpu.memory_space<vmem>> -> memref<128xi32, #tpu.memory_space<vmem>>
        %dma_start3A_1257 = arith.constant 0 : i32
        %dma_start3A_1258 = arith.constant 0 : i32
        %dma_start3A_1259 = tpu.memref_slice %arg2[%dma_start3A_1257, %dma_start3A_1258] : memref<1000000x128xf32, #tpu.memory_space<hbm>> -> memref<1000000x128xf32, #tpu.memory_space<hbm>>
        %dma_start3A_1260 = tpu.memref_slice %arg7[%dma_start3A_1248] : memref<8x!tpu.dma_semaphore, #tpu.memory_space<semaphore_mem>> -> memref<1x!tpu.dma_semaphore, #tpu.memory_space<semaphore_mem>>
        %dma_start3A_1261 = tpu.memref_squeeze %dma_start3A_1260 : memref<1x!tpu.dma_semaphore, #tpu.memory_space<semaphore_mem>> -> memref<!tpu.dma_semaphore, #tpu.memory_space<semaphore_mem>>
        tpu.enqueue_indirect_dma source(%dma_start3A_1259 : memref<1000000x128xf32, #tpu.memory_space<hbm>>) target(%dma_start3A_1255 : memref<128x128xf32, #tpu.memory_space<vmem>>) offsets(%dma_start3A_1256 : memref<128xi32, #tpu.memory_space<vmem>>) semaphore(%dma_start3A_1261 : memref<!tpu.dma_semaphore, #tpu.memory_space<semaphore_mem>>)
        %mul3A_1262 = arith.constant 200 : i32
        %mul3A_1263 = arith.muli %add3A_715, %mul3A_1262 : i32
        %add3A_1264 = arith.constant 128 : i32
        %add3A_1265 = arith.addi %mul3A_1263, %add3A_1264 : i32
        %dma_start3A_1266 = arith.constant 2 : i32
        %dma_start3A_1267 = arith.constant 5 : i32
        %dma_start3A_1268 = arith.constant 0 : i32
        %dma_start3A_1269 = arith.constant 0 : i32
        %dma_start3A_1270 = tpu.memref_slice %arg6[%dma_start3A_1266, %dma_start3A_1268, %dma_start3A_1269] : memref<4x200x128xf32, #tpu.memory_space<vmem>> -> memref<1x200x128xf32, #tpu.memory_space<vmem>>
        %dma_start3A_1271 = tpu.memref_squeeze %dma_start3A_1270 : memref<1x200x128xf32, #tpu.memory_space<vmem>> -> memref<200x128xf32, #tpu.memory_space<vmem>>
        %dma_start3A_1272 = arith.constant 128 : i32
        %dma_start3A_1273 = arith.constant 0 : i32
        %dma_start3A_1274 = tpu.memref_slice %dma_start3A_1271[%dma_start3A_1272, %dma_start3A_1273] : memref<200x128xf32, #tpu.memory_space<vmem>> -> memref<72x128xf32, #tpu.memory_space<vmem>>
        %dma_start3A_1275 = tpu.memref_slice %arg5[%add3A_1265] : memref<25600xi32, #tpu.memory_space<vmem>> -> memref<72xi32, #tpu.memory_space<vmem>>
        %dma_start3A_1276 = arith.constant 0 : i32
        %dma_start3A_1277 = arith.constant 0 : i32
        %dma_start3A_1278 = tpu.memref_slice %arg2[%dma_start3A_1276, %dma_start3A_1277] : memref<1000000x128xf32, #tpu.memory_space<hbm>> -> memref<1000000x128xf32, #tpu.memory_space<hbm>>
        %dma_start3A_1279 = tpu.memref_slice %arg7[%dma_start3A_1267] : memref<8x!tpu.dma_semaphore, #tpu.memory_space<semaphore_mem>> -> memref<1x!tpu.dma_semaphore, #tpu.memory_space<semaphore_mem>>
        %dma_start3A_1280 = tpu.memref_squeeze %dma_start3A_1279 : memref<1x!tpu.dma_semaphore, #tpu.memory_space<semaphore_mem>> -> memref<!tpu.dma_semaphore, #tpu.memory_space<semaphore_mem>>
        tpu.enqueue_indirect_dma source(%dma_start3A_1278 : memref<1000000x128xf32, #tpu.memory_space<hbm>>) target(%dma_start3A_1274 : memref<72x128xf32, #tpu.memory_space<vmem>>) offsets(%dma_start3A_1275 : memref<72xi32, #tpu.memory_space<vmem>>) semaphore(%dma_start3A_1280 : memref<!tpu.dma_semaphore, #tpu.memory_space<semaphore_mem>>)
      } else {
      }
      %add3A_724 = arith.constant 1 : i32
      %add3A_725 = arith.addi %add3A_555, %add3A_724 : i32
      %dma_wait3A_726 = arith.constant 1 : i32
      %dma_wait3A_727 = arith.constant 2 : i32
      %dma_wait3A_728 = arith.constant 0 : i32
      %dma_wait3A_729 = arith.constant 0 : i32
      %dma_wait3A_730 = tpu.memref_slice %arg6[%dma_wait3A_726, %dma_wait3A_728, %dma_wait3A_729] : memref<4x200x128xf32, #tpu.memory_space<vmem>> -> memref<1x200x128xf32, #tpu.memory_space<vmem>>
      %dma_wait3A_731 = tpu.memref_squeeze %dma_wait3A_730 : memref<1x200x128xf32, #tpu.memory_space<vmem>> -> memref<200x128xf32, #tpu.memory_space<vmem>>
      %dma_wait3A_732 = arith.constant 0 : i32
      %dma_wait3A_733 = arith.constant 0 : i32
      %dma_wait3A_734 = tpu.memref_slice %dma_wait3A_731[%dma_wait3A_732, %dma_wait3A_733] : memref<200x128xf32, #tpu.memory_space<vmem>> -> memref<128x128xf32, #tpu.memory_space<vmem>>
      %dma_wait3A_735 = arith.constant 0 : i32
      %dma_wait3A_736 = tpu.memref_slice %arg5[%dma_wait3A_735] : memref<25600xi32, #tpu.memory_space<vmem>> -> memref<128xi32, #tpu.memory_space<vmem>>
      %dma_wait3A_737 = arith.constant 0 : i32
      %dma_wait3A_738 = arith.constant 0 : i32
      %dma_wait3A_739 = tpu.memref_slice %arg2[%dma_wait3A_737, %dma_wait3A_738] : memref<1000000x128xf32, #tpu.memory_space<hbm>> -> memref<1000000x128xf32, #tpu.memory_space<hbm>>
      %dma_wait3A_740 = tpu.memref_slice %arg7[%dma_wait3A_727] : memref<8x!tpu.dma_semaphore, #tpu.memory_space<semaphore_mem>> -> memref<1x!tpu.dma_semaphore, #tpu.memory_space<semaphore_mem>>
      %dma_wait3A_741 = tpu.memref_squeeze %dma_wait3A_740 : memref<1x!tpu.dma_semaphore, #tpu.memory_space<semaphore_mem>> -> memref<!tpu.dma_semaphore, #tpu.memory_space<semaphore_mem>>
      tpu.wait_indirect_dma semaphore(%dma_wait3A_741 : memref<!tpu.dma_semaphore, #tpu.memory_space<semaphore_mem>>) src(%dma_wait3A_739 : memref<1000000x128xf32, #tpu.memory_space<hbm>>) dst(%dma_wait3A_734 : memref<128x128xf32, #tpu.memory_space<vmem>>)
      %dma_wait3A_742 = arith.constant 1 : i32
      %dma_wait3A_743 = arith.constant 3 : i32
      %dma_wait3A_744 = arith.constant 0 : i32
      %dma_wait3A_745 = arith.constant 0 : i32
      %dma_wait3A_746 = tpu.memref_slice %arg6[%dma_wait3A_742, %dma_wait3A_744, %dma_wait3A_745] : memref<4x200x128xf32, #tpu.memory_space<vmem>> -> memref<1x200x128xf32, #tpu.memory_space<vmem>>
      %dma_wait3A_747 = tpu.memref_squeeze %dma_wait3A_746 : memref<1x200x128xf32, #tpu.memory_space<vmem>> -> memref<200x128xf32, #tpu.memory_space<vmem>>
      %dma_wait3A_748 = arith.constant 128 : i32
      %dma_wait3A_749 = arith.constant 0 : i32
      %dma_wait3A_750 = tpu.memref_slice %dma_wait3A_747[%dma_wait3A_748, %dma_wait3A_749] : memref<200x128xf32, #tpu.memory_space<vmem>> -> memref<72x128xf32, #tpu.memory_space<vmem>>
      %dma_wait3A_751 = arith.constant 128 : i32
      %dma_wait3A_752 = tpu.memref_slice %arg5[%dma_wait3A_751] : memref<25600xi32, #tpu.memory_space<vmem>> -> memref<72xi32, #tpu.memory_space<vmem>>
      %dma_wait3A_753 = arith.constant 0 : i32
      %dma_wait3A_754 = arith.constant 0 : i32
      %dma_wait3A_755 = tpu.memref_slice %arg2[%dma_wait3A_753, %dma_wait3A_754] : memref<1000000x128xf32, #tpu.memory_space<hbm>> -> memref<1000000x128xf32, #tpu.memory_space<hbm>>
      %dma_wait3A_756 = tpu.memref_slice %arg7[%dma_wait3A_743] : memref<8x!tpu.dma_semaphore, #tpu.memory_space<semaphore_mem>> -> memref<1x!tpu.dma_semaphore, #tpu.memory_space<semaphore_mem>>
      %dma_wait3A_757 = tpu.memref_squeeze %dma_wait3A_756 : memref<1x!tpu.dma_semaphore, #tpu.memory_space<semaphore_mem>> -> memref<!tpu.dma_semaphore, #tpu.memory_space<semaphore_mem>>
      tpu.wait_indirect_dma semaphore(%dma_wait3A_757 : memref<!tpu.dma_semaphore, #tpu.memory_space<semaphore_mem>>) src(%dma_wait3A_755 : memref<1000000x128xf32, #tpu.memory_space<hbm>>) dst(%dma_wait3A_750 : memref<72x128xf32, #tpu.memory_space<vmem>>)
      %mul3A_758 = arith.constant 4 : i32
      %mul3A_759 = arith.muli %add3A_725, %mul3A_758 : i32
      %add3A_760 = arith.addi %mul3A_4, %mul3A_759 : i32
      %add3A_761 = arith.constant 0 : i32
      %add3A_762 = arith.addi %add3A_760, %add3A_761 : i32
      %dma_start3A_763 = arith.constant 1 : i32
      %dma_start3A_764 = arith.constant 4 : i32
      %dma_start3A_765 = arith.constant 0 : i32
      %dma_start3A_766 = arith.constant 0 : i32
      %dma_start3A_767 = tpu.memref_slice %arg6[%dma_start3A_763, %dma_start3A_765, %dma_start3A_766] : memref<4x200x128xf32, #tpu.memory_space<vmem>> -> memref<1x200x128xf32, #tpu.memory_space<vmem>>
      %dma_start3A_768 = tpu.memref_squeeze %dma_start3A_767 : memref<1x200x128xf32, #tpu.memory_space<vmem>> -> memref<200x128xf32, #tpu.memory_space<vmem>>
      %dma_start3A_769 = arith.constant 0 : i32
      %dma_start3A_770 = arith.constant 0 : i32
      %dma_start3A_771 = tpu.memref_slice %dma_start3A_768[%dma_start3A_769, %dma_start3A_770] : memref<200x128xf32, #tpu.memory_space<vmem>> -> memref<50x128xf32, #tpu.memory_space<vmem>>
      %dma_start3A_772 = arith.constant 0 : i32
      %dma_start3A_773 = arith.constant 0 : i32
      %dma_start3A_774 = tpu.memref_slice %arg4[%add3A_762, %dma_start3A_772, %dma_start3A_773] : memref<16384x56x128xf32, #tpu.memory_space<hbm>> -> memref<1x50x128xf32, #tpu.memory_space<hbm>>
      %dma_start3A_775 = tpu.memref_squeeze %dma_start3A_774 : memref<1x50x128xf32, #tpu.memory_space<hbm>> -> memref<50x128xf32, #tpu.memory_space<hbm>>
      %dma_start3A_776 = tpu.memref_slice %arg8[%dma_start3A_764] : memref<16x!tpu.dma_semaphore, #tpu.memory_space<semaphore_mem>> -> memref<1x!tpu.dma_semaphore, #tpu.memory_space<semaphore_mem>>
      %dma_start3A_777 = tpu.memref_squeeze %dma_start3A_776 : memref<1x!tpu.dma_semaphore, #tpu.memory_space<semaphore_mem>> -> memref<!tpu.dma_semaphore, #tpu.memory_space<semaphore_mem>>
      %dma_start3A_778 = arith.constant 0 : i32
      %dma_start3A_779 = arith.constant 0 : i32
      %dma_start3A_780 = tpu.memref_slice %arg4[%add3A_762, %dma_start3A_778, %dma_start3A_779] : memref<16384x56x128xf32, #tpu.memory_space<hbm>> -> memref<1x50x128xf32, #tpu.memory_space<hbm>>
      %dma_start3A_781 = tpu.memref_squeeze %dma_start3A_780 : memref<1x50x128xf32, #tpu.memory_space<hbm>> -> memref<50x128xf32, #tpu.memory_space<hbm>>
      %dma_start3A_782 = arith.constant 0 : i32
      %dma_start3A_783 = arith.constant 0 : i32
      %dma_start3A_784 = tpu.memref_slice %arg6[%dma_start3A_763, %dma_start3A_782, %dma_start3A_783] : memref<4x200x128xf32, #tpu.memory_space<vmem>> -> memref<1x200x128xf32, #tpu.memory_space<vmem>>
      %dma_start3A_785 = tpu.memref_squeeze %dma_start3A_784 : memref<1x200x128xf32, #tpu.memory_space<vmem>> -> memref<200x128xf32, #tpu.memory_space<vmem>>
      %dma_start3A_786 = arith.constant 0 : i32
      %dma_start3A_787 = arith.constant 0 : i32
      %dma_start3A_788 = tpu.memref_slice %dma_start3A_785[%dma_start3A_786, %dma_start3A_787] : memref<200x128xf32, #tpu.memory_space<vmem>> -> memref<50x128xf32, #tpu.memory_space<vmem>>
      tpu.enqueue_dma source(%dma_start3A_788 : memref<50x128xf32, #tpu.memory_space<vmem>>) target(%dma_start3A_781 : memref<50x128xf32, #tpu.memory_space<hbm>>) target_semaphore(%dma_start3A_777 : memref<!tpu.dma_semaphore, #tpu.memory_space<semaphore_mem>>)
      %mul3A_789 = arith.constant 4 : i32
      %mul3A_790 = arith.muli %add3A_725, %mul3A_789 : i32
      %add3A_791 = arith.addi %mul3A_4, %mul3A_790 : i32
      %add3A_792 = arith.constant 1 : i32
      %add3A_793 = arith.addi %add3A_791, %add3A_792 : i32
      %dma_start3A_794 = arith.constant 1 : i32
      %dma_start3A_795 = arith.constant 5 : i32
      %dma_start3A_796 = arith.constant 0 : i32
      %dma_start3A_797 = arith.constant 0 : i32
      %dma_start3A_798 = tpu.memref_slice %arg6[%dma_start3A_794, %dma_start3A_796, %dma_start3A_797] : memref<4x200x128xf32, #tpu.memory_space<vmem>> -> memref<1x200x128xf32, #tpu.memory_space<vmem>>
      %dma_start3A_799 = tpu.memref_squeeze %dma_start3A_798 : memref<1x200x128xf32, #tpu.memory_space<vmem>> -> memref<200x128xf32, #tpu.memory_space<vmem>>
      %dma_start3A_800 = arith.constant 50 : i32
      %dma_start3A_801 = arith.constant 0 : i32
      %dma_start3A_802 = tpu.memref_slice %dma_start3A_799[%dma_start3A_800, %dma_start3A_801] : memref<200x128xf32, #tpu.memory_space<vmem>> -> memref<50x128xf32, #tpu.memory_space<vmem>>
      %dma_start3A_803 = arith.constant 0 : i32
      %dma_start3A_804 = arith.constant 0 : i32
      %dma_start3A_805 = tpu.memref_slice %arg4[%add3A_793, %dma_start3A_803, %dma_start3A_804] : memref<16384x56x128xf32, #tpu.memory_space<hbm>> -> memref<1x50x128xf32, #tpu.memory_space<hbm>>
      %dma_start3A_806 = tpu.memref_squeeze %dma_start3A_805 : memref<1x50x128xf32, #tpu.memory_space<hbm>> -> memref<50x128xf32, #tpu.memory_space<hbm>>
      %dma_start3A_807 = tpu.memref_slice %arg8[%dma_start3A_795] : memref<16x!tpu.dma_semaphore, #tpu.memory_space<semaphore_mem>> -> memref<1x!tpu.dma_semaphore, #tpu.memory_space<semaphore_mem>>
      %dma_start3A_808 = tpu.memref_squeeze %dma_start3A_807 : memref<1x!tpu.dma_semaphore, #tpu.memory_space<semaphore_mem>> -> memref<!tpu.dma_semaphore, #tpu.memory_space<semaphore_mem>>
      %dma_start3A_809 = arith.constant 0 : i32
      %dma_start3A_810 = arith.constant 0 : i32
      %dma_start3A_811 = tpu.memref_slice %arg4[%add3A_793, %dma_start3A_809, %dma_start3A_810] : memref<16384x56x128xf32, #tpu.memory_space<hbm>> -> memref<1x50x128xf32, #tpu.memory_space<hbm>>
      %dma_start3A_812 = tpu.memref_squeeze %dma_start3A_811 : memref<1x50x128xf32, #tpu.memory_space<hbm>> -> memref<50x128xf32, #tpu.memory_space<hbm>>
      %dma_start3A_813 = arith.constant 0 : i32
      %dma_start3A_814 = arith.constant 0 : i32
      %dma_start3A_815 = tpu.memref_slice %arg6[%dma_start3A_794, %dma_start3A_813, %dma_start3A_814] : memref<4x200x128xf32, #tpu.memory_space<vmem>> -> memref<1x200x128xf32, #tpu.memory_space<vmem>>
      %dma_start3A_816 = tpu.memref_squeeze %dma_start3A_815 : memref<1x200x128xf32, #tpu.memory_space<vmem>> -> memref<200x128xf32, #tpu.memory_space<vmem>>
      %dma_start3A_817 = arith.constant 50 : i32
      %dma_start3A_818 = arith.constant 0 : i32
      %dma_start3A_819 = tpu.memref_slice %dma_start3A_816[%dma_start3A_817, %dma_start3A_818] : memref<200x128xf32, #tpu.memory_space<vmem>> -> memref<50x128xf32, #tpu.memory_space<vmem>>
      tpu.enqueue_dma source(%dma_start3A_819 : memref<50x128xf32, #tpu.memory_space<vmem>>) target(%dma_start3A_812 : memref<50x128xf32, #tpu.memory_space<hbm>>) target_semaphore(%dma_start3A_808 : memref<!tpu.dma_semaphore, #tpu.memory_space<semaphore_mem>>)
      %mul3A_820 = arith.constant 4 : i32
      %mul3A_821 = arith.muli %add3A_725, %mul3A_820 : i32
      %add3A_822 = arith.addi %mul3A_4, %mul3A_821 : i32
      %add3A_823 = arith.constant 2 : i32
      %add3A_824 = arith.addi %add3A_822, %add3A_823 : i32
      %dma_start3A_825 = arith.constant 1 : i32
      %dma_start3A_826 = arith.constant 6 : i32
      %dma_start3A_827 = arith.constant 0 : i32
      %dma_start3A_828 = arith.constant 0 : i32
      %dma_start3A_829 = tpu.memref_slice %arg6[%dma_start3A_825, %dma_start3A_827, %dma_start3A_828] : memref<4x200x128xf32, #tpu.memory_space<vmem>> -> memref<1x200x128xf32, #tpu.memory_space<vmem>>
      %dma_start3A_830 = tpu.memref_squeeze %dma_start3A_829 : memref<1x200x128xf32, #tpu.memory_space<vmem>> -> memref<200x128xf32, #tpu.memory_space<vmem>>
      %dma_start3A_831 = arith.constant 100 : i32
      %dma_start3A_832 = arith.constant 0 : i32
      %dma_start3A_833 = tpu.memref_slice %dma_start3A_830[%dma_start3A_831, %dma_start3A_832] : memref<200x128xf32, #tpu.memory_space<vmem>> -> memref<50x128xf32, #tpu.memory_space<vmem>>
      %dma_start3A_834 = arith.constant 0 : i32
      %dma_start3A_835 = arith.constant 0 : i32
      %dma_start3A_836 = tpu.memref_slice %arg4[%add3A_824, %dma_start3A_834, %dma_start3A_835] : memref<16384x56x128xf32, #tpu.memory_space<hbm>> -> memref<1x50x128xf32, #tpu.memory_space<hbm>>
      %dma_start3A_837 = tpu.memref_squeeze %dma_start3A_836 : memref<1x50x128xf32, #tpu.memory_space<hbm>> -> memref<50x128xf32, #tpu.memory_space<hbm>>
      %dma_start3A_838 = tpu.memref_slice %arg8[%dma_start3A_826] : memref<16x!tpu.dma_semaphore, #tpu.memory_space<semaphore_mem>> -> memref<1x!tpu.dma_semaphore, #tpu.memory_space<semaphore_mem>>
      %dma_start3A_839 = tpu.memref_squeeze %dma_start3A_838 : memref<1x!tpu.dma_semaphore, #tpu.memory_space<semaphore_mem>> -> memref<!tpu.dma_semaphore, #tpu.memory_space<semaphore_mem>>
      %dma_start3A_840 = arith.constant 0 : i32
      %dma_start3A_841 = arith.constant 0 : i32
      %dma_start3A_842 = tpu.memref_slice %arg4[%add3A_824, %dma_start3A_840, %dma_start3A_841] : memref<16384x56x128xf32, #tpu.memory_space<hbm>> -> memref<1x50x128xf32, #tpu.memory_space<hbm>>
      %dma_start3A_843 = tpu.memref_squeeze %dma_start3A_842 : memref<1x50x128xf32, #tpu.memory_space<hbm>> -> memref<50x128xf32, #tpu.memory_space<hbm>>
      %dma_start3A_844 = arith.constant 0 : i32
      %dma_start3A_845 = arith.constant 0 : i32
      %dma_start3A_846 = tpu.memref_slice %arg6[%dma_start3A_825, %dma_start3A_844, %dma_start3A_845] : memref<4x200x128xf32, #tpu.memory_space<vmem>> -> memref<1x200x128xf32, #tpu.memory_space<vmem>>
      %dma_start3A_847 = tpu.memref_squeeze %dma_start3A_846 : memref<1x200x128xf32, #tpu.memory_space<vmem>> -> memref<200x128xf32, #tpu.memory_space<vmem>>
      %dma_start3A_848 = arith.constant 100 : i32
      %dma_start3A_849 = arith.constant 0 : i32
      %dma_start3A_850 = tpu.memref_slice %dma_start3A_847[%dma_start3A_848, %dma_start3A_849] : memref<200x128xf32, #tpu.memory_space<vmem>> -> memref<50x128xf32, #tpu.memory_space<vmem>>
      tpu.enqueue_dma source(%dma_start3A_850 : memref<50x128xf32, #tpu.memory_space<vmem>>) target(%dma_start3A_843 : memref<50x128xf32, #tpu.memory_space<hbm>>) target_semaphore(%dma_start3A_839 : memref<!tpu.dma_semaphore, #tpu.memory_space<semaphore_mem>>)
      %mul3A_851 = arith.constant 4 : i32
      %mul3A_852 = arith.muli %add3A_725, %mul3A_851 : i32
      %add3A_853 = arith.addi %mul3A_4, %mul3A_852 : i32
      %add3A_854 = arith.constant 3 : i32
      %add3A_855 = arith.addi %add3A_853, %add3A_854 : i32
      %dma_start3A_856 = arith.constant 1 : i32
      %dma_start3A_857 = arith.constant 7 : i32
      %dma_start3A_858 = arith.constant 0 : i32
      %dma_start3A_859 = arith.constant 0 : i32
      %dma_start3A_860 = tpu.memref_slice %arg6[%dma_start3A_856, %dma_start3A_858, %dma_start3A_859] : memref<4x200x128xf32, #tpu.memory_space<vmem>> -> memref<1x200x128xf32, #tpu.memory_space<vmem>>
      %dma_start3A_861 = tpu.memref_squeeze %dma_start3A_860 : memref<1x200x128xf32, #tpu.memory_space<vmem>> -> memref<200x128xf32, #tpu.memory_space<vmem>>
      %dma_start3A_862 = arith.constant 150 : i32
      %dma_start3A_863 = arith.constant 0 : i32
      %dma_start3A_864 = tpu.memref_slice %dma_start3A_861[%dma_start3A_862, %dma_start3A_863] : memref<200x128xf32, #tpu.memory_space<vmem>> -> memref<50x128xf32, #tpu.memory_space<vmem>>
      %dma_start3A_865 = arith.constant 0 : i32
      %dma_start3A_866 = arith.constant 0 : i32
      %dma_start3A_867 = tpu.memref_slice %arg4[%add3A_855, %dma_start3A_865, %dma_start3A_866] : memref<16384x56x128xf32, #tpu.memory_space<hbm>> -> memref<1x50x128xf32, #tpu.memory_space<hbm>>
      %dma_start3A_868 = tpu.memref_squeeze %dma_start3A_867 : memref<1x50x128xf32, #tpu.memory_space<hbm>> -> memref<50x128xf32, #tpu.memory_space<hbm>>
      %dma_start3A_869 = tpu.memref_slice %arg8[%dma_start3A_857] : memref<16x!tpu.dma_semaphore, #tpu.memory_space<semaphore_mem>> -> memref<1x!tpu.dma_semaphore, #tpu.memory_space<semaphore_mem>>
      %dma_start3A_870 = tpu.memref_squeeze %dma_start3A_869 : memref<1x!tpu.dma_semaphore, #tpu.memory_space<semaphore_mem>> -> memref<!tpu.dma_semaphore, #tpu.memory_space<semaphore_mem>>
      %dma_start3A_871 = arith.constant 0 : i32
      %dma_start3A_872 = arith.constant 0 : i32
      %dma_start3A_873 = tpu.memref_slice %arg4[%add3A_855, %dma_start3A_871, %dma_start3A_872] : memref<16384x56x128xf32, #tpu.memory_space<hbm>> -> memref<1x50x128xf32, #tpu.memory_space<hbm>>
      %dma_start3A_874 = tpu.memref_squeeze %dma_start3A_873 : memref<1x50x128xf32, #tpu.memory_space<hbm>> -> memref<50x128xf32, #tpu.memory_space<hbm>>
      %dma_start3A_875 = arith.constant 0 : i32
      %dma_start3A_876 = arith.constant 0 : i32
      %dma_start3A_877 = tpu.memref_slice %arg6[%dma_start3A_856, %dma_start3A_875, %dma_start3A_876] : memref<4x200x128xf32, #tpu.memory_space<vmem>> -> memref<1x200x128xf32, #tpu.memory_space<vmem>>
      %dma_start3A_878 = tpu.memref_squeeze %dma_start3A_877 : memref<1x200x128xf32, #tpu.memory_space<vmem>> -> memref<200x128xf32, #tpu.memory_space<vmem>>
      %dma_start3A_879 = arith.constant 150 : i32
      %dma_start3A_880 = arith.constant 0 : i32
      %dma_start3A_881 = tpu.memref_slice %dma_start3A_878[%dma_start3A_879, %dma_start3A_880] : memref<200x128xf32, #tpu.memory_space<vmem>> -> memref<50x128xf32, #tpu.memory_space<vmem>>
      tpu.enqueue_dma source(%dma_start3A_881 : memref<50x128xf32, #tpu.memory_space<vmem>>) target(%dma_start3A_874 : memref<50x128xf32, #tpu.memory_space<hbm>>) target_semaphore(%dma_start3A_870 : memref<!tpu.dma_semaphore, #tpu.memory_space<semaphore_mem>>)
      %add3A_882 = arith.constant 2 : i32
      %add3A_883 = arith.addi %add3A_725, %add3A_882 : i32
      %lt3A_884 = arith.constant 128 : i32
      %lt3A_885 = arith.cmpi slt, %add3A_883, %lt3A_884 : i32
      %ge3A_886 = arith.constant 4 : i32
      %ge3A_887 = arith.cmpi sge, %add3A_883, %ge3A_886 : i32
      %and3A_888 = arith.andi %lt3A_885, %ge3A_887 : i1
      %convert_element_type3A_889 = arith.extui %and3A_888 : i1 to i32
      %cond3A_890 = arith.constant 0 : i32
      %cond3A_891 = arith.cmpi ne, %convert_element_type3A_889, %cond3A_890 : i32
      scf.if %cond3A_891 {
        %add3A_1243 = arith.constant 0 : i32
        %add3A_1244 = arith.addi %mul3A_4, %add3A_1243 : i32
        %add3A_1245 = arith.constant 0 : i32
        %add3A_1246 = arith.addi %add3A_1244, %add3A_1245 : i32
        %dma_wait3A_1247 = arith.constant 3 : i32
        %dma_wait3A_1248 = arith.constant 12 : i32
        %dma_wait3A_1249 = arith.constant 0 : i32
        %dma_wait3A_1250 = arith.constant 0 : i32
        %dma_wait3A_1251 = tpu.memref_slice %arg6[%dma_wait3A_1247, %dma_wait3A_1249, %dma_wait3A_1250] : memref<4x200x128xf32, #tpu.memory_space<vmem>> -> memref<1x200x128xf32, #tpu.memory_space<vmem>>
        %dma_wait3A_1252 = tpu.memref_squeeze %dma_wait3A_1251 : memref<1x200x128xf32, #tpu.memory_space<vmem>> -> memref<200x128xf32, #tpu.memory_space<vmem>>
        %dma_wait3A_1253 = arith.constant 0 : i32
        %dma_wait3A_1254 = arith.constant 0 : i32
        %dma_wait3A_1255 = tpu.memref_slice %dma_wait3A_1252[%dma_wait3A_1253, %dma_wait3A_1254] : memref<200x128xf32, #tpu.memory_space<vmem>> -> memref<50x128xf32, #tpu.memory_space<vmem>>
        %dma_wait3A_1256 = arith.constant 0 : i32
        %dma_wait3A_1257 = arith.constant 0 : i32
        %dma_wait3A_1258 = tpu.memref_slice %arg4[%add3A_1246, %dma_wait3A_1256, %dma_wait3A_1257] : memref<16384x56x128xf32, #tpu.memory_space<hbm>> -> memref<1x50x128xf32, #tpu.memory_space<hbm>>
        %dma_wait3A_1259 = tpu.memref_squeeze %dma_wait3A_1258 : memref<1x50x128xf32, #tpu.memory_space<hbm>> -> memref<50x128xf32, #tpu.memory_space<hbm>>
        %dma_wait3A_1260 = tpu.memref_slice %arg8[%dma_wait3A_1248] : memref<16x!tpu.dma_semaphore, #tpu.memory_space<semaphore_mem>> -> memref<1x!tpu.dma_semaphore, #tpu.memory_space<semaphore_mem>>
        %dma_wait3A_1261 = tpu.memref_squeeze %dma_wait3A_1260 : memref<1x!tpu.dma_semaphore, #tpu.memory_space<semaphore_mem>> -> memref<!tpu.dma_semaphore, #tpu.memory_space<semaphore_mem>>
        %dma_wait3A_1262 = arith.constant 0 : i32
        %dma_wait3A_1263 = arith.constant 0 : i32
        %dma_wait3A_1264 = tpu.memref_slice %arg4[%add3A_1246, %dma_wait3A_1262, %dma_wait3A_1263] : memref<16384x56x128xf32, #tpu.memory_space<hbm>> -> memref<1x50x128xf32, #tpu.memory_space<hbm>>
        %dma_wait3A_1265 = tpu.memref_squeeze %dma_wait3A_1264 : memref<1x50x128xf32, #tpu.memory_space<hbm>> -> memref<50x128xf32, #tpu.memory_space<hbm>>
        %dma_wait3A_1266 = arith.constant 0 : i32
        %dma_wait3A_1267 = arith.constant 0 : i32
        %dma_wait3A_1268 = tpu.memref_slice %arg6[%dma_wait3A_1247, %dma_wait3A_1266, %dma_wait3A_1267] : memref<4x200x128xf32, #tpu.memory_space<vmem>> -> memref<1x200x128xf32, #tpu.memory_space<vmem>>
        %dma_wait3A_1269 = tpu.memref_squeeze %dma_wait3A_1268 : memref<1x200x128xf32, #tpu.memory_space<vmem>> -> memref<200x128xf32, #tpu.memory_space<vmem>>
        %dma_wait3A_1270 = arith.constant 0 : i32
        %dma_wait3A_1271 = arith.constant 0 : i32
        %dma_wait3A_1272 = tpu.memref_slice %dma_wait3A_1269[%dma_wait3A_1270, %dma_wait3A_1271] : memref<200x128xf32, #tpu.memory_space<vmem>> -> memref<50x128xf32, #tpu.memory_space<vmem>>
        tpu.wait_dma2 semaphore(%dma_wait3A_1261 : memref<!tpu.dma_semaphore, #tpu.memory_space<semaphore_mem>>) src(%dma_wait3A_1272 : memref<50x128xf32, #tpu.memory_space<vmem>>) dst(%dma_wait3A_1265 : memref<50x128xf32, #tpu.memory_space<hbm>>)
        %add3A_1273 = arith.constant 0 : i32
        %add3A_1274 = arith.addi %mul3A_4, %add3A_1273 : i32
        %add3A_1275 = arith.constant 1 : i32
        %add3A_1276 = arith.addi %add3A_1274, %add3A_1275 : i32
        %dma_wait3A_1277 = arith.constant 3 : i32
        %dma_wait3A_1278 = arith.constant 13 : i32
        %dma_wait3A_1279 = arith.constant 0 : i32
        %dma_wait3A_1280 = arith.constant 0 : i32
        %dma_wait3A_1281 = tpu.memref_slice %arg6[%dma_wait3A_1277, %dma_wait3A_1279, %dma_wait3A_1280] : memref<4x200x128xf32, #tpu.memory_space<vmem>> -> memref<1x200x128xf32, #tpu.memory_space<vmem>>
        %dma_wait3A_1282 = tpu.memref_squeeze %dma_wait3A_1281 : memref<1x200x128xf32, #tpu.memory_space<vmem>> -> memref<200x128xf32, #tpu.memory_space<vmem>>
        %dma_wait3A_1283 = arith.constant 50 : i32
        %dma_wait3A_1284 = arith.constant 0 : i32
        %dma_wait3A_1285 = tpu.memref_slice %dma_wait3A_1282[%dma_wait3A_1283, %dma_wait3A_1284] : memref<200x128xf32, #tpu.memory_space<vmem>> -> memref<50x128xf32, #tpu.memory_space<vmem>>
        %dma_wait3A_1286 = arith.constant 0 : i32
        %dma_wait3A_1287 = arith.constant 0 : i32
        %dma_wait3A_1288 = tpu.memref_slice %arg4[%add3A_1276, %dma_wait3A_1286, %dma_wait3A_1287] : memref<16384x56x128xf32, #tpu.memory_space<hbm>> -> memref<1x50x128xf32, #tpu.memory_space<hbm>>
        %dma_wait3A_1289 = tpu.memref_squeeze %dma_wait3A_1288 : memref<1x50x128xf32, #tpu.memory_space<hbm>> -> memref<50x128xf32, #tpu.memory_space<hbm>>
        %dma_wait3A_1290 = tpu.memref_slice %arg8[%dma_wait3A_1278] : memref<16x!tpu.dma_semaphore, #tpu.memory_space<semaphore_mem>> -> memref<1x!tpu.dma_semaphore, #tpu.memory_space<semaphore_mem>>
        %dma_wait3A_1291 = tpu.memref_squeeze %dma_wait3A_1290 : memref<1x!tpu.dma_semaphore, #tpu.memory_space<semaphore_mem>> -> memref<!tpu.dma_semaphore, #tpu.memory_space<semaphore_mem>>
        %dma_wait3A_1292 = arith.constant 0 : i32
        %dma_wait3A_1293 = arith.constant 0 : i32
        %dma_wait3A_1294 = tpu.memref_slice %arg4[%add3A_1276, %dma_wait3A_1292, %dma_wait3A_1293] : memref<16384x56x128xf32, #tpu.memory_space<hbm>> -> memref<1x50x128xf32, #tpu.memory_space<hbm>>
        %dma_wait3A_1295 = tpu.memref_squeeze %dma_wait3A_1294 : memref<1x50x128xf32, #tpu.memory_space<hbm>> -> memref<50x128xf32, #tpu.memory_space<hbm>>
        %dma_wait3A_1296 = arith.constant 0 : i32
        %dma_wait3A_1297 = arith.constant 0 : i32
        %dma_wait3A_1298 = tpu.memref_slice %arg6[%dma_wait3A_1277, %dma_wait3A_1296, %dma_wait3A_1297] : memref<4x200x128xf32, #tpu.memory_space<vmem>> -> memref<1x200x128xf32, #tpu.memory_space<vmem>>
        %dma_wait3A_1299 = tpu.memref_squeeze %dma_wait3A_1298 : memref<1x200x128xf32, #tpu.memory_space<vmem>> -> memref<200x128xf32, #tpu.memory_space<vmem>>
        %dma_wait3A_1300 = arith.constant 50 : i32
        %dma_wait3A_1301 = arith.constant 0 : i32
        %dma_wait3A_1302 = tpu.memref_slice %dma_wait3A_1299[%dma_wait3A_1300, %dma_wait3A_1301] : memref<200x128xf32, #tpu.memory_space<vmem>> -> memref<50x128xf32, #tpu.memory_space<vmem>>
        tpu.wait_dma2 semaphore(%dma_wait3A_1291 : memref<!tpu.dma_semaphore, #tpu.memory_space<semaphore_mem>>) src(%dma_wait3A_1302 : memref<50x128xf32, #tpu.memory_space<vmem>>) dst(%dma_wait3A_1295 : memref<50x128xf32, #tpu.memory_space<hbm>>)
        %add3A_1303 = arith.constant 0 : i32
        %add3A_1304 = arith.addi %mul3A_4, %add3A_1303 : i32
        %add3A_1305 = arith.constant 2 : i32
        %add3A_1306 = arith.addi %add3A_1304, %add3A_1305 : i32
        %dma_wait3A_1307 = arith.constant 3 : i32
        %dma_wait3A_1308 = arith.constant 14 : i32
        %dma_wait3A_1309 = arith.constant 0 : i32
        %dma_wait3A_1310 = arith.constant 0 : i32
        %dma_wait3A_1311 = tpu.memref_slice %arg6[%dma_wait3A_1307, %dma_wait3A_1309, %dma_wait3A_1310] : memref<4x200x128xf32, #tpu.memory_space<vmem>> -> memref<1x200x128xf32, #tpu.memory_space<vmem>>
        %dma_wait3A_1312 = tpu.memref_squeeze %dma_wait3A_1311 : memref<1x200x128xf32, #tpu.memory_space<vmem>> -> memref<200x128xf32, #tpu.memory_space<vmem>>
        %dma_wait3A_1313 = arith.constant 100 : i32
        %dma_wait3A_1314 = arith.constant 0 : i32
        %dma_wait3A_1315 = tpu.memref_slice %dma_wait3A_1312[%dma_wait3A_1313, %dma_wait3A_1314] : memref<200x128xf32, #tpu.memory_space<vmem>> -> memref<50x128xf32, #tpu.memory_space<vmem>>
        %dma_wait3A_1316 = arith.constant 0 : i32
        %dma_wait3A_1317 = arith.constant 0 : i32
        %dma_wait3A_1318 = tpu.memref_slice %arg4[%add3A_1306, %dma_wait3A_1316, %dma_wait3A_1317] : memref<16384x56x128xf32, #tpu.memory_space<hbm>> -> memref<1x50x128xf32, #tpu.memory_space<hbm>>
        %dma_wait3A_1319 = tpu.memref_squeeze %dma_wait3A_1318 : memref<1x50x128xf32, #tpu.memory_space<hbm>> -> memref<50x128xf32, #tpu.memory_space<hbm>>
        %dma_wait3A_1320 = tpu.memref_slice %arg8[%dma_wait3A_1308] : memref<16x!tpu.dma_semaphore, #tpu.memory_space<semaphore_mem>> -> memref<1x!tpu.dma_semaphore, #tpu.memory_space<semaphore_mem>>
        %dma_wait3A_1321 = tpu.memref_squeeze %dma_wait3A_1320 : memref<1x!tpu.dma_semaphore, #tpu.memory_space<semaphore_mem>> -> memref<!tpu.dma_semaphore, #tpu.memory_space<semaphore_mem>>
        %dma_wait3A_1322 = arith.constant 0 : i32
        %dma_wait3A_1323 = arith.constant 0 : i32
        %dma_wait3A_1324 = tpu.memref_slice %arg4[%add3A_1306, %dma_wait3A_1322, %dma_wait3A_1323] : memref<16384x56x128xf32, #tpu.memory_space<hbm>> -> memref<1x50x128xf32, #tpu.memory_space<hbm>>
        %dma_wait3A_1325 = tpu.memref_squeeze %dma_wait3A_1324 : memref<1x50x128xf32, #tpu.memory_space<hbm>> -> memref<50x128xf32, #tpu.memory_space<hbm>>
        %dma_wait3A_1326 = arith.constant 0 : i32
        %dma_wait3A_1327 = arith.constant 0 : i32
        %dma_wait3A_1328 = tpu.memref_slice %arg6[%dma_wait3A_1307, %dma_wait3A_1326, %dma_wait3A_1327] : memref<4x200x128xf32, #tpu.memory_space<vmem>> -> memref<1x200x128xf32, #tpu.memory_space<vmem>>
        %dma_wait3A_1329 = tpu.memref_squeeze %dma_wait3A_1328 : memref<1x200x128xf32, #tpu.memory_space<vmem>> -> memref<200x128xf32, #tpu.memory_space<vmem>>
        %dma_wait3A_1330 = arith.constant 100 : i32
        %dma_wait3A_1331 = arith.constant 0 : i32
        %dma_wait3A_1332 = tpu.memref_slice %dma_wait3A_1329[%dma_wait3A_1330, %dma_wait3A_1331] : memref<200x128xf32, #tpu.memory_space<vmem>> -> memref<50x128xf32, #tpu.memory_space<vmem>>
        tpu.wait_dma2 semaphore(%dma_wait3A_1321 : memref<!tpu.dma_semaphore, #tpu.memory_space<semaphore_mem>>) src(%dma_wait3A_1332 : memref<50x128xf32, #tpu.memory_space<vmem>>) dst(%dma_wait3A_1325 : memref<50x128xf32, #tpu.memory_space<hbm>>)
        %add3A_1333 = arith.constant 0 : i32
        %add3A_1334 = arith.addi %mul3A_4, %add3A_1333 : i32
        %add3A_1335 = arith.constant 3 : i32
        %add3A_1336 = arith.addi %add3A_1334, %add3A_1335 : i32
        %dma_wait3A_1337 = arith.constant 3 : i32
        %dma_wait3A_1338 = arith.constant 15 : i32
        %dma_wait3A_1339 = arith.constant 0 : i32
        %dma_wait3A_1340 = arith.constant 0 : i32
        %dma_wait3A_1341 = tpu.memref_slice %arg6[%dma_wait3A_1337, %dma_wait3A_1339, %dma_wait3A_1340] : memref<4x200x128xf32, #tpu.memory_space<vmem>> -> memref<1x200x128xf32, #tpu.memory_space<vmem>>
        %dma_wait3A_1342 = tpu.memref_squeeze %dma_wait3A_1341 : memref<1x200x128xf32, #tpu.memory_space<vmem>> -> memref<200x128xf32, #tpu.memory_space<vmem>>
        %dma_wait3A_1343 = arith.constant 150 : i32
        %dma_wait3A_1344 = arith.constant 0 : i32
        %dma_wait3A_1345 = tpu.memref_slice %dma_wait3A_1342[%dma_wait3A_1343, %dma_wait3A_1344] : memref<200x128xf32, #tpu.memory_space<vmem>> -> memref<50x128xf32, #tpu.memory_space<vmem>>
        %dma_wait3A_1346 = arith.constant 0 : i32
        %dma_wait3A_1347 = arith.constant 0 : i32
        %dma_wait3A_1348 = tpu.memref_slice %arg4[%add3A_1336, %dma_wait3A_1346, %dma_wait3A_1347] : memref<16384x56x128xf32, #tpu.memory_space<hbm>> -> memref<1x50x128xf32, #tpu.memory_space<hbm>>
        %dma_wait3A_1349 = tpu.memref_squeeze %dma_wait3A_1348 : memref<1x50x128xf32, #tpu.memory_space<hbm>> -> memref<50x128xf32, #tpu.memory_space<hbm>>
        %dma_wait3A_1350 = tpu.memref_slice %arg8[%dma_wait3A_1338] : memref<16x!tpu.dma_semaphore, #tpu.memory_space<semaphore_mem>> -> memref<1x!tpu.dma_semaphore, #tpu.memory_space<semaphore_mem>>
        %dma_wait3A_1351 = tpu.memref_squeeze %dma_wait3A_1350 : memref<1x!tpu.dma_semaphore, #tpu.memory_space<semaphore_mem>> -> memref<!tpu.dma_semaphore, #tpu.memory_space<semaphore_mem>>
        %dma_wait3A_1352 = arith.constant 0 : i32
        %dma_wait3A_1353 = arith.constant 0 : i32
        %dma_wait3A_1354 = tpu.memref_slice %arg4[%add3A_1336, %dma_wait3A_1352, %dma_wait3A_1353] : memref<16384x56x128xf32, #tpu.memory_space<hbm>> -> memref<1x50x128xf32, #tpu.memory_space<hbm>>
        %dma_wait3A_1355 = tpu.memref_squeeze %dma_wait3A_1354 : memref<1x50x128xf32, #tpu.memory_space<hbm>> -> memref<50x128xf32, #tpu.memory_space<hbm>>
        %dma_wait3A_1356 = arith.constant 0 : i32
        %dma_wait3A_1357 = arith.constant 0 : i32
        %dma_wait3A_1358 = tpu.memref_slice %arg6[%dma_wait3A_1337, %dma_wait3A_1356, %dma_wait3A_1357] : memref<4x200x128xf32, #tpu.memory_space<vmem>> -> memref<1x200x128xf32, #tpu.memory_space<vmem>>
        %dma_wait3A_1359 = tpu.memref_squeeze %dma_wait3A_1358 : memref<1x200x128xf32, #tpu.memory_space<vmem>> -> memref<200x128xf32, #tpu.memory_space<vmem>>
        %dma_wait3A_1360 = arith.constant 150 : i32
        %dma_wait3A_1361 = arith.constant 0 : i32
        %dma_wait3A_1362 = tpu.memref_slice %dma_wait3A_1359[%dma_wait3A_1360, %dma_wait3A_1361] : memref<200x128xf32, #tpu.memory_space<vmem>> -> memref<50x128xf32, #tpu.memory_space<vmem>>
        tpu.wait_dma2 semaphore(%dma_wait3A_1351 : memref<!tpu.dma_semaphore, #tpu.memory_space<semaphore_mem>>) src(%dma_wait3A_1362 : memref<50x128xf32, #tpu.memory_space<vmem>>) dst(%dma_wait3A_1355 : memref<50x128xf32, #tpu.memory_space<hbm>>)
      } else {
      }
      %lt3A_892 = arith.constant 128 : i32
      %lt3A_893 = arith.cmpi slt, %add3A_883, %lt3A_892 : i32
      %convert_element_type3A_894 = arith.extui %lt3A_893 : i1 to i32
      %cond3A_895 = arith.constant 0 : i32
      %cond3A_896 = arith.cmpi ne, %convert_element_type3A_894, %cond3A_895 : i32
      scf.if %cond3A_896 {
        %mul3A_1243 = arith.constant 200 : i32
        %mul3A_1244 = arith.muli %add3A_883, %mul3A_1243 : i32
        %add3A_1245 = arith.constant 0 : i32
        %add3A_1246 = arith.addi %mul3A_1244, %add3A_1245 : i32
        %dma_start3A_1247 = arith.constant 3 : i32
        %dma_start3A_1248 = arith.constant 6 : i32
        %dma_start3A_1249 = arith.constant 0 : i32
        %dma_start3A_1250 = arith.constant 0 : i32
        %dma_start3A_1251 = tpu.memref_slice %arg6[%dma_start3A_1247, %dma_start3A_1249, %dma_start3A_1250] : memref<4x200x128xf32, #tpu.memory_space<vmem>> -> memref<1x200x128xf32, #tpu.memory_space<vmem>>
        %dma_start3A_1252 = tpu.memref_squeeze %dma_start3A_1251 : memref<1x200x128xf32, #tpu.memory_space<vmem>> -> memref<200x128xf32, #tpu.memory_space<vmem>>
        %dma_start3A_1253 = arith.constant 0 : i32
        %dma_start3A_1254 = arith.constant 0 : i32
        %dma_start3A_1255 = tpu.memref_slice %dma_start3A_1252[%dma_start3A_1253, %dma_start3A_1254] : memref<200x128xf32, #tpu.memory_space<vmem>> -> memref<128x128xf32, #tpu.memory_space<vmem>>
        %dma_start3A_1256 = tpu.memref_slice %arg5[%add3A_1246] : memref<25600xi32, #tpu.memory_space<vmem>> -> memref<128xi32, #tpu.memory_space<vmem>>
        %dma_start3A_1257 = arith.constant 0 : i32
        %dma_start3A_1258 = arith.constant 0 : i32
        %dma_start3A_1259 = tpu.memref_slice %arg2[%dma_start3A_1257, %dma_start3A_1258] : memref<1000000x128xf32, #tpu.memory_space<hbm>> -> memref<1000000x128xf32, #tpu.memory_space<hbm>>
        %dma_start3A_1260 = tpu.memref_slice %arg7[%dma_start3A_1248] : memref<8x!tpu.dma_semaphore, #tpu.memory_space<semaphore_mem>> -> memref<1x!tpu.dma_semaphore, #tpu.memory_space<semaphore_mem>>
        %dma_start3A_1261 = tpu.memref_squeeze %dma_start3A_1260 : memref<1x!tpu.dma_semaphore, #tpu.memory_space<semaphore_mem>> -> memref<!tpu.dma_semaphore, #tpu.memory_space<semaphore_mem>>
        tpu.enqueue_indirect_dma source(%dma_start3A_1259 : memref<1000000x128xf32, #tpu.memory_space<hbm>>) target(%dma_start3A_1255 : memref<128x128xf32, #tpu.memory_space<vmem>>) offsets(%dma_start3A_1256 : memref<128xi32, #tpu.memory_space<vmem>>) semaphore(%dma_start3A_1261 : memref<!tpu.dma_semaphore, #tpu.memory_space<semaphore_mem>>)
        %mul3A_1262 = arith.constant 200 : i32
        %mul3A_1263 = arith.muli %add3A_883, %mul3A_1262 : i32
        %add3A_1264 = arith.constant 128 : i32
        %add3A_1265 = arith.addi %mul3A_1263, %add3A_1264 : i32
        %dma_start3A_1266 = arith.constant 3 : i32
        %dma_start3A_1267 = arith.constant 7 : i32
        %dma_start3A_1268 = arith.constant 0 : i32
        %dma_start3A_1269 = arith.constant 0 : i32
        %dma_start3A_1270 = tpu.memref_slice %arg6[%dma_start3A_1266, %dma_start3A_1268, %dma_start3A_1269] : memref<4x200x128xf32, #tpu.memory_space<vmem>> -> memref<1x200x128xf32, #tpu.memory_space<vmem>>
        %dma_start3A_1271 = tpu.memref_squeeze %dma_start3A_1270 : memref<1x200x128xf32, #tpu.memory_space<vmem>> -> memref<200x128xf32, #tpu.memory_space<vmem>>
        %dma_start3A_1272 = arith.constant 128 : i32
        %dma_start3A_1273 = arith.constant 0 : i32
        %dma_start3A_1274 = tpu.memref_slice %dma_start3A_1271[%dma_start3A_1272, %dma_start3A_1273] : memref<200x128xf32, #tpu.memory_space<vmem>> -> memref<72x128xf32, #tpu.memory_space<vmem>>
        %dma_start3A_1275 = tpu.memref_slice %arg5[%add3A_1265] : memref<25600xi32, #tpu.memory_space<vmem>> -> memref<72xi32, #tpu.memory_space<vmem>>
        %dma_start3A_1276 = arith.constant 0 : i32
        %dma_start3A_1277 = arith.constant 0 : i32
        %dma_start3A_1278 = tpu.memref_slice %arg2[%dma_start3A_1276, %dma_start3A_1277] : memref<1000000x128xf32, #tpu.memory_space<hbm>> -> memref<1000000x128xf32, #tpu.memory_space<hbm>>
        %dma_start3A_1279 = tpu.memref_slice %arg7[%dma_start3A_1267] : memref<8x!tpu.dma_semaphore, #tpu.memory_space<semaphore_mem>> -> memref<1x!tpu.dma_semaphore, #tpu.memory_space<semaphore_mem>>
        %dma_start3A_1280 = tpu.memref_squeeze %dma_start3A_1279 : memref<1x!tpu.dma_semaphore, #tpu.memory_space<semaphore_mem>> -> memref<!tpu.dma_semaphore, #tpu.memory_space<semaphore_mem>>
        tpu.enqueue_indirect_dma source(%dma_start3A_1278 : memref<1000000x128xf32, #tpu.memory_space<hbm>>) target(%dma_start3A_1274 : memref<72x128xf32, #tpu.memory_space<vmem>>) offsets(%dma_start3A_1275 : memref<72xi32, #tpu.memory_space<vmem>>) semaphore(%dma_start3A_1280 : memref<!tpu.dma_semaphore, #tpu.memory_space<semaphore_mem>>)
      } else {
      }
      %add3A_897 = arith.constant 2 : i32
      %add3A_898 = arith.addi %add3A_555, %add3A_897 : i32
      %dma_wait3A_899 = arith.constant 2 : i32
      %dma_wait3A_900 = arith.constant 4 : i32
      %dma_wait3A_901 = arith.constant 0 : i32
      %dma_wait3A_902 = arith.constant 0 : i32
      %dma_wait3A_903 = tpu.memref_slice %arg6[%dma_wait3A_899, %dma_wait3A_901, %dma_wait3A_902] : memref<4x200x128xf32, #tpu.memory_space<vmem>> -> memref<1x200x128xf32, #tpu.memory_space<vmem>>
      %dma_wait3A_904 = tpu.memref_squeeze %dma_wait3A_903 : memref<1x200x128xf32, #tpu.memory_space<vmem>> -> memref<200x128xf32, #tpu.memory_space<vmem>>
      %dma_wait3A_905 = arith.constant 0 : i32
      %dma_wait3A_906 = arith.constant 0 : i32
      %dma_wait3A_907 = tpu.memref_slice %dma_wait3A_904[%dma_wait3A_905, %dma_wait3A_906] : memref<200x128xf32, #tpu.memory_space<vmem>> -> memref<128x128xf32, #tpu.memory_space<vmem>>
      %dma_wait3A_908 = arith.constant 0 : i32
      %dma_wait3A_909 = tpu.memref_slice %arg5[%dma_wait3A_908] : memref<25600xi32, #tpu.memory_space<vmem>> -> memref<128xi32, #tpu.memory_space<vmem>>
      %dma_wait3A_910 = arith.constant 0 : i32
      %dma_wait3A_911 = arith.constant 0 : i32
      %dma_wait3A_912 = tpu.memref_slice %arg2[%dma_wait3A_910, %dma_wait3A_911] : memref<1000000x128xf32, #tpu.memory_space<hbm>> -> memref<1000000x128xf32, #tpu.memory_space<hbm>>
      %dma_wait3A_913 = tpu.memref_slice %arg7[%dma_wait3A_900] : memref<8x!tpu.dma_semaphore, #tpu.memory_space<semaphore_mem>> -> memref<1x!tpu.dma_semaphore, #tpu.memory_space<semaphore_mem>>
      %dma_wait3A_914 = tpu.memref_squeeze %dma_wait3A_913 : memref<1x!tpu.dma_semaphore, #tpu.memory_space<semaphore_mem>> -> memref<!tpu.dma_semaphore, #tpu.memory_space<semaphore_mem>>
      tpu.wait_indirect_dma semaphore(%dma_wait3A_914 : memref<!tpu.dma_semaphore, #tpu.memory_space<semaphore_mem>>) src(%dma_wait3A_912 : memref<1000000x128xf32, #tpu.memory_space<hbm>>) dst(%dma_wait3A_907 : memref<128x128xf32, #tpu.memory_space<vmem>>)
      %dma_wait3A_915 = arith.constant 2 : i32
      %dma_wait3A_916 = arith.constant 5 : i32
      %dma_wait3A_917 = arith.constant 0 : i32
      %dma_wait3A_918 = arith.constant 0 : i32
      %dma_wait3A_919 = tpu.memref_slice %arg6[%dma_wait3A_915, %dma_wait3A_917, %dma_wait3A_918] : memref<4x200x128xf32, #tpu.memory_space<vmem>> -> memref<1x200x128xf32, #tpu.memory_space<vmem>>
      %dma_wait3A_920 = tpu.memref_squeeze %dma_wait3A_919 : memref<1x200x128xf32, #tpu.memory_space<vmem>> -> memref<200x128xf32, #tpu.memory_space<vmem>>
      %dma_wait3A_921 = arith.constant 128 : i32
      %dma_wait3A_922 = arith.constant 0 : i32
      %dma_wait3A_923 = tpu.memref_slice %dma_wait3A_920[%dma_wait3A_921, %dma_wait3A_922] : memref<200x128xf32, #tpu.memory_space<vmem>> -> memref<72x128xf32, #tpu.memory_space<vmem>>
      %dma_wait3A_924 = arith.constant 128 : i32
      %dma_wait3A_925 = tpu.memref_slice %arg5[%dma_wait3A_924] : memref<25600xi32, #tpu.memory_space<vmem>> -> memref<72xi32, #tpu.memory_space<vmem>>
      %dma_wait3A_926 = arith.constant 0 : i32
      %dma_wait3A_927 = arith.constant 0 : i32
      %dma_wait3A_928 = tpu.memref_slice %arg2[%dma_wait3A_926, %dma_wait3A_927] : memref<1000000x128xf32, #tpu.memory_space<hbm>> -> memref<1000000x128xf32, #tpu.memory_space<hbm>>
      %dma_wait3A_929 = tpu.memref_slice %arg7[%dma_wait3A_916] : memref<8x!tpu.dma_semaphore, #tpu.memory_space<semaphore_mem>> -> memref<1x!tpu.dma_semaphore, #tpu.memory_space<semaphore_mem>>
      %dma_wait3A_930 = tpu.memref_squeeze %dma_wait3A_929 : memref<1x!tpu.dma_semaphore, #tpu.memory_space<semaphore_mem>> -> memref<!tpu.dma_semaphore, #tpu.memory_space<semaphore_mem>>
      tpu.wait_indirect_dma semaphore(%dma_wait3A_930 : memref<!tpu.dma_semaphore, #tpu.memory_space<semaphore_mem>>) src(%dma_wait3A_928 : memref<1000000x128xf32, #tpu.memory_space<hbm>>) dst(%dma_wait3A_923 : memref<72x128xf32, #tpu.memory_space<vmem>>)
      %mul3A_931 = arith.constant 4 : i32
      %mul3A_932 = arith.muli %add3A_898, %mul3A_931 : i32
      %add3A_933 = arith.addi %mul3A_4, %mul3A_932 : i32
      %add3A_934 = arith.constant 0 : i32
      %add3A_935 = arith.addi %add3A_933, %add3A_934 : i32
      %dma_start3A_936 = arith.constant 2 : i32
      %dma_start3A_937 = arith.constant 8 : i32
      %dma_start3A_938 = arith.constant 0 : i32
      %dma_start3A_939 = arith.constant 0 : i32
      %dma_start3A_940 = tpu.memref_slice %arg6[%dma_start3A_936, %dma_start3A_938, %dma_start3A_939] : memref<4x200x128xf32, #tpu.memory_space<vmem>> -> memref<1x200x128xf32, #tpu.memory_space<vmem>>
      %dma_start3A_941 = tpu.memref_squeeze %dma_start3A_940 : memref<1x200x128xf32, #tpu.memory_space<vmem>> -> memref<200x128xf32, #tpu.memory_space<vmem>>
      %dma_start3A_942 = arith.constant 0 : i32
      %dma_start3A_943 = arith.constant 0 : i32
      %dma_start3A_944 = tpu.memref_slice %dma_start3A_941[%dma_start3A_942, %dma_start3A_943] : memref<200x128xf32, #tpu.memory_space<vmem>> -> memref<50x128xf32, #tpu.memory_space<vmem>>
      %dma_start3A_945 = arith.constant 0 : i32
      %dma_start3A_946 = arith.constant 0 : i32
      %dma_start3A_947 = tpu.memref_slice %arg4[%add3A_935, %dma_start3A_945, %dma_start3A_946] : memref<16384x56x128xf32, #tpu.memory_space<hbm>> -> memref<1x50x128xf32, #tpu.memory_space<hbm>>
      %dma_start3A_948 = tpu.memref_squeeze %dma_start3A_947 : memref<1x50x128xf32, #tpu.memory_space<hbm>> -> memref<50x128xf32, #tpu.memory_space<hbm>>
      %dma_start3A_949 = tpu.memref_slice %arg8[%dma_start3A_937] : memref<16x!tpu.dma_semaphore, #tpu.memory_space<semaphore_mem>> -> memref<1x!tpu.dma_semaphore, #tpu.memory_space<semaphore_mem>>
      %dma_start3A_950 = tpu.memref_squeeze %dma_start3A_949 : memref<1x!tpu.dma_semaphore, #tpu.memory_space<semaphore_mem>> -> memref<!tpu.dma_semaphore, #tpu.memory_space<semaphore_mem>>
      %dma_start3A_951 = arith.constant 0 : i32
      %dma_start3A_952 = arith.constant 0 : i32
      %dma_start3A_953 = tpu.memref_slice %arg4[%add3A_935, %dma_start3A_951, %dma_start3A_952] : memref<16384x56x128xf32, #tpu.memory_space<hbm>> -> memref<1x50x128xf32, #tpu.memory_space<hbm>>
      %dma_start3A_954 = tpu.memref_squeeze %dma_start3A_953 : memref<1x50x128xf32, #tpu.memory_space<hbm>> -> memref<50x128xf32, #tpu.memory_space<hbm>>
      %dma_start3A_955 = arith.constant 0 : i32
      %dma_start3A_956 = arith.constant 0 : i32
      %dma_start3A_957 = tpu.memref_slice %arg6[%dma_start3A_936, %dma_start3A_955, %dma_start3A_956] : memref<4x200x128xf32, #tpu.memory_space<vmem>> -> memref<1x200x128xf32, #tpu.memory_space<vmem>>
      %dma_start3A_958 = tpu.memref_squeeze %dma_start3A_957 : memref<1x200x128xf32, #tpu.memory_space<vmem>> -> memref<200x128xf32, #tpu.memory_space<vmem>>
      %dma_start3A_959 = arith.constant 0 : i32
      %dma_start3A_960 = arith.constant 0 : i32
      %dma_start3A_961 = tpu.memref_slice %dma_start3A_958[%dma_start3A_959, %dma_start3A_960] : memref<200x128xf32, #tpu.memory_space<vmem>> -> memref<50x128xf32, #tpu.memory_space<vmem>>
      tpu.enqueue_dma source(%dma_start3A_961 : memref<50x128xf32, #tpu.memory_space<vmem>>) target(%dma_start3A_954 : memref<50x128xf32, #tpu.memory_space<hbm>>) target_semaphore(%dma_start3A_950 : memref<!tpu.dma_semaphore, #tpu.memory_space<semaphore_mem>>)
      %mul3A_962 = arith.constant 4 : i32
      %mul3A_963 = arith.muli %add3A_898, %mul3A_962 : i32
      %add3A_964 = arith.addi %mul3A_4, %mul3A_963 : i32
      %add3A_965 = arith.constant 1 : i32
      %add3A_966 = arith.addi %add3A_964, %add3A_965 : i32
      %dma_start3A_967 = arith.constant 2 : i32
      %dma_start3A_968 = arith.constant 9 : i32
      %dma_start3A_969 = arith.constant 0 : i32
      %dma_start3A_970 = arith.constant 0 : i32
      %dma_start3A_971 = tpu.memref_slice %arg6[%dma_start3A_967, %dma_start3A_969, %dma_start3A_970] : memref<4x200x128xf32, #tpu.memory_space<vmem>> -> memref<1x200x128xf32, #tpu.memory_space<vmem>>
      %dma_start3A_972 = tpu.memref_squeeze %dma_start3A_971 : memref<1x200x128xf32, #tpu.memory_space<vmem>> -> memref<200x128xf32, #tpu.memory_space<vmem>>
      %dma_start3A_973 = arith.constant 50 : i32
      %dma_start3A_974 = arith.constant 0 : i32
      %dma_start3A_975 = tpu.memref_slice %dma_start3A_972[%dma_start3A_973, %dma_start3A_974] : memref<200x128xf32, #tpu.memory_space<vmem>> -> memref<50x128xf32, #tpu.memory_space<vmem>>
      %dma_start3A_976 = arith.constant 0 : i32
      %dma_start3A_977 = arith.constant 0 : i32
      %dma_start3A_978 = tpu.memref_slice %arg4[%add3A_966, %dma_start3A_976, %dma_start3A_977] : memref<16384x56x128xf32, #tpu.memory_space<hbm>> -> memref<1x50x128xf32, #tpu.memory_space<hbm>>
      %dma_start3A_979 = tpu.memref_squeeze %dma_start3A_978 : memref<1x50x128xf32, #tpu.memory_space<hbm>> -> memref<50x128xf32, #tpu.memory_space<hbm>>
      %dma_start3A_980 = tpu.memref_slice %arg8[%dma_start3A_968] : memref<16x!tpu.dma_semaphore, #tpu.memory_space<semaphore_mem>> -> memref<1x!tpu.dma_semaphore, #tpu.memory_space<semaphore_mem>>
      %dma_start3A_981 = tpu.memref_squeeze %dma_start3A_980 : memref<1x!tpu.dma_semaphore, #tpu.memory_space<semaphore_mem>> -> memref<!tpu.dma_semaphore, #tpu.memory_space<semaphore_mem>>
      %dma_start3A_982 = arith.constant 0 : i32
      %dma_start3A_983 = arith.constant 0 : i32
      %dma_start3A_984 = tpu.memref_slice %arg4[%add3A_966, %dma_start3A_982, %dma_start3A_983] : memref<16384x56x128xf32, #tpu.memory_space<hbm>> -> memref<1x50x128xf32, #tpu.memory_space<hbm>>
      %dma_start3A_985 = tpu.memref_squeeze %dma_start3A_984 : memref<1x50x128xf32, #tpu.memory_space<hbm>> -> memref<50x128xf32, #tpu.memory_space<hbm>>
      %dma_start3A_986 = arith.constant 0 : i32
      %dma_start3A_987 = arith.constant 0 : i32
      %dma_start3A_988 = tpu.memref_slice %arg6[%dma_start3A_967, %dma_start3A_986, %dma_start3A_987] : memref<4x200x128xf32, #tpu.memory_space<vmem>> -> memref<1x200x128xf32, #tpu.memory_space<vmem>>
      %dma_start3A_989 = tpu.memref_squeeze %dma_start3A_988 : memref<1x200x128xf32, #tpu.memory_space<vmem>> -> memref<200x128xf32, #tpu.memory_space<vmem>>
      %dma_start3A_990 = arith.constant 50 : i32
      %dma_start3A_991 = arith.constant 0 : i32
      %dma_start3A_992 = tpu.memref_slice %dma_start3A_989[%dma_start3A_990, %dma_start3A_991] : memref<200x128xf32, #tpu.memory_space<vmem>> -> memref<50x128xf32, #tpu.memory_space<vmem>>
      tpu.enqueue_dma source(%dma_start3A_992 : memref<50x128xf32, #tpu.memory_space<vmem>>) target(%dma_start3A_985 : memref<50x128xf32, #tpu.memory_space<hbm>>) target_semaphore(%dma_start3A_981 : memref<!tpu.dma_semaphore, #tpu.memory_space<semaphore_mem>>)
      %mul3A_993 = arith.constant 4 : i32
      %mul3A_994 = arith.muli %add3A_898, %mul3A_993 : i32
      %add3A_995 = arith.addi %mul3A_4, %mul3A_994 : i32
      %add3A_996 = arith.constant 2 : i32
      %add3A_997 = arith.addi %add3A_995, %add3A_996 : i32
      %dma_start3A_998 = arith.constant 2 : i32
      %dma_start3A_999 = arith.constant 10 : i32
      %dma_start3A_1000 = arith.constant 0 : i32
      %dma_start3A_1001 = arith.constant 0 : i32
      %dma_start3A_1002 = tpu.memref_slice %arg6[%dma_start3A_998, %dma_start3A_1000, %dma_start3A_1001] : memref<4x200x128xf32, #tpu.memory_space<vmem>> -> memref<1x200x128xf32, #tpu.memory_space<vmem>>
      %dma_start3A_1003 = tpu.memref_squeeze %dma_start3A_1002 : memref<1x200x128xf32, #tpu.memory_space<vmem>> -> memref<200x128xf32, #tpu.memory_space<vmem>>
      %dma_start3A_1004 = arith.constant 100 : i32
      %dma_start3A_1005 = arith.constant 0 : i32
      %dma_start3A_1006 = tpu.memref_slice %dma_start3A_1003[%dma_start3A_1004, %dma_start3A_1005] : memref<200x128xf32, #tpu.memory_space<vmem>> -> memref<50x128xf32, #tpu.memory_space<vmem>>
      %dma_start3A_1007 = arith.constant 0 : i32
      %dma_start3A_1008 = arith.constant 0 : i32
      %dma_start3A_1009 = tpu.memref_slice %arg4[%add3A_997, %dma_start3A_1007, %dma_start3A_1008] : memref<16384x56x128xf32, #tpu.memory_space<hbm>> -> memref<1x50x128xf32, #tpu.memory_space<hbm>>
      %dma_start3A_1010 = tpu.memref_squeeze %dma_start3A_1009 : memref<1x50x128xf32, #tpu.memory_space<hbm>> -> memref<50x128xf32, #tpu.memory_space<hbm>>
      %dma_start3A_1011 = tpu.memref_slice %arg8[%dma_start3A_999] : memref<16x!tpu.dma_semaphore, #tpu.memory_space<semaphore_mem>> -> memref<1x!tpu.dma_semaphore, #tpu.memory_space<semaphore_mem>>
      %dma_start3A_1012 = tpu.memref_squeeze %dma_start3A_1011 : memref<1x!tpu.dma_semaphore, #tpu.memory_space<semaphore_mem>> -> memref<!tpu.dma_semaphore, #tpu.memory_space<semaphore_mem>>
      %dma_start3A_1013 = arith.constant 0 : i32
      %dma_start3A_1014 = arith.constant 0 : i32
      %dma_start3A_1015 = tpu.memref_slice %arg4[%add3A_997, %dma_start3A_1013, %dma_start3A_1014] : memref<16384x56x128xf32, #tpu.memory_space<hbm>> -> memref<1x50x128xf32, #tpu.memory_space<hbm>>
      %dma_start3A_1016 = tpu.memref_squeeze %dma_start3A_1015 : memref<1x50x128xf32, #tpu.memory_space<hbm>> -> memref<50x128xf32, #tpu.memory_space<hbm>>
      %dma_start3A_1017 = arith.constant 0 : i32
      %dma_start3A_1018 = arith.constant 0 : i32
      %dma_start3A_1019 = tpu.memref_slice %arg6[%dma_start3A_998, %dma_start3A_1017, %dma_start3A_1018] : memref<4x200x128xf32, #tpu.memory_space<vmem>> -> memref<1x200x128xf32, #tpu.memory_space<vmem>>
      %dma_start3A_1020 = tpu.memref_squeeze %dma_start3A_1019 : memref<1x200x128xf32, #tpu.memory_space<vmem>> -> memref<200x128xf32, #tpu.memory_space<vmem>>
      %dma_start3A_1021 = arith.constant 100 : i32
      %dma_start3A_1022 = arith.constant 0 : i32
      %dma_start3A_1023 = tpu.memref_slice %dma_start3A_1020[%dma_start3A_1021, %dma_start3A_1022] : memref<200x128xf32, #tpu.memory_space<vmem>> -> memref<50x128xf32, #tpu.memory_space<vmem>>
      tpu.enqueue_dma source(%dma_start3A_1023 : memref<50x128xf32, #tpu.memory_space<vmem>>) target(%dma_start3A_1016 : memref<50x128xf32, #tpu.memory_space<hbm>>) target_semaphore(%dma_start3A_1012 : memref<!tpu.dma_semaphore, #tpu.memory_space<semaphore_mem>>)
      %mul3A_1024 = arith.constant 4 : i32
      %mul3A_1025 = arith.muli %add3A_898, %mul3A_1024 : i32
      %add3A_1026 = arith.addi %mul3A_4, %mul3A_1025 : i32
      %add3A_1027 = arith.constant 3 : i32
      %add3A_1028 = arith.addi %add3A_1026, %add3A_1027 : i32
      %dma_start3A_1029 = arith.constant 2 : i32
      %dma_start3A_1030 = arith.constant 11 : i32
      %dma_start3A_1031 = arith.constant 0 : i32
      %dma_start3A_1032 = arith.constant 0 : i32
      %dma_start3A_1033 = tpu.memref_slice %arg6[%dma_start3A_1029, %dma_start3A_1031, %dma_start3A_1032] : memref<4x200x128xf32, #tpu.memory_space<vmem>> -> memref<1x200x128xf32, #tpu.memory_space<vmem>>
      %dma_start3A_1034 = tpu.memref_squeeze %dma_start3A_1033 : memref<1x200x128xf32, #tpu.memory_space<vmem>> -> memref<200x128xf32, #tpu.memory_space<vmem>>
      %dma_start3A_1035 = arith.constant 150 : i32
      %dma_start3A_1036 = arith.constant 0 : i32
      %dma_start3A_1037 = tpu.memref_slice %dma_start3A_1034[%dma_start3A_1035, %dma_start3A_1036] : memref<200x128xf32, #tpu.memory_space<vmem>> -> memref<50x128xf32, #tpu.memory_space<vmem>>
      %dma_start3A_1038 = arith.constant 0 : i32
      %dma_start3A_1039 = arith.constant 0 : i32
      %dma_start3A_1040 = tpu.memref_slice %arg4[%add3A_1028, %dma_start3A_1038, %dma_start3A_1039] : memref<16384x56x128xf32, #tpu.memory_space<hbm>> -> memref<1x50x128xf32, #tpu.memory_space<hbm>>
      %dma_start3A_1041 = tpu.memref_squeeze %dma_start3A_1040 : memref<1x50x128xf32, #tpu.memory_space<hbm>> -> memref<50x128xf32, #tpu.memory_space<hbm>>
      %dma_start3A_1042 = tpu.memref_slice %arg8[%dma_start3A_1030] : memref<16x!tpu.dma_semaphore, #tpu.memory_space<semaphore_mem>> -> memref<1x!tpu.dma_semaphore, #tpu.memory_space<semaphore_mem>>
      %dma_start3A_1043 = tpu.memref_squeeze %dma_start3A_1042 : memref<1x!tpu.dma_semaphore, #tpu.memory_space<semaphore_mem>> -> memref<!tpu.dma_semaphore, #tpu.memory_space<semaphore_mem>>
      %dma_start3A_1044 = arith.constant 0 : i32
      %dma_start3A_1045 = arith.constant 0 : i32
      %dma_start3A_1046 = tpu.memref_slice %arg4[%add3A_1028, %dma_start3A_1044, %dma_start3A_1045] : memref<16384x56x128xf32, #tpu.memory_space<hbm>> -> memref<1x50x128xf32, #tpu.memory_space<hbm>>
      %dma_start3A_1047 = tpu.memref_squeeze %dma_start3A_1046 : memref<1x50x128xf32, #tpu.memory_space<hbm>> -> memref<50x128xf32, #tpu.memory_space<hbm>>
      %dma_start3A_1048 = arith.constant 0 : i32
      %dma_start3A_1049 = arith.constant 0 : i32
      %dma_start3A_1050 = tpu.memref_slice %arg6[%dma_start3A_1029, %dma_start3A_1048, %dma_start3A_1049] : memref<4x200x128xf32, #tpu.memory_space<vmem>> -> memref<1x200x128xf32, #tpu.memory_space<vmem>>
      %dma_start3A_1051 = tpu.memref_squeeze %dma_start3A_1050 : memref<1x200x128xf32, #tpu.memory_space<vmem>> -> memref<200x128xf32, #tpu.memory_space<vmem>>
      %dma_start3A_1052 = arith.constant 150 : i32
      %dma_start3A_1053 = arith.constant 0 : i32
      %dma_start3A_1054 = tpu.memref_slice %dma_start3A_1051[%dma_start3A_1052, %dma_start3A_1053] : memref<200x128xf32, #tpu.memory_space<vmem>> -> memref<50x128xf32, #tpu.memory_space<vmem>>
      tpu.enqueue_dma source(%dma_start3A_1054 : memref<50x128xf32, #tpu.memory_space<vmem>>) target(%dma_start3A_1047 : memref<50x128xf32, #tpu.memory_space<hbm>>) target_semaphore(%dma_start3A_1043 : memref<!tpu.dma_semaphore, #tpu.memory_space<semaphore_mem>>)
      %add3A_1055 = arith.constant 2 : i32
      %add3A_1056 = arith.addi %add3A_898, %add3A_1055 : i32
      %lt3A_1057 = arith.constant 128 : i32
      %lt3A_1058 = arith.cmpi slt, %add3A_1056, %lt3A_1057 : i32
      %ge3A_1059 = arith.constant 4 : i32
      %ge3A_1060 = arith.cmpi sge, %add3A_1056, %ge3A_1059 : i32
      %and3A_1061 = arith.andi %lt3A_1058, %ge3A_1060 : i1
      %convert_element_type3A_1062 = arith.extui %and3A_1061 : i1 to i32
      %cond3A_1063 = arith.constant 0 : i32
      %cond3A_1064 = arith.cmpi ne, %convert_element_type3A_1062, %cond3A_1063 : i32
      scf.if %cond3A_1064 {
        %add3A_1243 = arith.constant 0 : i32
        %add3A_1244 = arith.addi %mul3A_4, %add3A_1243 : i32
        %add3A_1245 = arith.constant 0 : i32
        %add3A_1246 = arith.addi %add3A_1244, %add3A_1245 : i32
        %dma_wait3A_1247 = arith.constant 0 : i32
        %dma_wait3A_1248 = arith.constant 0 : i32
        %dma_wait3A_1249 = arith.constant 0 : i32
        %dma_wait3A_1250 = arith.constant 0 : i32
        %dma_wait3A_1251 = tpu.memref_slice %arg6[%dma_wait3A_1247, %dma_wait3A_1249, %dma_wait3A_1250] : memref<4x200x128xf32, #tpu.memory_space<vmem>> -> memref<1x200x128xf32, #tpu.memory_space<vmem>>
        %dma_wait3A_1252 = tpu.memref_squeeze %dma_wait3A_1251 : memref<1x200x128xf32, #tpu.memory_space<vmem>> -> memref<200x128xf32, #tpu.memory_space<vmem>>
        %dma_wait3A_1253 = arith.constant 0 : i32
        %dma_wait3A_1254 = arith.constant 0 : i32
        %dma_wait3A_1255 = tpu.memref_slice %dma_wait3A_1252[%dma_wait3A_1253, %dma_wait3A_1254] : memref<200x128xf32, #tpu.memory_space<vmem>> -> memref<50x128xf32, #tpu.memory_space<vmem>>
        %dma_wait3A_1256 = arith.constant 0 : i32
        %dma_wait3A_1257 = arith.constant 0 : i32
        %dma_wait3A_1258 = tpu.memref_slice %arg4[%add3A_1246, %dma_wait3A_1256, %dma_wait3A_1257] : memref<16384x56x128xf32, #tpu.memory_space<hbm>> -> memref<1x50x128xf32, #tpu.memory_space<hbm>>
        %dma_wait3A_1259 = tpu.memref_squeeze %dma_wait3A_1258 : memref<1x50x128xf32, #tpu.memory_space<hbm>> -> memref<50x128xf32, #tpu.memory_space<hbm>>
        %dma_wait3A_1260 = tpu.memref_slice %arg8[%dma_wait3A_1248] : memref<16x!tpu.dma_semaphore, #tpu.memory_space<semaphore_mem>> -> memref<1x!tpu.dma_semaphore, #tpu.memory_space<semaphore_mem>>
        %dma_wait3A_1261 = tpu.memref_squeeze %dma_wait3A_1260 : memref<1x!tpu.dma_semaphore, #tpu.memory_space<semaphore_mem>> -> memref<!tpu.dma_semaphore, #tpu.memory_space<semaphore_mem>>
        %dma_wait3A_1262 = arith.constant 0 : i32
        %dma_wait3A_1263 = arith.constant 0 : i32
        %dma_wait3A_1264 = tpu.memref_slice %arg4[%add3A_1246, %dma_wait3A_1262, %dma_wait3A_1263] : memref<16384x56x128xf32, #tpu.memory_space<hbm>> -> memref<1x50x128xf32, #tpu.memory_space<hbm>>
        %dma_wait3A_1265 = tpu.memref_squeeze %dma_wait3A_1264 : memref<1x50x128xf32, #tpu.memory_space<hbm>> -> memref<50x128xf32, #tpu.memory_space<hbm>>
        %dma_wait3A_1266 = arith.constant 0 : i32
        %dma_wait3A_1267 = arith.constant 0 : i32
        %dma_wait3A_1268 = tpu.memref_slice %arg6[%dma_wait3A_1247, %dma_wait3A_1266, %dma_wait3A_1267] : memref<4x200x128xf32, #tpu.memory_space<vmem>> -> memref<1x200x128xf32, #tpu.memory_space<vmem>>
        %dma_wait3A_1269 = tpu.memref_squeeze %dma_wait3A_1268 : memref<1x200x128xf32, #tpu.memory_space<vmem>> -> memref<200x128xf32, #tpu.memory_space<vmem>>
        %dma_wait3A_1270 = arith.constant 0 : i32
        %dma_wait3A_1271 = arith.constant 0 : i32
        %dma_wait3A_1272 = tpu.memref_slice %dma_wait3A_1269[%dma_wait3A_1270, %dma_wait3A_1271] : memref<200x128xf32, #tpu.memory_space<vmem>> -> memref<50x128xf32, #tpu.memory_space<vmem>>
        tpu.wait_dma2 semaphore(%dma_wait3A_1261 : memref<!tpu.dma_semaphore, #tpu.memory_space<semaphore_mem>>) src(%dma_wait3A_1272 : memref<50x128xf32, #tpu.memory_space<vmem>>) dst(%dma_wait3A_1265 : memref<50x128xf32, #tpu.memory_space<hbm>>)
        %add3A_1273 = arith.constant 0 : i32
        %add3A_1274 = arith.addi %mul3A_4, %add3A_1273 : i32
        %add3A_1275 = arith.constant 1 : i32
        %add3A_1276 = arith.addi %add3A_1274, %add3A_1275 : i32
        %dma_wait3A_1277 = arith.constant 0 : i32
        %dma_wait3A_1278 = arith.constant 1 : i32
        %dma_wait3A_1279 = arith.constant 0 : i32
        %dma_wait3A_1280 = arith.constant 0 : i32
        %dma_wait3A_1281 = tpu.memref_slice %arg6[%dma_wait3A_1277, %dma_wait3A_1279, %dma_wait3A_1280] : memref<4x200x128xf32, #tpu.memory_space<vmem>> -> memref<1x200x128xf32, #tpu.memory_space<vmem>>
        %dma_wait3A_1282 = tpu.memref_squeeze %dma_wait3A_1281 : memref<1x200x128xf32, #tpu.memory_space<vmem>> -> memref<200x128xf32, #tpu.memory_space<vmem>>
        %dma_wait3A_1283 = arith.constant 50 : i32
        %dma_wait3A_1284 = arith.constant 0 : i32
        %dma_wait3A_1285 = tpu.memref_slice %dma_wait3A_1282[%dma_wait3A_1283, %dma_wait3A_1284] : memref<200x128xf32, #tpu.memory_space<vmem>> -> memref<50x128xf32, #tpu.memory_space<vmem>>
        %dma_wait3A_1286 = arith.constant 0 : i32
        %dma_wait3A_1287 = arith.constant 0 : i32
        %dma_wait3A_1288 = tpu.memref_slice %arg4[%add3A_1276, %dma_wait3A_1286, %dma_wait3A_1287] : memref<16384x56x128xf32, #tpu.memory_space<hbm>> -> memref<1x50x128xf32, #tpu.memory_space<hbm>>
        %dma_wait3A_1289 = tpu.memref_squeeze %dma_wait3A_1288 : memref<1x50x128xf32, #tpu.memory_space<hbm>> -> memref<50x128xf32, #tpu.memory_space<hbm>>
        %dma_wait3A_1290 = tpu.memref_slice %arg8[%dma_wait3A_1278] : memref<16x!tpu.dma_semaphore, #tpu.memory_space<semaphore_mem>> -> memref<1x!tpu.dma_semaphore, #tpu.memory_space<semaphore_mem>>
        %dma_wait3A_1291 = tpu.memref_squeeze %dma_wait3A_1290 : memref<1x!tpu.dma_semaphore, #tpu.memory_space<semaphore_mem>> -> memref<!tpu.dma_semaphore, #tpu.memory_space<semaphore_mem>>
        %dma_wait3A_1292 = arith.constant 0 : i32
        %dma_wait3A_1293 = arith.constant 0 : i32
        %dma_wait3A_1294 = tpu.memref_slice %arg4[%add3A_1276, %dma_wait3A_1292, %dma_wait3A_1293] : memref<16384x56x128xf32, #tpu.memory_space<hbm>> -> memref<1x50x128xf32, #tpu.memory_space<hbm>>
        %dma_wait3A_1295 = tpu.memref_squeeze %dma_wait3A_1294 : memref<1x50x128xf32, #tpu.memory_space<hbm>> -> memref<50x128xf32, #tpu.memory_space<hbm>>
        %dma_wait3A_1296 = arith.constant 0 : i32
        %dma_wait3A_1297 = arith.constant 0 : i32
        %dma_wait3A_1298 = tpu.memref_slice %arg6[%dma_wait3A_1277, %dma_wait3A_1296, %dma_wait3A_1297] : memref<4x200x128xf32, #tpu.memory_space<vmem>> -> memref<1x200x128xf32, #tpu.memory_space<vmem>>
        %dma_wait3A_1299 = tpu.memref_squeeze %dma_wait3A_1298 : memref<1x200x128xf32, #tpu.memory_space<vmem>> -> memref<200x128xf32, #tpu.memory_space<vmem>>
        %dma_wait3A_1300 = arith.constant 50 : i32
        %dma_wait3A_1301 = arith.constant 0 : i32
        %dma_wait3A_1302 = tpu.memref_slice %dma_wait3A_1299[%dma_wait3A_1300, %dma_wait3A_1301] : memref<200x128xf32, #tpu.memory_space<vmem>> -> memref<50x128xf32, #tpu.memory_space<vmem>>
        tpu.wait_dma2 semaphore(%dma_wait3A_1291 : memref<!tpu.dma_semaphore, #tpu.memory_space<semaphore_mem>>) src(%dma_wait3A_1302 : memref<50x128xf32, #tpu.memory_space<vmem>>) dst(%dma_wait3A_1295 : memref<50x128xf32, #tpu.memory_space<hbm>>)
        %add3A_1303 = arith.constant 0 : i32
        %add3A_1304 = arith.addi %mul3A_4, %add3A_1303 : i32
        %add3A_1305 = arith.constant 2 : i32
        %add3A_1306 = arith.addi %add3A_1304, %add3A_1305 : i32
        %dma_wait3A_1307 = arith.constant 0 : i32
        %dma_wait3A_1308 = arith.constant 2 : i32
        %dma_wait3A_1309 = arith.constant 0 : i32
        %dma_wait3A_1310 = arith.constant 0 : i32
        %dma_wait3A_1311 = tpu.memref_slice %arg6[%dma_wait3A_1307, %dma_wait3A_1309, %dma_wait3A_1310] : memref<4x200x128xf32, #tpu.memory_space<vmem>> -> memref<1x200x128xf32, #tpu.memory_space<vmem>>
        %dma_wait3A_1312 = tpu.memref_squeeze %dma_wait3A_1311 : memref<1x200x128xf32, #tpu.memory_space<vmem>> -> memref<200x128xf32, #tpu.memory_space<vmem>>
        %dma_wait3A_1313 = arith.constant 100 : i32
        %dma_wait3A_1314 = arith.constant 0 : i32
        %dma_wait3A_1315 = tpu.memref_slice %dma_wait3A_1312[%dma_wait3A_1313, %dma_wait3A_1314] : memref<200x128xf32, #tpu.memory_space<vmem>> -> memref<50x128xf32, #tpu.memory_space<vmem>>
        %dma_wait3A_1316 = arith.constant 0 : i32
        %dma_wait3A_1317 = arith.constant 0 : i32
        %dma_wait3A_1318 = tpu.memref_slice %arg4[%add3A_1306, %dma_wait3A_1316, %dma_wait3A_1317] : memref<16384x56x128xf32, #tpu.memory_space<hbm>> -> memref<1x50x128xf32, #tpu.memory_space<hbm>>
        %dma_wait3A_1319 = tpu.memref_squeeze %dma_wait3A_1318 : memref<1x50x128xf32, #tpu.memory_space<hbm>> -> memref<50x128xf32, #tpu.memory_space<hbm>>
        %dma_wait3A_1320 = tpu.memref_slice %arg8[%dma_wait3A_1308] : memref<16x!tpu.dma_semaphore, #tpu.memory_space<semaphore_mem>> -> memref<1x!tpu.dma_semaphore, #tpu.memory_space<semaphore_mem>>
        %dma_wait3A_1321 = tpu.memref_squeeze %dma_wait3A_1320 : memref<1x!tpu.dma_semaphore, #tpu.memory_space<semaphore_mem>> -> memref<!tpu.dma_semaphore, #tpu.memory_space<semaphore_mem>>
        %dma_wait3A_1322 = arith.constant 0 : i32
        %dma_wait3A_1323 = arith.constant 0 : i32
        %dma_wait3A_1324 = tpu.memref_slice %arg4[%add3A_1306, %dma_wait3A_1322, %dma_wait3A_1323] : memref<16384x56x128xf32, #tpu.memory_space<hbm>> -> memref<1x50x128xf32, #tpu.memory_space<hbm>>
        %dma_wait3A_1325 = tpu.memref_squeeze %dma_wait3A_1324 : memref<1x50x128xf32, #tpu.memory_space<hbm>> -> memref<50x128xf32, #tpu.memory_space<hbm>>
        %dma_wait3A_1326 = arith.constant 0 : i32
        %dma_wait3A_1327 = arith.constant 0 : i32
        %dma_wait3A_1328 = tpu.memref_slice %arg6[%dma_wait3A_1307, %dma_wait3A_1326, %dma_wait3A_1327] : memref<4x200x128xf32, #tpu.memory_space<vmem>> -> memref<1x200x128xf32, #tpu.memory_space<vmem>>
        %dma_wait3A_1329 = tpu.memref_squeeze %dma_wait3A_1328 : memref<1x200x128xf32, #tpu.memory_space<vmem>> -> memref<200x128xf32, #tpu.memory_space<vmem>>
        %dma_wait3A_1330 = arith.constant 100 : i32
        %dma_wait3A_1331 = arith.constant 0 : i32
        %dma_wait3A_1332 = tpu.memref_slice %dma_wait3A_1329[%dma_wait3A_1330, %dma_wait3A_1331] : memref<200x128xf32, #tpu.memory_space<vmem>> -> memref<50x128xf32, #tpu.memory_space<vmem>>
        tpu.wait_dma2 semaphore(%dma_wait3A_1321 : memref<!tpu.dma_semaphore, #tpu.memory_space<semaphore_mem>>) src(%dma_wait3A_1332 : memref<50x128xf32, #tpu.memory_space<vmem>>) dst(%dma_wait3A_1325 : memref<50x128xf32, #tpu.memory_space<hbm>>)
        %add3A_1333 = arith.constant 0 : i32
        %add3A_1334 = arith.addi %mul3A_4, %add3A_1333 : i32
        %add3A_1335 = arith.constant 3 : i32
        %add3A_1336 = arith.addi %add3A_1334, %add3A_1335 : i32
        %dma_wait3A_1337 = arith.constant 0 : i32
        %dma_wait3A_1338 = arith.constant 3 : i32
        %dma_wait3A_1339 = arith.constant 0 : i32
        %dma_wait3A_1340 = arith.constant 0 : i32
        %dma_wait3A_1341 = tpu.memref_slice %arg6[%dma_wait3A_1337, %dma_wait3A_1339, %dma_wait3A_1340] : memref<4x200x128xf32, #tpu.memory_space<vmem>> -> memref<1x200x128xf32, #tpu.memory_space<vmem>>
        %dma_wait3A_1342 = tpu.memref_squeeze %dma_wait3A_1341 : memref<1x200x128xf32, #tpu.memory_space<vmem>> -> memref<200x128xf32, #tpu.memory_space<vmem>>
        %dma_wait3A_1343 = arith.constant 150 : i32
        %dma_wait3A_1344 = arith.constant 0 : i32
        %dma_wait3A_1345 = tpu.memref_slice %dma_wait3A_1342[%dma_wait3A_1343, %dma_wait3A_1344] : memref<200x128xf32, #tpu.memory_space<vmem>> -> memref<50x128xf32, #tpu.memory_space<vmem>>
        %dma_wait3A_1346 = arith.constant 0 : i32
        %dma_wait3A_1347 = arith.constant 0 : i32
        %dma_wait3A_1348 = tpu.memref_slice %arg4[%add3A_1336, %dma_wait3A_1346, %dma_wait3A_1347] : memref<16384x56x128xf32, #tpu.memory_space<hbm>> -> memref<1x50x128xf32, #tpu.memory_space<hbm>>
        %dma_wait3A_1349 = tpu.memref_squeeze %dma_wait3A_1348 : memref<1x50x128xf32, #tpu.memory_space<hbm>> -> memref<50x128xf32, #tpu.memory_space<hbm>>
        %dma_wait3A_1350 = tpu.memref_slice %arg8[%dma_wait3A_1338] : memref<16x!tpu.dma_semaphore, #tpu.memory_space<semaphore_mem>> -> memref<1x!tpu.dma_semaphore, #tpu.memory_space<semaphore_mem>>
        %dma_wait3A_1351 = tpu.memref_squeeze %dma_wait3A_1350 : memref<1x!tpu.dma_semaphore, #tpu.memory_space<semaphore_mem>> -> memref<!tpu.dma_semaphore, #tpu.memory_space<semaphore_mem>>
        %dma_wait3A_1352 = arith.constant 0 : i32
        %dma_wait3A_1353 = arith.constant 0 : i32
        %dma_wait3A_1354 = tpu.memref_slice %arg4[%add3A_1336, %dma_wait3A_1352, %dma_wait3A_1353] : memref<16384x56x128xf32, #tpu.memory_space<hbm>> -> memref<1x50x128xf32, #tpu.memory_space<hbm>>
        %dma_wait3A_1355 = tpu.memref_squeeze %dma_wait3A_1354 : memref<1x50x128xf32, #tpu.memory_space<hbm>> -> memref<50x128xf32, #tpu.memory_space<hbm>>
        %dma_wait3A_1356 = arith.constant 0 : i32
        %dma_wait3A_1357 = arith.constant 0 : i32
        %dma_wait3A_1358 = tpu.memref_slice %arg6[%dma_wait3A_1337, %dma_wait3A_1356, %dma_wait3A_1357] : memref<4x200x128xf32, #tpu.memory_space<vmem>> -> memref<1x200x128xf32, #tpu.memory_space<vmem>>
        %dma_wait3A_1359 = tpu.memref_squeeze %dma_wait3A_1358 : memref<1x200x128xf32, #tpu.memory_space<vmem>> -> memref<200x128xf32, #tpu.memory_space<vmem>>
        %dma_wait3A_1360 = arith.constant 150 : i32
        %dma_wait3A_1361 = arith.constant 0 : i32
        %dma_wait3A_1362 = tpu.memref_slice %dma_wait3A_1359[%dma_wait3A_1360, %dma_wait3A_1361] : memref<200x128xf32, #tpu.memory_space<vmem>> -> memref<50x128xf32, #tpu.memory_space<vmem>>
        tpu.wait_dma2 semaphore(%dma_wait3A_1351 : memref<!tpu.dma_semaphore, #tpu.memory_space<semaphore_mem>>) src(%dma_wait3A_1362 : memref<50x128xf32, #tpu.memory_space<vmem>>) dst(%dma_wait3A_1355 : memref<50x128xf32, #tpu.memory_space<hbm>>)
      } else {
      }
      %lt3A_1065 = arith.constant 128 : i32
      %lt3A_1066 = arith.cmpi slt, %add3A_1056, %lt3A_1065 : i32
      %convert_element_type3A_1067 = arith.extui %lt3A_1066 : i1 to i32
      %cond3A_1068 = arith.constant 0 : i32
      %cond3A_1069 = arith.cmpi ne, %convert_element_type3A_1067, %cond3A_1068 : i32
      scf.if %cond3A_1069 {
        %mul3A_1243 = arith.constant 200 : i32
        %mul3A_1244 = arith.muli %add3A_1056, %mul3A_1243 : i32
        %add3A_1245 = arith.constant 0 : i32
        %add3A_1246 = arith.addi %mul3A_1244, %add3A_1245 : i32
        %dma_start3A_1247 = arith.constant 0 : i32
        %dma_start3A_1248 = arith.constant 0 : i32
        %dma_start3A_1249 = arith.constant 0 : i32
        %dma_start3A_1250 = arith.constant 0 : i32
        %dma_start3A_1251 = tpu.memref_slice %arg6[%dma_start3A_1247, %dma_start3A_1249, %dma_start3A_1250] : memref<4x200x128xf32, #tpu.memory_space<vmem>> -> memref<1x200x128xf32, #tpu.memory_space<vmem>>
        %dma_start3A_1252 = tpu.memref_squeeze %dma_start3A_1251 : memref<1x200x128xf32, #tpu.memory_space<vmem>> -> memref<200x128xf32, #tpu.memory_space<vmem>>
        %dma_start3A_1253 = arith.constant 0 : i32
        %dma_start3A_1254 = arith.constant 0 : i32
        %dma_start3A_1255 = tpu.memref_slice %dma_start3A_1252[%dma_start3A_1253, %dma_start3A_1254] : memref<200x128xf32, #tpu.memory_space<vmem>> -> memref<128x128xf32, #tpu.memory_space<vmem>>
        %dma_start3A_1256 = tpu.memref_slice %arg5[%add3A_1246] : memref<25600xi32, #tpu.memory_space<vmem>> -> memref<128xi32, #tpu.memory_space<vmem>>
        %dma_start3A_1257 = arith.constant 0 : i32
        %dma_start3A_1258 = arith.constant 0 : i32
        %dma_start3A_1259 = tpu.memref_slice %arg2[%dma_start3A_1257, %dma_start3A_1258] : memref<1000000x128xf32, #tpu.memory_space<hbm>> -> memref<1000000x128xf32, #tpu.memory_space<hbm>>
        %dma_start3A_1260 = tpu.memref_slice %arg7[%dma_start3A_1248] : memref<8x!tpu.dma_semaphore, #tpu.memory_space<semaphore_mem>> -> memref<1x!tpu.dma_semaphore, #tpu.memory_space<semaphore_mem>>
        %dma_start3A_1261 = tpu.memref_squeeze %dma_start3A_1260 : memref<1x!tpu.dma_semaphore, #tpu.memory_space<semaphore_mem>> -> memref<!tpu.dma_semaphore, #tpu.memory_space<semaphore_mem>>
        tpu.enqueue_indirect_dma source(%dma_start3A_1259 : memref<1000000x128xf32, #tpu.memory_space<hbm>>) target(%dma_start3A_1255 : memref<128x128xf32, #tpu.memory_space<vmem>>) offsets(%dma_start3A_1256 : memref<128xi32, #tpu.memory_space<vmem>>) semaphore(%dma_start3A_1261 : memref<!tpu.dma_semaphore, #tpu.memory_space<semaphore_mem>>)
        %mul3A_1262 = arith.constant 200 : i32
        %mul3A_1263 = arith.muli %add3A_1056, %mul3A_1262 : i32
        %add3A_1264 = arith.constant 128 : i32
        %add3A_1265 = arith.addi %mul3A_1263, %add3A_1264 : i32
        %dma_start3A_1266 = arith.constant 0 : i32
        %dma_start3A_1267 = arith.constant 1 : i32
        %dma_start3A_1268 = arith.constant 0 : i32
        %dma_start3A_1269 = arith.constant 0 : i32
        %dma_start3A_1270 = tpu.memref_slice %arg6[%dma_start3A_1266, %dma_start3A_1268, %dma_start3A_1269] : memref<4x200x128xf32, #tpu.memory_space<vmem>> -> memref<1x200x128xf32, #tpu.memory_space<vmem>>
        %dma_start3A_1271 = tpu.memref_squeeze %dma_start3A_1270 : memref<1x200x128xf32, #tpu.memory_space<vmem>> -> memref<200x128xf32, #tpu.memory_space<vmem>>
        %dma_start3A_1272 = arith.constant 128 : i32
        %dma_start3A_1273 = arith.constant 0 : i32
        %dma_start3A_1274 = tpu.memref_slice %dma_start3A_1271[%dma_start3A_1272, %dma_start3A_1273] : memref<200x128xf32, #tpu.memory_space<vmem>> -> memref<72x128xf32, #tpu.memory_space<vmem>>
        %dma_start3A_1275 = tpu.memref_slice %arg5[%add3A_1265] : memref<25600xi32, #tpu.memory_space<vmem>> -> memref<72xi32, #tpu.memory_space<vmem>>
        %dma_start3A_1276 = arith.constant 0 : i32
        %dma_start3A_1277 = arith.constant 0 : i32
        %dma_start3A_1278 = tpu.memref_slice %arg2[%dma_start3A_1276, %dma_start3A_1277] : memref<1000000x128xf32, #tpu.memory_space<hbm>> -> memref<1000000x128xf32, #tpu.memory_space<hbm>>
        %dma_start3A_1279 = tpu.memref_slice %arg7[%dma_start3A_1267] : memref<8x!tpu.dma_semaphore, #tpu.memory_space<semaphore_mem>> -> memref<1x!tpu.dma_semaphore, #tpu.memory_space<semaphore_mem>>
        %dma_start3A_1280 = tpu.memref_squeeze %dma_start3A_1279 : memref<1x!tpu.dma_semaphore, #tpu.memory_space<semaphore_mem>> -> memref<!tpu.dma_semaphore, #tpu.memory_space<semaphore_mem>>
        tpu.enqueue_indirect_dma source(%dma_start3A_1278 : memref<1000000x128xf32, #tpu.memory_space<hbm>>) target(%dma_start3A_1274 : memref<72x128xf32, #tpu.memory_space<vmem>>) offsets(%dma_start3A_1275 : memref<72xi32, #tpu.memory_space<vmem>>) semaphore(%dma_start3A_1280 : memref<!tpu.dma_semaphore, #tpu.memory_space<semaphore_mem>>)
      } else {
      }
      %add3A_1070 = arith.constant 3 : i32
      %add3A_1071 = arith.addi %add3A_555, %add3A_1070 : i32
      %dma_wait3A_1072 = arith.constant 3 : i32
      %dma_wait3A_1073 = arith.constant 6 : i32
      %dma_wait3A_1074 = arith.constant 0 : i32
      %dma_wait3A_1075 = arith.constant 0 : i32
      %dma_wait3A_1076 = tpu.memref_slice %arg6[%dma_wait3A_1072, %dma_wait3A_1074, %dma_wait3A_1075] : memref<4x200x128xf32, #tpu.memory_space<vmem>> -> memref<1x200x128xf32, #tpu.memory_space<vmem>>
      %dma_wait3A_1077 = tpu.memref_squeeze %dma_wait3A_1076 : memref<1x200x128xf32, #tpu.memory_space<vmem>> -> memref<200x128xf32, #tpu.memory_space<vmem>>
      %dma_wait3A_1078 = arith.constant 0 : i32
      %dma_wait3A_1079 = arith.constant 0 : i32
      %dma_wait3A_1080 = tpu.memref_slice %dma_wait3A_1077[%dma_wait3A_1078, %dma_wait3A_1079] : memref<200x128xf32, #tpu.memory_space<vmem>> -> memref<128x128xf32, #tpu.memory_space<vmem>>
      %dma_wait3A_1081 = arith.constant 0 : i32
      %dma_wait3A_1082 = tpu.memref_slice %arg5[%dma_wait3A_1081] : memref<25600xi32, #tpu.memory_space<vmem>> -> memref<128xi32, #tpu.memory_space<vmem>>
      %dma_wait3A_1083 = arith.constant 0 : i32
      %dma_wait3A_1084 = arith.constant 0 : i32
      %dma_wait3A_1085 = tpu.memref_slice %arg2[%dma_wait3A_1083, %dma_wait3A_1084] : memref<1000000x128xf32, #tpu.memory_space<hbm>> -> memref<1000000x128xf32, #tpu.memory_space<hbm>>
      %dma_wait3A_1086 = tpu.memref_slice %arg7[%dma_wait3A_1073] : memref<8x!tpu.dma_semaphore, #tpu.memory_space<semaphore_mem>> -> memref<1x!tpu.dma_semaphore, #tpu.memory_space<semaphore_mem>>
      %dma_wait3A_1087 = tpu.memref_squeeze %dma_wait3A_1086 : memref<1x!tpu.dma_semaphore, #tpu.memory_space<semaphore_mem>> -> memref<!tpu.dma_semaphore, #tpu.memory_space<semaphore_mem>>
      tpu.wait_indirect_dma semaphore(%dma_wait3A_1087 : memref<!tpu.dma_semaphore, #tpu.memory_space<semaphore_mem>>) src(%dma_wait3A_1085 : memref<1000000x128xf32, #tpu.memory_space<hbm>>) dst(%dma_wait3A_1080 : memref<128x128xf32, #tpu.memory_space<vmem>>)
      %dma_wait3A_1088 = arith.constant 3 : i32
      %dma_wait3A_1089 = arith.constant 7 : i32
      %dma_wait3A_1090 = arith.constant 0 : i32
      %dma_wait3A_1091 = arith.constant 0 : i32
      %dma_wait3A_1092 = tpu.memref_slice %arg6[%dma_wait3A_1088, %dma_wait3A_1090, %dma_wait3A_1091] : memref<4x200x128xf32, #tpu.memory_space<vmem>> -> memref<1x200x128xf32, #tpu.memory_space<vmem>>
      %dma_wait3A_1093 = tpu.memref_squeeze %dma_wait3A_1092 : memref<1x200x128xf32, #tpu.memory_space<vmem>> -> memref<200x128xf32, #tpu.memory_space<vmem>>
      %dma_wait3A_1094 = arith.constant 128 : i32
      %dma_wait3A_1095 = arith.constant 0 : i32
      %dma_wait3A_1096 = tpu.memref_slice %dma_wait3A_1093[%dma_wait3A_1094, %dma_wait3A_1095] : memref<200x128xf32, #tpu.memory_space<vmem>> -> memref<72x128xf32, #tpu.memory_space<vmem>>
      %dma_wait3A_1097 = arith.constant 128 : i32
      %dma_wait3A_1098 = tpu.memref_slice %arg5[%dma_wait3A_1097] : memref<25600xi32, #tpu.memory_space<vmem>> -> memref<72xi32, #tpu.memory_space<vmem>>
      %dma_wait3A_1099 = arith.constant 0 : i32
      %dma_wait3A_1100 = arith.constant 0 : i32
      %dma_wait3A_1101 = tpu.memref_slice %arg2[%dma_wait3A_1099, %dma_wait3A_1100] : memref<1000000x128xf32, #tpu.memory_space<hbm>> -> memref<1000000x128xf32, #tpu.memory_space<hbm>>
      %dma_wait3A_1102 = tpu.memref_slice %arg7[%dma_wait3A_1089] : memref<8x!tpu.dma_semaphore, #tpu.memory_space<semaphore_mem>> -> memref<1x!tpu.dma_semaphore, #tpu.memory_space<semaphore_mem>>
      %dma_wait3A_1103 = tpu.memref_squeeze %dma_wait3A_1102 : memref<1x!tpu.dma_semaphore, #tpu.memory_space<semaphore_mem>> -> memref<!tpu.dma_semaphore, #tpu.memory_space<semaphore_mem>>
      tpu.wait_indirect_dma semaphore(%dma_wait3A_1103 : memref<!tpu.dma_semaphore, #tpu.memory_space<semaphore_mem>>) src(%dma_wait3A_1101 : memref<1000000x128xf32, #tpu.memory_space<hbm>>) dst(%dma_wait3A_1096 : memref<72x128xf32, #tpu.memory_space<vmem>>)
      %mul3A_1104 = arith.constant 4 : i32
      %mul3A_1105 = arith.muli %add3A_1071, %mul3A_1104 : i32
      %add3A_1106 = arith.addi %mul3A_4, %mul3A_1105 : i32
      %add3A_1107 = arith.constant 0 : i32
      %add3A_1108 = arith.addi %add3A_1106, %add3A_1107 : i32
      %dma_start3A_1109 = arith.constant 3 : i32
      %dma_start3A_1110 = arith.constant 12 : i32
      %dma_start3A_1111 = arith.constant 0 : i32
      %dma_start3A_1112 = arith.constant 0 : i32
      %dma_start3A_1113 = tpu.memref_slice %arg6[%dma_start3A_1109, %dma_start3A_1111, %dma_start3A_1112] : memref<4x200x128xf32, #tpu.memory_space<vmem>> -> memref<1x200x128xf32, #tpu.memory_space<vmem>>
      %dma_start3A_1114 = tpu.memref_squeeze %dma_start3A_1113 : memref<1x200x128xf32, #tpu.memory_space<vmem>> -> memref<200x128xf32, #tpu.memory_space<vmem>>
      %dma_start3A_1115 = arith.constant 0 : i32
      %dma_start3A_1116 = arith.constant 0 : i32
      %dma_start3A_1117 = tpu.memref_slice %dma_start3A_1114[%dma_start3A_1115, %dma_start3A_1116] : memref<200x128xf32, #tpu.memory_space<vmem>> -> memref<50x128xf32, #tpu.memory_space<vmem>>
      %dma_start3A_1118 = arith.constant 0 : i32
      %dma_start3A_1119 = arith.constant 0 : i32
      %dma_start3A_1120 = tpu.memref_slice %arg4[%add3A_1108, %dma_start3A_1118, %dma_start3A_1119] : memref<16384x56x128xf32, #tpu.memory_space<hbm>> -> memref<1x50x128xf32, #tpu.memory_space<hbm>>
      %dma_start3A_1121 = tpu.memref_squeeze %dma_start3A_1120 : memref<1x50x128xf32, #tpu.memory_space<hbm>> -> memref<50x128xf32, #tpu.memory_space<hbm>>
      %dma_start3A_1122 = tpu.memref_slice %arg8[%dma_start3A_1110] : memref<16x!tpu.dma_semaphore, #tpu.memory_space<semaphore_mem>> -> memref<1x!tpu.dma_semaphore, #tpu.memory_space<semaphore_mem>>
      %dma_start3A_1123 = tpu.memref_squeeze %dma_start3A_1122 : memref<1x!tpu.dma_semaphore, #tpu.memory_space<semaphore_mem>> -> memref<!tpu.dma_semaphore, #tpu.memory_space<semaphore_mem>>
      %dma_start3A_1124 = arith.constant 0 : i32
      %dma_start3A_1125 = arith.constant 0 : i32
      %dma_start3A_1126 = tpu.memref_slice %arg4[%add3A_1108, %dma_start3A_1124, %dma_start3A_1125] : memref<16384x56x128xf32, #tpu.memory_space<hbm>> -> memref<1x50x128xf32, #tpu.memory_space<hbm>>
      %dma_start3A_1127 = tpu.memref_squeeze %dma_start3A_1126 : memref<1x50x128xf32, #tpu.memory_space<hbm>> -> memref<50x128xf32, #tpu.memory_space<hbm>>
      %dma_start3A_1128 = arith.constant 0 : i32
      %dma_start3A_1129 = arith.constant 0 : i32
      %dma_start3A_1130 = tpu.memref_slice %arg6[%dma_start3A_1109, %dma_start3A_1128, %dma_start3A_1129] : memref<4x200x128xf32, #tpu.memory_space<vmem>> -> memref<1x200x128xf32, #tpu.memory_space<vmem>>
      %dma_start3A_1131 = tpu.memref_squeeze %dma_start3A_1130 : memref<1x200x128xf32, #tpu.memory_space<vmem>> -> memref<200x128xf32, #tpu.memory_space<vmem>>
      %dma_start3A_1132 = arith.constant 0 : i32
      %dma_start3A_1133 = arith.constant 0 : i32
      %dma_start3A_1134 = tpu.memref_slice %dma_start3A_1131[%dma_start3A_1132, %dma_start3A_1133] : memref<200x128xf32, #tpu.memory_space<vmem>> -> memref<50x128xf32, #tpu.memory_space<vmem>>
      tpu.enqueue_dma source(%dma_start3A_1134 : memref<50x128xf32, #tpu.memory_space<vmem>>) target(%dma_start3A_1127 : memref<50x128xf32, #tpu.memory_space<hbm>>) target_semaphore(%dma_start3A_1123 : memref<!tpu.dma_semaphore, #tpu.memory_space<semaphore_mem>>)
      %mul3A_1135 = arith.constant 4 : i32
      %mul3A_1136 = arith.muli %add3A_1071, %mul3A_1135 : i32
      %add3A_1137 = arith.addi %mul3A_4, %mul3A_1136 : i32
      %add3A_1138 = arith.constant 1 : i32
      %add3A_1139 = arith.addi %add3A_1137, %add3A_1138 : i32
      %dma_start3A_1140 = arith.constant 3 : i32
      %dma_start3A_1141 = arith.constant 13 : i32
      %dma_start3A_1142 = arith.constant 0 : i32
      %dma_start3A_1143 = arith.constant 0 : i32
      %dma_start3A_1144 = tpu.memref_slice %arg6[%dma_start3A_1140, %dma_start3A_1142, %dma_start3A_1143] : memref<4x200x128xf32, #tpu.memory_space<vmem>> -> memref<1x200x128xf32, #tpu.memory_space<vmem>>
      %dma_start3A_1145 = tpu.memref_squeeze %dma_start3A_1144 : memref<1x200x128xf32, #tpu.memory_space<vmem>> -> memref<200x128xf32, #tpu.memory_space<vmem>>
      %dma_start3A_1146 = arith.constant 50 : i32
      %dma_start3A_1147 = arith.constant 0 : i32
      %dma_start3A_1148 = tpu.memref_slice %dma_start3A_1145[%dma_start3A_1146, %dma_start3A_1147] : memref<200x128xf32, #tpu.memory_space<vmem>> -> memref<50x128xf32, #tpu.memory_space<vmem>>
      %dma_start3A_1149 = arith.constant 0 : i32
      %dma_start3A_1150 = arith.constant 0 : i32
      %dma_start3A_1151 = tpu.memref_slice %arg4[%add3A_1139, %dma_start3A_1149, %dma_start3A_1150] : memref<16384x56x128xf32, #tpu.memory_space<hbm>> -> memref<1x50x128xf32, #tpu.memory_space<hbm>>
      %dma_start3A_1152 = tpu.memref_squeeze %dma_start3A_1151 : memref<1x50x128xf32, #tpu.memory_space<hbm>> -> memref<50x128xf32, #tpu.memory_space<hbm>>
      %dma_start3A_1153 = tpu.memref_slice %arg8[%dma_start3A_1141] : memref<16x!tpu.dma_semaphore, #tpu.memory_space<semaphore_mem>> -> memref<1x!tpu.dma_semaphore, #tpu.memory_space<semaphore_mem>>
      %dma_start3A_1154 = tpu.memref_squeeze %dma_start3A_1153 : memref<1x!tpu.dma_semaphore, #tpu.memory_space<semaphore_mem>> -> memref<!tpu.dma_semaphore, #tpu.memory_space<semaphore_mem>>
      %dma_start3A_1155 = arith.constant 0 : i32
      %dma_start3A_1156 = arith.constant 0 : i32
      %dma_start3A_1157 = tpu.memref_slice %arg4[%add3A_1139, %dma_start3A_1155, %dma_start3A_1156] : memref<16384x56x128xf32, #tpu.memory_space<hbm>> -> memref<1x50x128xf32, #tpu.memory_space<hbm>>
      %dma_start3A_1158 = tpu.memref_squeeze %dma_start3A_1157 : memref<1x50x128xf32, #tpu.memory_space<hbm>> -> memref<50x128xf32, #tpu.memory_space<hbm>>
      %dma_start3A_1159 = arith.constant 0 : i32
      %dma_start3A_1160 = arith.constant 0 : i32
      %dma_start3A_1161 = tpu.memref_slice %arg6[%dma_start3A_1140, %dma_start3A_1159, %dma_start3A_1160] : memref<4x200x128xf32, #tpu.memory_space<vmem>> -> memref<1x200x128xf32, #tpu.memory_space<vmem>>
      %dma_start3A_1162 = tpu.memref_squeeze %dma_start3A_1161 : memref<1x200x128xf32, #tpu.memory_space<vmem>> -> memref<200x128xf32, #tpu.memory_space<vmem>>
      %dma_start3A_1163 = arith.constant 50 : i32
      %dma_start3A_1164 = arith.constant 0 : i32
      %dma_start3A_1165 = tpu.memref_slice %dma_start3A_1162[%dma_start3A_1163, %dma_start3A_1164] : memref<200x128xf32, #tpu.memory_space<vmem>> -> memref<50x128xf32, #tpu.memory_space<vmem>>
      tpu.enqueue_dma source(%dma_start3A_1165 : memref<50x128xf32, #tpu.memory_space<vmem>>) target(%dma_start3A_1158 : memref<50x128xf32, #tpu.memory_space<hbm>>) target_semaphore(%dma_start3A_1154 : memref<!tpu.dma_semaphore, #tpu.memory_space<semaphore_mem>>)
      %mul3A_1166 = arith.constant 4 : i32
      %mul3A_1167 = arith.muli %add3A_1071, %mul3A_1166 : i32
      %add3A_1168 = arith.addi %mul3A_4, %mul3A_1167 : i32
      %add3A_1169 = arith.constant 2 : i32
      %add3A_1170 = arith.addi %add3A_1168, %add3A_1169 : i32
      %dma_start3A_1171 = arith.constant 3 : i32
      %dma_start3A_1172 = arith.constant 14 : i32
      %dma_start3A_1173 = arith.constant 0 : i32
      %dma_start3A_1174 = arith.constant 0 : i32
      %dma_start3A_1175 = tpu.memref_slice %arg6[%dma_start3A_1171, %dma_start3A_1173, %dma_start3A_1174] : memref<4x200x128xf32, #tpu.memory_space<vmem>> -> memref<1x200x128xf32, #tpu.memory_space<vmem>>
      %dma_start3A_1176 = tpu.memref_squeeze %dma_start3A_1175 : memref<1x200x128xf32, #tpu.memory_space<vmem>> -> memref<200x128xf32, #tpu.memory_space<vmem>>
      %dma_start3A_1177 = arith.constant 100 : i32
      %dma_start3A_1178 = arith.constant 0 : i32
      %dma_start3A_1179 = tpu.memref_slice %dma_start3A_1176[%dma_start3A_1177, %dma_start3A_1178] : memref<200x128xf32, #tpu.memory_space<vmem>> -> memref<50x128xf32, #tpu.memory_space<vmem>>
      %dma_start3A_1180 = arith.constant 0 : i32
      %dma_start3A_1181 = arith.constant 0 : i32
      %dma_start3A_1182 = tpu.memref_slice %arg4[%add3A_1170, %dma_start3A_1180, %dma_start3A_1181] : memref<16384x56x128xf32, #tpu.memory_space<hbm>> -> memref<1x50x128xf32, #tpu.memory_space<hbm>>
      %dma_start3A_1183 = tpu.memref_squeeze %dma_start3A_1182 : memref<1x50x128xf32, #tpu.memory_space<hbm>> -> memref<50x128xf32, #tpu.memory_space<hbm>>
      %dma_start3A_1184 = tpu.memref_slice %arg8[%dma_start3A_1172] : memref<16x!tpu.dma_semaphore, #tpu.memory_space<semaphore_mem>> -> memref<1x!tpu.dma_semaphore, #tpu.memory_space<semaphore_mem>>
      %dma_start3A_1185 = tpu.memref_squeeze %dma_start3A_1184 : memref<1x!tpu.dma_semaphore, #tpu.memory_space<semaphore_mem>> -> memref<!tpu.dma_semaphore, #tpu.memory_space<semaphore_mem>>
      %dma_start3A_1186 = arith.constant 0 : i32
      %dma_start3A_1187 = arith.constant 0 : i32
      %dma_start3A_1188 = tpu.memref_slice %arg4[%add3A_1170, %dma_start3A_1186, %dma_start3A_1187] : memref<16384x56x128xf32, #tpu.memory_space<hbm>> -> memref<1x50x128xf32, #tpu.memory_space<hbm>>
      %dma_start3A_1189 = tpu.memref_squeeze %dma_start3A_1188 : memref<1x50x128xf32, #tpu.memory_space<hbm>> -> memref<50x128xf32, #tpu.memory_space<hbm>>
      %dma_start3A_1190 = arith.constant 0 : i32
      %dma_start3A_1191 = arith.constant 0 : i32
      %dma_start3A_1192 = tpu.memref_slice %arg6[%dma_start3A_1171, %dma_start3A_1190, %dma_start3A_1191] : memref<4x200x128xf32, #tpu.memory_space<vmem>> -> memref<1x200x128xf32, #tpu.memory_space<vmem>>
      %dma_start3A_1193 = tpu.memref_squeeze %dma_start3A_1192 : memref<1x200x128xf32, #tpu.memory_space<vmem>> -> memref<200x128xf32, #tpu.memory_space<vmem>>
      %dma_start3A_1194 = arith.constant 100 : i32
      %dma_start3A_1195 = arith.constant 0 : i32
      %dma_start3A_1196 = tpu.memref_slice %dma_start3A_1193[%dma_start3A_1194, %dma_start3A_1195] : memref<200x128xf32, #tpu.memory_space<vmem>> -> memref<50x128xf32, #tpu.memory_space<vmem>>
      tpu.enqueue_dma source(%dma_start3A_1196 : memref<50x128xf32, #tpu.memory_space<vmem>>) target(%dma_start3A_1189 : memref<50x128xf32, #tpu.memory_space<hbm>>) target_semaphore(%dma_start3A_1185 : memref<!tpu.dma_semaphore, #tpu.memory_space<semaphore_mem>>)
      %mul3A_1197 = arith.constant 4 : i32
      %mul3A_1198 = arith.muli %add3A_1071, %mul3A_1197 : i32
      %add3A_1199 = arith.addi %mul3A_4, %mul3A_1198 : i32
      %add3A_1200 = arith.constant 3 : i32
      %add3A_1201 = arith.addi %add3A_1199, %add3A_1200 : i32
      %dma_start3A_1202 = arith.constant 3 : i32
      %dma_start3A_1203 = arith.constant 15 : i32
      %dma_start3A_1204 = arith.constant 0 : i32
      %dma_start3A_1205 = arith.constant 0 : i32
      %dma_start3A_1206 = tpu.memref_slice %arg6[%dma_start3A_1202, %dma_start3A_1204, %dma_start3A_1205] : memref<4x200x128xf32, #tpu.memory_space<vmem>> -> memref<1x200x128xf32, #tpu.memory_space<vmem>>
      %dma_start3A_1207 = tpu.memref_squeeze %dma_start3A_1206 : memref<1x200x128xf32, #tpu.memory_space<vmem>> -> memref<200x128xf32, #tpu.memory_space<vmem>>
      %dma_start3A_1208 = arith.constant 150 : i32
      %dma_start3A_1209 = arith.constant 0 : i32
      %dma_start3A_1210 = tpu.memref_slice %dma_start3A_1207[%dma_start3A_1208, %dma_start3A_1209] : memref<200x128xf32, #tpu.memory_space<vmem>> -> memref<50x128xf32, #tpu.memory_space<vmem>>
      %dma_start3A_1211 = arith.constant 0 : i32
      %dma_start3A_1212 = arith.constant 0 : i32
      %dma_start3A_1213 = tpu.memref_slice %arg4[%add3A_1201, %dma_start3A_1211, %dma_start3A_1212] : memref<16384x56x128xf32, #tpu.memory_space<hbm>> -> memref<1x50x128xf32, #tpu.memory_space<hbm>>
      %dma_start3A_1214 = tpu.memref_squeeze %dma_start3A_1213 : memref<1x50x128xf32, #tpu.memory_space<hbm>> -> memref<50x128xf32, #tpu.memory_space<hbm>>
      %dma_start3A_1215 = tpu.memref_slice %arg8[%dma_start3A_1203] : memref<16x!tpu.dma_semaphore, #tpu.memory_space<semaphore_mem>> -> memref<1x!tpu.dma_semaphore, #tpu.memory_space<semaphore_mem>>
      %dma_start3A_1216 = tpu.memref_squeeze %dma_start3A_1215 : memref<1x!tpu.dma_semaphore, #tpu.memory_space<semaphore_mem>> -> memref<!tpu.dma_semaphore, #tpu.memory_space<semaphore_mem>>
      %dma_start3A_1217 = arith.constant 0 : i32
      %dma_start3A_1218 = arith.constant 0 : i32
      %dma_start3A_1219 = tpu.memref_slice %arg4[%add3A_1201, %dma_start3A_1217, %dma_start3A_1218] : memref<16384x56x128xf32, #tpu.memory_space<hbm>> -> memref<1x50x128xf32, #tpu.memory_space<hbm>>
      %dma_start3A_1220 = tpu.memref_squeeze %dma_start3A_1219 : memref<1x50x128xf32, #tpu.memory_space<hbm>> -> memref<50x128xf32, #tpu.memory_space<hbm>>
      %dma_start3A_1221 = arith.constant 0 : i32
      %dma_start3A_1222 = arith.constant 0 : i32
      %dma_start3A_1223 = tpu.memref_slice %arg6[%dma_start3A_1202, %dma_start3A_1221, %dma_start3A_1222] : memref<4x200x128xf32, #tpu.memory_space<vmem>> -> memref<1x200x128xf32, #tpu.memory_space<vmem>>
      %dma_start3A_1224 = tpu.memref_squeeze %dma_start3A_1223 : memref<1x200x128xf32, #tpu.memory_space<vmem>> -> memref<200x128xf32, #tpu.memory_space<vmem>>
      %dma_start3A_1225 = arith.constant 150 : i32
      %dma_start3A_1226 = arith.constant 0 : i32
      %dma_start3A_1227 = tpu.memref_slice %dma_start3A_1224[%dma_start3A_1225, %dma_start3A_1226] : memref<200x128xf32, #tpu.memory_space<vmem>> -> memref<50x128xf32, #tpu.memory_space<vmem>>
      tpu.enqueue_dma source(%dma_start3A_1227 : memref<50x128xf32, #tpu.memory_space<vmem>>) target(%dma_start3A_1220 : memref<50x128xf32, #tpu.memory_space<hbm>>) target_semaphore(%dma_start3A_1216 : memref<!tpu.dma_semaphore, #tpu.memory_space<semaphore_mem>>)
      %add3A_1228 = arith.constant 2 : i32
      %add3A_1229 = arith.addi %add3A_1071, %add3A_1228 : i32
      %lt3A_1230 = arith.constant 128 : i32
      %lt3A_1231 = arith.cmpi slt, %add3A_1229, %lt3A_1230 : i32
      %ge3A_1232 = arith.constant 4 : i32
      %ge3A_1233 = arith.cmpi sge, %add3A_1229, %ge3A_1232 : i32
      %and3A_1234 = arith.andi %lt3A_1231, %ge3A_1233 : i1
      %convert_element_type3A_1235 = arith.extui %and3A_1234 : i1 to i32
      %cond3A_1236 = arith.constant 0 : i32
      %cond3A_1237 = arith.cmpi ne, %convert_element_type3A_1235, %cond3A_1236 : i32
      scf.if %cond3A_1237 {
        %add3A_1243 = arith.constant 0 : i32
        %add3A_1244 = arith.addi %mul3A_4, %add3A_1243 : i32
        %add3A_1245 = arith.constant 0 : i32
        %add3A_1246 = arith.addi %add3A_1244, %add3A_1245 : i32
        %dma_wait3A_1247 = arith.constant 1 : i32
        %dma_wait3A_1248 = arith.constant 4 : i32
        %dma_wait3A_1249 = arith.constant 0 : i32
        %dma_wait3A_1250 = arith.constant 0 : i32
        %dma_wait3A_1251 = tpu.memref_slice %arg6[%dma_wait3A_1247, %dma_wait3A_1249, %dma_wait3A_1250] : memref<4x200x128xf32, #tpu.memory_space<vmem>> -> memref<1x200x128xf32, #tpu.memory_space<vmem>>
        %dma_wait3A_1252 = tpu.memref_squeeze %dma_wait3A_1251 : memref<1x200x128xf32, #tpu.memory_space<vmem>> -> memref<200x128xf32, #tpu.memory_space<vmem>>
        %dma_wait3A_1253 = arith.constant 0 : i32
        %dma_wait3A_1254 = arith.constant 0 : i32
        %dma_wait3A_1255 = tpu.memref_slice %dma_wait3A_1252[%dma_wait3A_1253, %dma_wait3A_1254] : memref<200x128xf32, #tpu.memory_space<vmem>> -> memref<50x128xf32, #tpu.memory_space<vmem>>
        %dma_wait3A_1256 = arith.constant 0 : i32
        %dma_wait3A_1257 = arith.constant 0 : i32
        %dma_wait3A_1258 = tpu.memref_slice %arg4[%add3A_1246, %dma_wait3A_1256, %dma_wait3A_1257] : memref<16384x56x128xf32, #tpu.memory_space<hbm>> -> memref<1x50x128xf32, #tpu.memory_space<hbm>>
        %dma_wait3A_1259 = tpu.memref_squeeze %dma_wait3A_1258 : memref<1x50x128xf32, #tpu.memory_space<hbm>> -> memref<50x128xf32, #tpu.memory_space<hbm>>
        %dma_wait3A_1260 = tpu.memref_slice %arg8[%dma_wait3A_1248] : memref<16x!tpu.dma_semaphore, #tpu.memory_space<semaphore_mem>> -> memref<1x!tpu.dma_semaphore, #tpu.memory_space<semaphore_mem>>
        %dma_wait3A_1261 = tpu.memref_squeeze %dma_wait3A_1260 : memref<1x!tpu.dma_semaphore, #tpu.memory_space<semaphore_mem>> -> memref<!tpu.dma_semaphore, #tpu.memory_space<semaphore_mem>>
        %dma_wait3A_1262 = arith.constant 0 : i32
        %dma_wait3A_1263 = arith.constant 0 : i32
        %dma_wait3A_1264 = tpu.memref_slice %arg4[%add3A_1246, %dma_wait3A_1262, %dma_wait3A_1263] : memref<16384x56x128xf32, #tpu.memory_space<hbm>> -> memref<1x50x128xf32, #tpu.memory_space<hbm>>
        %dma_wait3A_1265 = tpu.memref_squeeze %dma_wait3A_1264 : memref<1x50x128xf32, #tpu.memory_space<hbm>> -> memref<50x128xf32, #tpu.memory_space<hbm>>
        %dma_wait3A_1266 = arith.constant 0 : i32
        %dma_wait3A_1267 = arith.constant 0 : i32
        %dma_wait3A_1268 = tpu.memref_slice %arg6[%dma_wait3A_1247, %dma_wait3A_1266, %dma_wait3A_1267] : memref<4x200x128xf32, #tpu.memory_space<vmem>> -> memref<1x200x128xf32, #tpu.memory_space<vmem>>
        %dma_wait3A_1269 = tpu.memref_squeeze %dma_wait3A_1268 : memref<1x200x128xf32, #tpu.memory_space<vmem>> -> memref<200x128xf32, #tpu.memory_space<vmem>>
        %dma_wait3A_1270 = arith.constant 0 : i32
        %dma_wait3A_1271 = arith.constant 0 : i32
        %dma_wait3A_1272 = tpu.memref_slice %dma_wait3A_1269[%dma_wait3A_1270, %dma_wait3A_1271] : memref<200x128xf32, #tpu.memory_space<vmem>> -> memref<50x128xf32, #tpu.memory_space<vmem>>
        tpu.wait_dma2 semaphore(%dma_wait3A_1261 : memref<!tpu.dma_semaphore, #tpu.memory_space<semaphore_mem>>) src(%dma_wait3A_1272 : memref<50x128xf32, #tpu.memory_space<vmem>>) dst(%dma_wait3A_1265 : memref<50x128xf32, #tpu.memory_space<hbm>>)
        %add3A_1273 = arith.constant 0 : i32
        %add3A_1274 = arith.addi %mul3A_4, %add3A_1273 : i32
        %add3A_1275 = arith.constant 1 : i32
        %add3A_1276 = arith.addi %add3A_1274, %add3A_1275 : i32
        %dma_wait3A_1277 = arith.constant 1 : i32
        %dma_wait3A_1278 = arith.constant 5 : i32
        %dma_wait3A_1279 = arith.constant 0 : i32
        %dma_wait3A_1280 = arith.constant 0 : i32
        %dma_wait3A_1281 = tpu.memref_slice %arg6[%dma_wait3A_1277, %dma_wait3A_1279, %dma_wait3A_1280] : memref<4x200x128xf32, #tpu.memory_space<vmem>> -> memref<1x200x128xf32, #tpu.memory_space<vmem>>
        %dma_wait3A_1282 = tpu.memref_squeeze %dma_wait3A_1281 : memref<1x200x128xf32, #tpu.memory_space<vmem>> -> memref<200x128xf32, #tpu.memory_space<vmem>>
        %dma_wait3A_1283 = arith.constant 50 : i32
        %dma_wait3A_1284 = arith.constant 0 : i32
        %dma_wait3A_1285 = tpu.memref_slice %dma_wait3A_1282[%dma_wait3A_1283, %dma_wait3A_1284] : memref<200x128xf32, #tpu.memory_space<vmem>> -> memref<50x128xf32, #tpu.memory_space<vmem>>
        %dma_wait3A_1286 = arith.constant 0 : i32
        %dma_wait3A_1287 = arith.constant 0 : i32
        %dma_wait3A_1288 = tpu.memref_slice %arg4[%add3A_1276, %dma_wait3A_1286, %dma_wait3A_1287] : memref<16384x56x128xf32, #tpu.memory_space<hbm>> -> memref<1x50x128xf32, #tpu.memory_space<hbm>>
        %dma_wait3A_1289 = tpu.memref_squeeze %dma_wait3A_1288 : memref<1x50x128xf32, #tpu.memory_space<hbm>> -> memref<50x128xf32, #tpu.memory_space<hbm>>
        %dma_wait3A_1290 = tpu.memref_slice %arg8[%dma_wait3A_1278] : memref<16x!tpu.dma_semaphore, #tpu.memory_space<semaphore_mem>> -> memref<1x!tpu.dma_semaphore, #tpu.memory_space<semaphore_mem>>
        %dma_wait3A_1291 = tpu.memref_squeeze %dma_wait3A_1290 : memref<1x!tpu.dma_semaphore, #tpu.memory_space<semaphore_mem>> -> memref<!tpu.dma_semaphore, #tpu.memory_space<semaphore_mem>>
        %dma_wait3A_1292 = arith.constant 0 : i32
        %dma_wait3A_1293 = arith.constant 0 : i32
        %dma_wait3A_1294 = tpu.memref_slice %arg4[%add3A_1276, %dma_wait3A_1292, %dma_wait3A_1293] : memref<16384x56x128xf32, #tpu.memory_space<hbm>> -> memref<1x50x128xf32, #tpu.memory_space<hbm>>
        %dma_wait3A_1295 = tpu.memref_squeeze %dma_wait3A_1294 : memref<1x50x128xf32, #tpu.memory_space<hbm>> -> memref<50x128xf32, #tpu.memory_space<hbm>>
        %dma_wait3A_1296 = arith.constant 0 : i32
        %dma_wait3A_1297 = arith.constant 0 : i32
        %dma_wait3A_1298 = tpu.memref_slice %arg6[%dma_wait3A_1277, %dma_wait3A_1296, %dma_wait3A_1297] : memref<4x200x128xf32, #tpu.memory_space<vmem>> -> memref<1x200x128xf32, #tpu.memory_space<vmem>>
        %dma_wait3A_1299 = tpu.memref_squeeze %dma_wait3A_1298 : memref<1x200x128xf32, #tpu.memory_space<vmem>> -> memref<200x128xf32, #tpu.memory_space<vmem>>
        %dma_wait3A_1300 = arith.constant 50 : i32
        %dma_wait3A_1301 = arith.constant 0 : i32
        %dma_wait3A_1302 = tpu.memref_slice %dma_wait3A_1299[%dma_wait3A_1300, %dma_wait3A_1301] : memref<200x128xf32, #tpu.memory_space<vmem>> -> memref<50x128xf32, #tpu.memory_space<vmem>>
        tpu.wait_dma2 semaphore(%dma_wait3A_1291 : memref<!tpu.dma_semaphore, #tpu.memory_space<semaphore_mem>>) src(%dma_wait3A_1302 : memref<50x128xf32, #tpu.memory_space<vmem>>) dst(%dma_wait3A_1295 : memref<50x128xf32, #tpu.memory_space<hbm>>)
        %add3A_1303 = arith.constant 0 : i32
        %add3A_1304 = arith.addi %mul3A_4, %add3A_1303 : i32
        %add3A_1305 = arith.constant 2 : i32
        %add3A_1306 = arith.addi %add3A_1304, %add3A_1305 : i32
        %dma_wait3A_1307 = arith.constant 1 : i32
        %dma_wait3A_1308 = arith.constant 6 : i32
        %dma_wait3A_1309 = arith.constant 0 : i32
        %dma_wait3A_1310 = arith.constant 0 : i32
        %dma_wait3A_1311 = tpu.memref_slice %arg6[%dma_wait3A_1307, %dma_wait3A_1309, %dma_wait3A_1310] : memref<4x200x128xf32, #tpu.memory_space<vmem>> -> memref<1x200x128xf32, #tpu.memory_space<vmem>>
        %dma_wait3A_1312 = tpu.memref_squeeze %dma_wait3A_1311 : memref<1x200x128xf32, #tpu.memory_space<vmem>> -> memref<200x128xf32, #tpu.memory_space<vmem>>
        %dma_wait3A_1313 = arith.constant 100 : i32
        %dma_wait3A_1314 = arith.constant 0 : i32
        %dma_wait3A_1315 = tpu.memref_slice %dma_wait3A_1312[%dma_wait3A_1313, %dma_wait3A_1314] : memref<200x128xf32, #tpu.memory_space<vmem>> -> memref<50x128xf32, #tpu.memory_space<vmem>>
        %dma_wait3A_1316 = arith.constant 0 : i32
        %dma_wait3A_1317 = arith.constant 0 : i32
        %dma_wait3A_1318 = tpu.memref_slice %arg4[%add3A_1306, %dma_wait3A_1316, %dma_wait3A_1317] : memref<16384x56x128xf32, #tpu.memory_space<hbm>> -> memref<1x50x128xf32, #tpu.memory_space<hbm>>
        %dma_wait3A_1319 = tpu.memref_squeeze %dma_wait3A_1318 : memref<1x50x128xf32, #tpu.memory_space<hbm>> -> memref<50x128xf32, #tpu.memory_space<hbm>>
        %dma_wait3A_1320 = tpu.memref_slice %arg8[%dma_wait3A_1308] : memref<16x!tpu.dma_semaphore, #tpu.memory_space<semaphore_mem>> -> memref<1x!tpu.dma_semaphore, #tpu.memory_space<semaphore_mem>>
        %dma_wait3A_1321 = tpu.memref_squeeze %dma_wait3A_1320 : memref<1x!tpu.dma_semaphore, #tpu.memory_space<semaphore_mem>> -> memref<!tpu.dma_semaphore, #tpu.memory_space<semaphore_mem>>
        %dma_wait3A_1322 = arith.constant 0 : i32
        %dma_wait3A_1323 = arith.constant 0 : i32
        %dma_wait3A_1324 = tpu.memref_slice %arg4[%add3A_1306, %dma_wait3A_1322, %dma_wait3A_1323] : memref<16384x56x128xf32, #tpu.memory_space<hbm>> -> memref<1x50x128xf32, #tpu.memory_space<hbm>>
        %dma_wait3A_1325 = tpu.memref_squeeze %dma_wait3A_1324 : memref<1x50x128xf32, #tpu.memory_space<hbm>> -> memref<50x128xf32, #tpu.memory_space<hbm>>
        %dma_wait3A_1326 = arith.constant 0 : i32
        %dma_wait3A_1327 = arith.constant 0 : i32
        %dma_wait3A_1328 = tpu.memref_slice %arg6[%dma_wait3A_1307, %dma_wait3A_1326, %dma_wait3A_1327] : memref<4x200x128xf32, #tpu.memory_space<vmem>> -> memref<1x200x128xf32, #tpu.memory_space<vmem>>
        %dma_wait3A_1329 = tpu.memref_squeeze %dma_wait3A_1328 : memref<1x200x128xf32, #tpu.memory_space<vmem>> -> memref<200x128xf32, #tpu.memory_space<vmem>>
        %dma_wait3A_1330 = arith.constant 100 : i32
        %dma_wait3A_1331 = arith.constant 0 : i32
        %dma_wait3A_1332 = tpu.memref_slice %dma_wait3A_1329[%dma_wait3A_1330, %dma_wait3A_1331] : memref<200x128xf32, #tpu.memory_space<vmem>> -> memref<50x128xf32, #tpu.memory_space<vmem>>
        tpu.wait_dma2 semaphore(%dma_wait3A_1321 : memref<!tpu.dma_semaphore, #tpu.memory_space<semaphore_mem>>) src(%dma_wait3A_1332 : memref<50x128xf32, #tpu.memory_space<vmem>>) dst(%dma_wait3A_1325 : memref<50x128xf32, #tpu.memory_space<hbm>>)
        %add3A_1333 = arith.constant 0 : i32
        %add3A_1334 = arith.addi %mul3A_4, %add3A_1333 : i32
        %add3A_1335 = arith.constant 3 : i32
        %add3A_1336 = arith.addi %add3A_1334, %add3A_1335 : i32
        %dma_wait3A_1337 = arith.constant 1 : i32
        %dma_wait3A_1338 = arith.constant 7 : i32
        %dma_wait3A_1339 = arith.constant 0 : i32
        %dma_wait3A_1340 = arith.constant 0 : i32
        %dma_wait3A_1341 = tpu.memref_slice %arg6[%dma_wait3A_1337, %dma_wait3A_1339, %dma_wait3A_1340] : memref<4x200x128xf32, #tpu.memory_space<vmem>> -> memref<1x200x128xf32, #tpu.memory_space<vmem>>
        %dma_wait3A_1342 = tpu.memref_squeeze %dma_wait3A_1341 : memref<1x200x128xf32, #tpu.memory_space<vmem>> -> memref<200x128xf32, #tpu.memory_space<vmem>>
        %dma_wait3A_1343 = arith.constant 150 : i32
        %dma_wait3A_1344 = arith.constant 0 : i32
        %dma_wait3A_1345 = tpu.memref_slice %dma_wait3A_1342[%dma_wait3A_1343, %dma_wait3A_1344] : memref<200x128xf32, #tpu.memory_space<vmem>> -> memref<50x128xf32, #tpu.memory_space<vmem>>
        %dma_wait3A_1346 = arith.constant 0 : i32
        %dma_wait3A_1347 = arith.constant 0 : i32
        %dma_wait3A_1348 = tpu.memref_slice %arg4[%add3A_1336, %dma_wait3A_1346, %dma_wait3A_1347] : memref<16384x56x128xf32, #tpu.memory_space<hbm>> -> memref<1x50x128xf32, #tpu.memory_space<hbm>>
        %dma_wait3A_1349 = tpu.memref_squeeze %dma_wait3A_1348 : memref<1x50x128xf32, #tpu.memory_space<hbm>> -> memref<50x128xf32, #tpu.memory_space<hbm>>
        %dma_wait3A_1350 = tpu.memref_slice %arg8[%dma_wait3A_1338] : memref<16x!tpu.dma_semaphore, #tpu.memory_space<semaphore_mem>> -> memref<1x!tpu.dma_semaphore, #tpu.memory_space<semaphore_mem>>
        %dma_wait3A_1351 = tpu.memref_squeeze %dma_wait3A_1350 : memref<1x!tpu.dma_semaphore, #tpu.memory_space<semaphore_mem>> -> memref<!tpu.dma_semaphore, #tpu.memory_space<semaphore_mem>>
        %dma_wait3A_1352 = arith.constant 0 : i32
        %dma_wait3A_1353 = arith.constant 0 : i32
        %dma_wait3A_1354 = tpu.memref_slice %arg4[%add3A_1336, %dma_wait3A_1352, %dma_wait3A_1353] : memref<16384x56x128xf32, #tpu.memory_space<hbm>> -> memref<1x50x128xf32, #tpu.memory_space<hbm>>
        %dma_wait3A_1355 = tpu.memref_squeeze %dma_wait3A_1354 : memref<1x50x128xf32, #tpu.memory_space<hbm>> -> memref<50x128xf32, #tpu.memory_space<hbm>>
        %dma_wait3A_1356 = arith.constant 0 : i32
        %dma_wait3A_1357 = arith.constant 0 : i32
        %dma_wait3A_1358 = tpu.memref_slice %arg6[%dma_wait3A_1337, %dma_wait3A_1356, %dma_wait3A_1357] : memref<4x200x128xf32, #tpu.memory_space<vmem>> -> memref<1x200x128xf32, #tpu.memory_space<vmem>>
        %dma_wait3A_1359 = tpu.memref_squeeze %dma_wait3A_1358 : memref<1x200x128xf32, #tpu.memory_space<vmem>> -> memref<200x128xf32, #tpu.memory_space<vmem>>
        %dma_wait3A_1360 = arith.constant 150 : i32
        %dma_wait3A_1361 = arith.constant 0 : i32
        %dma_wait3A_1362 = tpu.memref_slice %dma_wait3A_1359[%dma_wait3A_1360, %dma_wait3A_1361] : memref<200x128xf32, #tpu.memory_space<vmem>> -> memref<50x128xf32, #tpu.memory_space<vmem>>
        tpu.wait_dma2 semaphore(%dma_wait3A_1351 : memref<!tpu.dma_semaphore, #tpu.memory_space<semaphore_mem>>) src(%dma_wait3A_1362 : memref<50x128xf32, #tpu.memory_space<vmem>>) dst(%dma_wait3A_1355 : memref<50x128xf32, #tpu.memory_space<hbm>>)
      } else {
      }
      %lt3A_1238 = arith.constant 128 : i32
      %lt3A_1239 = arith.cmpi slt, %add3A_1229, %lt3A_1238 : i32
      %convert_element_type3A_1240 = arith.extui %lt3A_1239 : i1 to i32
      %cond3A_1241 = arith.constant 0 : i32
      %cond3A_1242 = arith.cmpi ne, %convert_element_type3A_1240, %cond3A_1241 : i32
      scf.if %cond3A_1242 {
        %mul3A_1243 = arith.constant 200 : i32
        %mul3A_1244 = arith.muli %add3A_1229, %mul3A_1243 : i32
        %add3A_1245 = arith.constant 0 : i32
        %add3A_1246 = arith.addi %mul3A_1244, %add3A_1245 : i32
        %dma_start3A_1247 = arith.constant 1 : i32
        %dma_start3A_1248 = arith.constant 2 : i32
        %dma_start3A_1249 = arith.constant 0 : i32
        %dma_start3A_1250 = arith.constant 0 : i32
        %dma_start3A_1251 = tpu.memref_slice %arg6[%dma_start3A_1247, %dma_start3A_1249, %dma_start3A_1250] : memref<4x200x128xf32, #tpu.memory_space<vmem>> -> memref<1x200x128xf32, #tpu.memory_space<vmem>>
        %dma_start3A_1252 = tpu.memref_squeeze %dma_start3A_1251 : memref<1x200x128xf32, #tpu.memory_space<vmem>> -> memref<200x128xf32, #tpu.memory_space<vmem>>
        %dma_start3A_1253 = arith.constant 0 : i32
        %dma_start3A_1254 = arith.constant 0 : i32
        %dma_start3A_1255 = tpu.memref_slice %dma_start3A_1252[%dma_start3A_1253, %dma_start3A_1254] : memref<200x128xf32, #tpu.memory_space<vmem>> -> memref<128x128xf32, #tpu.memory_space<vmem>>
        %dma_start3A_1256 = tpu.memref_slice %arg5[%add3A_1246] : memref<25600xi32, #tpu.memory_space<vmem>> -> memref<128xi32, #tpu.memory_space<vmem>>
        %dma_start3A_1257 = arith.constant 0 : i32
        %dma_start3A_1258 = arith.constant 0 : i32
        %dma_start3A_1259 = tpu.memref_slice %arg2[%dma_start3A_1257, %dma_start3A_1258] : memref<1000000x128xf32, #tpu.memory_space<hbm>> -> memref<1000000x128xf32, #tpu.memory_space<hbm>>
        %dma_start3A_1260 = tpu.memref_slice %arg7[%dma_start3A_1248] : memref<8x!tpu.dma_semaphore, #tpu.memory_space<semaphore_mem>> -> memref<1x!tpu.dma_semaphore, #tpu.memory_space<semaphore_mem>>
        %dma_start3A_1261 = tpu.memref_squeeze %dma_start3A_1260 : memref<1x!tpu.dma_semaphore, #tpu.memory_space<semaphore_mem>> -> memref<!tpu.dma_semaphore, #tpu.memory_space<semaphore_mem>>
        tpu.enqueue_indirect_dma source(%dma_start3A_1259 : memref<1000000x128xf32, #tpu.memory_space<hbm>>) target(%dma_start3A_1255 : memref<128x128xf32, #tpu.memory_space<vmem>>) offsets(%dma_start3A_1256 : memref<128xi32, #tpu.memory_space<vmem>>) semaphore(%dma_start3A_1261 : memref<!tpu.dma_semaphore, #tpu.memory_space<semaphore_mem>>)
        %mul3A_1262 = arith.constant 200 : i32
        %mul3A_1263 = arith.muli %add3A_1229, %mul3A_1262 : i32
        %add3A_1264 = arith.constant 128 : i32
        %add3A_1265 = arith.addi %mul3A_1263, %add3A_1264 : i32
        %dma_start3A_1266 = arith.constant 1 : i32
        %dma_start3A_1267 = arith.constant 3 : i32
        %dma_start3A_1268 = arith.constant 0 : i32
        %dma_start3A_1269 = arith.constant 0 : i32
        %dma_start3A_1270 = tpu.memref_slice %arg6[%dma_start3A_1266, %dma_start3A_1268, %dma_start3A_1269] : memref<4x200x128xf32, #tpu.memory_space<vmem>> -> memref<1x200x128xf32, #tpu.memory_space<vmem>>
        %dma_start3A_1271 = tpu.memref_squeeze %dma_start3A_1270 : memref<1x200x128xf32, #tpu.memory_space<vmem>> -> memref<200x128xf32, #tpu.memory_space<vmem>>
        %dma_start3A_1272 = arith.constant 128 : i32
        %dma_start3A_1273 = arith.constant 0 : i32
        %dma_start3A_1274 = tpu.memref_slice %dma_start3A_1271[%dma_start3A_1272, %dma_start3A_1273] : memref<200x128xf32, #tpu.memory_space<vmem>> -> memref<72x128xf32, #tpu.memory_space<vmem>>
        %dma_start3A_1275 = tpu.memref_slice %arg5[%add3A_1265] : memref<25600xi32, #tpu.memory_space<vmem>> -> memref<72xi32, #tpu.memory_space<vmem>>
        %dma_start3A_1276 = arith.constant 0 : i32
        %dma_start3A_1277 = arith.constant 0 : i32
        %dma_start3A_1278 = tpu.memref_slice %arg2[%dma_start3A_1276, %dma_start3A_1277] : memref<1000000x128xf32, #tpu.memory_space<hbm>> -> memref<1000000x128xf32, #tpu.memory_space<hbm>>
        %dma_start3A_1279 = tpu.memref_slice %arg7[%dma_start3A_1267] : memref<8x!tpu.dma_semaphore, #tpu.memory_space<semaphore_mem>> -> memref<1x!tpu.dma_semaphore, #tpu.memory_space<semaphore_mem>>
        %dma_start3A_1280 = tpu.memref_squeeze %dma_start3A_1279 : memref<1x!tpu.dma_semaphore, #tpu.memory_space<semaphore_mem>> -> memref<!tpu.dma_semaphore, #tpu.memory_space<semaphore_mem>>
        tpu.enqueue_indirect_dma source(%dma_start3A_1278 : memref<1000000x128xf32, #tpu.memory_space<hbm>>) target(%dma_start3A_1274 : memref<72x128xf32, #tpu.memory_space<vmem>>) offsets(%dma_start3A_1275 : memref<72xi32, #tpu.memory_space<vmem>>) semaphore(%dma_start3A_1280 : memref<!tpu.dma_semaphore, #tpu.memory_space<semaphore_mem>>)
      } else {
      }
    }
    %scan3A_71 = arith.constant 32 : i32
    %add3A_72 = arith.constant 0 : i32
    %add3A_73 = arith.addi %mul3A_4, %add3A_72 : i32
    %add3A_74 = arith.constant 0 : i32
    %add3A_75 = arith.addi %add3A_73, %add3A_74 : i32
    %dma_wait3A = arith.constant 0 : i32
    %dma_wait3A_76 = arith.constant 0 : i32
    %dma_wait3A_77 = arith.constant 0 : i32
    %dma_wait3A_78 = arith.constant 0 : i32
    %dma_wait3A_79 = tpu.memref_slice %arg6[%dma_wait3A, %dma_wait3A_77, %dma_wait3A_78] : memref<4x200x128xf32, #tpu.memory_space<vmem>> -> memref<1x200x128xf32, #tpu.memory_space<vmem>>
    %dma_wait3A_80 = tpu.memref_squeeze %dma_wait3A_79 : memref<1x200x128xf32, #tpu.memory_space<vmem>> -> memref<200x128xf32, #tpu.memory_space<vmem>>
    %dma_wait3A_81 = arith.constant 0 : i32
    %dma_wait3A_82 = arith.constant 0 : i32
    %dma_wait3A_83 = tpu.memref_slice %dma_wait3A_80[%dma_wait3A_81, %dma_wait3A_82] : memref<200x128xf32, #tpu.memory_space<vmem>> -> memref<50x128xf32, #tpu.memory_space<vmem>>
    %dma_wait3A_84 = arith.constant 0 : i32
    %dma_wait3A_85 = arith.constant 0 : i32
    %dma_wait3A_86 = tpu.memref_slice %arg4[%add3A_75, %dma_wait3A_84, %dma_wait3A_85] : memref<16384x56x128xf32, #tpu.memory_space<hbm>> -> memref<1x50x128xf32, #tpu.memory_space<hbm>>
    %dma_wait3A_87 = tpu.memref_squeeze %dma_wait3A_86 : memref<1x50x128xf32, #tpu.memory_space<hbm>> -> memref<50x128xf32, #tpu.memory_space<hbm>>
    %dma_wait3A_88 = tpu.memref_slice %arg8[%dma_wait3A_76] : memref<16x!tpu.dma_semaphore, #tpu.memory_space<semaphore_mem>> -> memref<1x!tpu.dma_semaphore, #tpu.memory_space<semaphore_mem>>
    %dma_wait3A_89 = tpu.memref_squeeze %dma_wait3A_88 : memref<1x!tpu.dma_semaphore, #tpu.memory_space<semaphore_mem>> -> memref<!tpu.dma_semaphore, #tpu.memory_space<semaphore_mem>>
    %dma_wait3A_90 = arith.constant 0 : i32
    %dma_wait3A_91 = arith.constant 0 : i32
    %dma_wait3A_92 = tpu.memref_slice %arg4[%add3A_75, %dma_wait3A_90, %dma_wait3A_91] : memref<16384x56x128xf32, #tpu.memory_space<hbm>> -> memref<1x50x128xf32, #tpu.memory_space<hbm>>
    %dma_wait3A_93 = tpu.memref_squeeze %dma_wait3A_92 : memref<1x50x128xf32, #tpu.memory_space<hbm>> -> memref<50x128xf32, #tpu.memory_space<hbm>>
    %dma_wait3A_94 = arith.constant 0 : i32
    %dma_wait3A_95 = arith.constant 0 : i32
    %dma_wait3A_96 = tpu.memref_slice %arg6[%dma_wait3A, %dma_wait3A_94, %dma_wait3A_95] : memref<4x200x128xf32, #tpu.memory_space<vmem>> -> memref<1x200x128xf32, #tpu.memory_space<vmem>>
    %dma_wait3A_97 = tpu.memref_squeeze %dma_wait3A_96 : memref<1x200x128xf32, #tpu.memory_space<vmem>> -> memref<200x128xf32, #tpu.memory_space<vmem>>
    %dma_wait3A_98 = arith.constant 0 : i32
    %dma_wait3A_99 = arith.constant 0 : i32
    %dma_wait3A_100 = tpu.memref_slice %dma_wait3A_97[%dma_wait3A_98, %dma_wait3A_99] : memref<200x128xf32, #tpu.memory_space<vmem>> -> memref<50x128xf32, #tpu.memory_space<vmem>>
    tpu.wait_dma2 semaphore(%dma_wait3A_89 : memref<!tpu.dma_semaphore, #tpu.memory_space<semaphore_mem>>) src(%dma_wait3A_100 : memref<50x128xf32, #tpu.memory_space<vmem>>) dst(%dma_wait3A_93 : memref<50x128xf32, #tpu.memory_space<hbm>>)
    %add3A_101 = arith.constant 0 : i32
    %add3A_102 = arith.addi %mul3A_4, %add3A_101 : i32
    %add3A_103 = arith.constant 1 : i32
    %add3A_104 = arith.addi %add3A_102, %add3A_103 : i32
    %dma_wait3A_105 = arith.constant 0 : i32
    %dma_wait3A_106 = arith.constant 1 : i32
    %dma_wait3A_107 = arith.constant 0 : i32
    %dma_wait3A_108 = arith.constant 0 : i32
    %dma_wait3A_109 = tpu.memref_slice %arg6[%dma_wait3A_105, %dma_wait3A_107, %dma_wait3A_108] : memref<4x200x128xf32, #tpu.memory_space<vmem>> -> memref<1x200x128xf32, #tpu.memory_space<vmem>>
    %dma_wait3A_110 = tpu.memref_squeeze %dma_wait3A_109 : memref<1x200x128xf32, #tpu.memory_space<vmem>> -> memref<200x128xf32, #tpu.memory_space<vmem>>
    %dma_wait3A_111 = arith.constant 50 : i32
    %dma_wait3A_112 = arith.constant 0 : i32
    %dma_wait3A_113 = tpu.memref_slice %dma_wait3A_110[%dma_wait3A_111, %dma_wait3A_112] : memref<200x128xf32, #tpu.memory_space<vmem>> -> memref<50x128xf32, #tpu.memory_space<vmem>>
    %dma_wait3A_114 = arith.constant 0 : i32
    %dma_wait3A_115 = arith.constant 0 : i32
    %dma_wait3A_116 = tpu.memref_slice %arg4[%add3A_104, %dma_wait3A_114, %dma_wait3A_115] : memref<16384x56x128xf32, #tpu.memory_space<hbm>> -> memref<1x50x128xf32, #tpu.memory_space<hbm>>
    %dma_wait3A_117 = tpu.memref_squeeze %dma_wait3A_116 : memref<1x50x128xf32, #tpu.memory_space<hbm>> -> memref<50x128xf32, #tpu.memory_space<hbm>>
    %dma_wait3A_118 = tpu.memref_slice %arg8[%dma_wait3A_106] : memref<16x!tpu.dma_semaphore, #tpu.memory_space<semaphore_mem>> -> memref<1x!tpu.dma_semaphore, #tpu.memory_space<semaphore_mem>>
    %dma_wait3A_119 = tpu.memref_squeeze %dma_wait3A_118 : memref<1x!tpu.dma_semaphore, #tpu.memory_space<semaphore_mem>> -> memref<!tpu.dma_semaphore, #tpu.memory_space<semaphore_mem>>
    %dma_wait3A_120 = arith.constant 0 : i32
    %dma_wait3A_121 = arith.constant 0 : i32
    %dma_wait3A_122 = tpu.memref_slice %arg4[%add3A_104, %dma_wait3A_120, %dma_wait3A_121] : memref<16384x56x128xf32, #tpu.memory_space<hbm>> -> memref<1x50x128xf32, #tpu.memory_space<hbm>>
    %dma_wait3A_123 = tpu.memref_squeeze %dma_wait3A_122 : memref<1x50x128xf32, #tpu.memory_space<hbm>> -> memref<50x128xf32, #tpu.memory_space<hbm>>
    %dma_wait3A_124 = arith.constant 0 : i32
    %dma_wait3A_125 = arith.constant 0 : i32
    %dma_wait3A_126 = tpu.memref_slice %arg6[%dma_wait3A_105, %dma_wait3A_124, %dma_wait3A_125] : memref<4x200x128xf32, #tpu.memory_space<vmem>> -> memref<1x200x128xf32, #tpu.memory_space<vmem>>
    %dma_wait3A_127 = tpu.memref_squeeze %dma_wait3A_126 : memref<1x200x128xf32, #tpu.memory_space<vmem>> -> memref<200x128xf32, #tpu.memory_space<vmem>>
    %dma_wait3A_128 = arith.constant 50 : i32
    %dma_wait3A_129 = arith.constant 0 : i32
    %dma_wait3A_130 = tpu.memref_slice %dma_wait3A_127[%dma_wait3A_128, %dma_wait3A_129] : memref<200x128xf32, #tpu.memory_space<vmem>> -> memref<50x128xf32, #tpu.memory_space<vmem>>
    tpu.wait_dma2 semaphore(%dma_wait3A_119 : memref<!tpu.dma_semaphore, #tpu.memory_space<semaphore_mem>>) src(%dma_wait3A_130 : memref<50x128xf32, #tpu.memory_space<vmem>>) dst(%dma_wait3A_123 : memref<50x128xf32, #tpu.memory_space<hbm>>)
    %add3A_131 = arith.constant 0 : i32
    %add3A_132 = arith.addi %mul3A_4, %add3A_131 : i32
    %add3A_133 = arith.constant 2 : i32
    %add3A_134 = arith.addi %add3A_132, %add3A_133 : i32
    %dma_wait3A_135 = arith.constant 0 : i32
    %dma_wait3A_136 = arith.constant 2 : i32
    %dma_wait3A_137 = arith.constant 0 : i32
    %dma_wait3A_138 = arith.constant 0 : i32
    %dma_wait3A_139 = tpu.memref_slice %arg6[%dma_wait3A_135, %dma_wait3A_137, %dma_wait3A_138] : memref<4x200x128xf32, #tpu.memory_space<vmem>> -> memref<1x200x128xf32, #tpu.memory_space<vmem>>
    %dma_wait3A_140 = tpu.memref_squeeze %dma_wait3A_139 : memref<1x200x128xf32, #tpu.memory_space<vmem>> -> memref<200x128xf32, #tpu.memory_space<vmem>>
    %dma_wait3A_141 = arith.constant 100 : i32
    %dma_wait3A_142 = arith.constant 0 : i32
    %dma_wait3A_143 = tpu.memref_slice %dma_wait3A_140[%dma_wait3A_141, %dma_wait3A_142] : memref<200x128xf32, #tpu.memory_space<vmem>> -> memref<50x128xf32, #tpu.memory_space<vmem>>
    %dma_wait3A_144 = arith.constant 0 : i32
    %dma_wait3A_145 = arith.constant 0 : i32
    %dma_wait3A_146 = tpu.memref_slice %arg4[%add3A_134, %dma_wait3A_144, %dma_wait3A_145] : memref<16384x56x128xf32, #tpu.memory_space<hbm>> -> memref<1x50x128xf32, #tpu.memory_space<hbm>>
    %dma_wait3A_147 = tpu.memref_squeeze %dma_wait3A_146 : memref<1x50x128xf32, #tpu.memory_space<hbm>> -> memref<50x128xf32, #tpu.memory_space<hbm>>
    %dma_wait3A_148 = tpu.memref_slice %arg8[%dma_wait3A_136] : memref<16x!tpu.dma_semaphore, #tpu.memory_space<semaphore_mem>> -> memref<1x!tpu.dma_semaphore, #tpu.memory_space<semaphore_mem>>
    %dma_wait3A_149 = tpu.memref_squeeze %dma_wait3A_148 : memref<1x!tpu.dma_semaphore, #tpu.memory_space<semaphore_mem>> -> memref<!tpu.dma_semaphore, #tpu.memory_space<semaphore_mem>>
    %dma_wait3A_150 = arith.constant 0 : i32
    %dma_wait3A_151 = arith.constant 0 : i32
    %dma_wait3A_152 = tpu.memref_slice %arg4[%add3A_134, %dma_wait3A_150, %dma_wait3A_151] : memref<16384x56x128xf32, #tpu.memory_space<hbm>> -> memref<1x50x128xf32, #tpu.memory_space<hbm>>
    %dma_wait3A_153 = tpu.memref_squeeze %dma_wait3A_152 : memref<1x50x128xf32, #tpu.memory_space<hbm>> -> memref<50x128xf32, #tpu.memory_space<hbm>>
    %dma_wait3A_154 = arith.constant 0 : i32
    %dma_wait3A_155 = arith.constant 0 : i32
    %dma_wait3A_156 = tpu.memref_slice %arg6[%dma_wait3A_135, %dma_wait3A_154, %dma_wait3A_155] : memref<4x200x128xf32, #tpu.memory_space<vmem>> -> memref<1x200x128xf32, #tpu.memory_space<vmem>>
    %dma_wait3A_157 = tpu.memref_squeeze %dma_wait3A_156 : memref<1x200x128xf32, #tpu.memory_space<vmem>> -> memref<200x128xf32, #tpu.memory_space<vmem>>
    %dma_wait3A_158 = arith.constant 100 : i32
    %dma_wait3A_159 = arith.constant 0 : i32
    %dma_wait3A_160 = tpu.memref_slice %dma_wait3A_157[%dma_wait3A_158, %dma_wait3A_159] : memref<200x128xf32, #tpu.memory_space<vmem>> -> memref<50x128xf32, #tpu.memory_space<vmem>>
    tpu.wait_dma2 semaphore(%dma_wait3A_149 : memref<!tpu.dma_semaphore, #tpu.memory_space<semaphore_mem>>) src(%dma_wait3A_160 : memref<50x128xf32, #tpu.memory_space<vmem>>) dst(%dma_wait3A_153 : memref<50x128xf32, #tpu.memory_space<hbm>>)
    %add3A_161 = arith.constant 0 : i32
    %add3A_162 = arith.addi %mul3A_4, %add3A_161 : i32
    %add3A_163 = arith.constant 3 : i32
    %add3A_164 = arith.addi %add3A_162, %add3A_163 : i32
    %dma_wait3A_165 = arith.constant 0 : i32
    %dma_wait3A_166 = arith.constant 3 : i32
    %dma_wait3A_167 = arith.constant 0 : i32
    %dma_wait3A_168 = arith.constant 0 : i32
    %dma_wait3A_169 = tpu.memref_slice %arg6[%dma_wait3A_165, %dma_wait3A_167, %dma_wait3A_168] : memref<4x200x128xf32, #tpu.memory_space<vmem>> -> memref<1x200x128xf32, #tpu.memory_space<vmem>>
    %dma_wait3A_170 = tpu.memref_squeeze %dma_wait3A_169 : memref<1x200x128xf32, #tpu.memory_space<vmem>> -> memref<200x128xf32, #tpu.memory_space<vmem>>
    %dma_wait3A_171 = arith.constant 150 : i32
    %dma_wait3A_172 = arith.constant 0 : i32
    %dma_wait3A_173 = tpu.memref_slice %dma_wait3A_170[%dma_wait3A_171, %dma_wait3A_172] : memref<200x128xf32, #tpu.memory_space<vmem>> -> memref<50x128xf32, #tpu.memory_space<vmem>>
    %dma_wait3A_174 = arith.constant 0 : i32
    %dma_wait3A_175 = arith.constant 0 : i32
    %dma_wait3A_176 = tpu.memref_slice %arg4[%add3A_164, %dma_wait3A_174, %dma_wait3A_175] : memref<16384x56x128xf32, #tpu.memory_space<hbm>> -> memref<1x50x128xf32, #tpu.memory_space<hbm>>
    %dma_wait3A_177 = tpu.memref_squeeze %dma_wait3A_176 : memref<1x50x128xf32, #tpu.memory_space<hbm>> -> memref<50x128xf32, #tpu.memory_space<hbm>>
    %dma_wait3A_178 = tpu.memref_slice %arg8[%dma_wait3A_166] : memref<16x!tpu.dma_semaphore, #tpu.memory_space<semaphore_mem>> -> memref<1x!tpu.dma_semaphore, #tpu.memory_space<semaphore_mem>>
    %dma_wait3A_179 = tpu.memref_squeeze %dma_wait3A_178 : memref<1x!tpu.dma_semaphore, #tpu.memory_space<semaphore_mem>> -> memref<!tpu.dma_semaphore, #tpu.memory_space<semaphore_mem>>
    %dma_wait3A_180 = arith.constant 0 : i32
    %dma_wait3A_181 = arith.constant 0 : i32
    %dma_wait3A_182 = tpu.memref_slice %arg4[%add3A_164, %dma_wait3A_180, %dma_wait3A_181] : memref<16384x56x128xf32, #tpu.memory_space<hbm>> -> memref<1x50x128xf32, #tpu.memory_space<hbm>>
    %dma_wait3A_183 = tpu.memref_squeeze %dma_wait3A_182 : memref<1x50x128xf32, #tpu.memory_space<hbm>> -> memref<50x128xf32, #tpu.memory_space<hbm>>
    %dma_wait3A_184 = arith.constant 0 : i32
    %dma_wait3A_185 = arith.constant 0 : i32
    %dma_wait3A_186 = tpu.memref_slice %arg6[%dma_wait3A_165, %dma_wait3A_184, %dma_wait3A_185] : memref<4x200x128xf32, #tpu.memory_space<vmem>> -> memref<1x200x128xf32, #tpu.memory_space<vmem>>
    %dma_wait3A_187 = tpu.memref_squeeze %dma_wait3A_186 : memref<1x200x128xf32, #tpu.memory_space<vmem>> -> memref<200x128xf32, #tpu.memory_space<vmem>>
    %dma_wait3A_188 = arith.constant 150 : i32
    %dma_wait3A_189 = arith.constant 0 : i32
    %dma_wait3A_190 = tpu.memref_slice %dma_wait3A_187[%dma_wait3A_188, %dma_wait3A_189] : memref<200x128xf32, #tpu.memory_space<vmem>> -> memref<50x128xf32, #tpu.memory_space<vmem>>
    tpu.wait_dma2 semaphore(%dma_wait3A_179 : memref<!tpu.dma_semaphore, #tpu.memory_space<semaphore_mem>>) src(%dma_wait3A_190 : memref<50x128xf32, #tpu.memory_space<vmem>>) dst(%dma_wait3A_183 : memref<50x128xf32, #tpu.memory_space<hbm>>)
    %add3A_191 = arith.constant 0 : i32
    %add3A_192 = arith.addi %mul3A_4, %add3A_191 : i32
    %add3A_193 = arith.constant 0 : i32
    %add3A_194 = arith.addi %add3A_192, %add3A_193 : i32
    %dma_wait3A_195 = arith.constant 1 : i32
    %dma_wait3A_196 = arith.constant 4 : i32
    %dma_wait3A_197 = arith.constant 0 : i32
    %dma_wait3A_198 = arith.constant 0 : i32
    %dma_wait3A_199 = tpu.memref_slice %arg6[%dma_wait3A_195, %dma_wait3A_197, %dma_wait3A_198] : memref<4x200x128xf32, #tpu.memory_space<vmem>> -> memref<1x200x128xf32, #tpu.memory_space<vmem>>
    %dma_wait3A_200 = tpu.memref_squeeze %dma_wait3A_199 : memref<1x200x128xf32, #tpu.memory_space<vmem>> -> memref<200x128xf32, #tpu.memory_space<vmem>>
    %dma_wait3A_201 = arith.constant 0 : i32
    %dma_wait3A_202 = arith.constant 0 : i32
    %dma_wait3A_203 = tpu.memref_slice %dma_wait3A_200[%dma_wait3A_201, %dma_wait3A_202] : memref<200x128xf32, #tpu.memory_space<vmem>> -> memref<50x128xf32, #tpu.memory_space<vmem>>
    %dma_wait3A_204 = arith.constant 0 : i32
    %dma_wait3A_205 = arith.constant 0 : i32
    %dma_wait3A_206 = tpu.memref_slice %arg4[%add3A_194, %dma_wait3A_204, %dma_wait3A_205] : memref<16384x56x128xf32, #tpu.memory_space<hbm>> -> memref<1x50x128xf32, #tpu.memory_space<hbm>>
    %dma_wait3A_207 = tpu.memref_squeeze %dma_wait3A_206 : memref<1x50x128xf32, #tpu.memory_space<hbm>> -> memref<50x128xf32, #tpu.memory_space<hbm>>
    %dma_wait3A_208 = tpu.memref_slice %arg8[%dma_wait3A_196] : memref<16x!tpu.dma_semaphore, #tpu.memory_space<semaphore_mem>> -> memref<1x!tpu.dma_semaphore, #tpu.memory_space<semaphore_mem>>
    %dma_wait3A_209 = tpu.memref_squeeze %dma_wait3A_208 : memref<1x!tpu.dma_semaphore, #tpu.memory_space<semaphore_mem>> -> memref<!tpu.dma_semaphore, #tpu.memory_space<semaphore_mem>>
    %dma_wait3A_210 = arith.constant 0 : i32
    %dma_wait3A_211 = arith.constant 0 : i32
    %dma_wait3A_212 = tpu.memref_slice %arg4[%add3A_194, %dma_wait3A_210, %dma_wait3A_211] : memref<16384x56x128xf32, #tpu.memory_space<hbm>> -> memref<1x50x128xf32, #tpu.memory_space<hbm>>
    %dma_wait3A_213 = tpu.memref_squeeze %dma_wait3A_212 : memref<1x50x128xf32, #tpu.memory_space<hbm>> -> memref<50x128xf32, #tpu.memory_space<hbm>>
    %dma_wait3A_214 = arith.constant 0 : i32
    %dma_wait3A_215 = arith.constant 0 : i32
    %dma_wait3A_216 = tpu.memref_slice %arg6[%dma_wait3A_195, %dma_wait3A_214, %dma_wait3A_215] : memref<4x200x128xf32, #tpu.memory_space<vmem>> -> memref<1x200x128xf32, #tpu.memory_space<vmem>>
    %dma_wait3A_217 = tpu.memref_squeeze %dma_wait3A_216 : memref<1x200x128xf32, #tpu.memory_space<vmem>> -> memref<200x128xf32, #tpu.memory_space<vmem>>
    %dma_wait3A_218 = arith.constant 0 : i32
    %dma_wait3A_219 = arith.constant 0 : i32
    %dma_wait3A_220 = tpu.memref_slice %dma_wait3A_217[%dma_wait3A_218, %dma_wait3A_219] : memref<200x128xf32, #tpu.memory_space<vmem>> -> memref<50x128xf32, #tpu.memory_space<vmem>>
    tpu.wait_dma2 semaphore(%dma_wait3A_209 : memref<!tpu.dma_semaphore, #tpu.memory_space<semaphore_mem>>) src(%dma_wait3A_220 : memref<50x128xf32, #tpu.memory_space<vmem>>) dst(%dma_wait3A_213 : memref<50x128xf32, #tpu.memory_space<hbm>>)
    %add3A_221 = arith.constant 0 : i32
    %add3A_222 = arith.addi %mul3A_4, %add3A_221 : i32
    %add3A_223 = arith.constant 1 : i32
    %add3A_224 = arith.addi %add3A_222, %add3A_223 : i32
    %dma_wait3A_225 = arith.constant 1 : i32
    %dma_wait3A_226 = arith.constant 5 : i32
    %dma_wait3A_227 = arith.constant 0 : i32
    %dma_wait3A_228 = arith.constant 0 : i32
    %dma_wait3A_229 = tpu.memref_slice %arg6[%dma_wait3A_225, %dma_wait3A_227, %dma_wait3A_228] : memref<4x200x128xf32, #tpu.memory_space<vmem>> -> memref<1x200x128xf32, #tpu.memory_space<vmem>>
    %dma_wait3A_230 = tpu.memref_squeeze %dma_wait3A_229 : memref<1x200x128xf32, #tpu.memory_space<vmem>> -> memref<200x128xf32, #tpu.memory_space<vmem>>
    %dma_wait3A_231 = arith.constant 50 : i32
    %dma_wait3A_232 = arith.constant 0 : i32
    %dma_wait3A_233 = tpu.memref_slice %dma_wait3A_230[%dma_wait3A_231, %dma_wait3A_232] : memref<200x128xf32, #tpu.memory_space<vmem>> -> memref<50x128xf32, #tpu.memory_space<vmem>>
    %dma_wait3A_234 = arith.constant 0 : i32
    %dma_wait3A_235 = arith.constant 0 : i32
    %dma_wait3A_236 = tpu.memref_slice %arg4[%add3A_224, %dma_wait3A_234, %dma_wait3A_235] : memref<16384x56x128xf32, #tpu.memory_space<hbm>> -> memref<1x50x128xf32, #tpu.memory_space<hbm>>
    %dma_wait3A_237 = tpu.memref_squeeze %dma_wait3A_236 : memref<1x50x128xf32, #tpu.memory_space<hbm>> -> memref<50x128xf32, #tpu.memory_space<hbm>>
    %dma_wait3A_238 = tpu.memref_slice %arg8[%dma_wait3A_226] : memref<16x!tpu.dma_semaphore, #tpu.memory_space<semaphore_mem>> -> memref<1x!tpu.dma_semaphore, #tpu.memory_space<semaphore_mem>>
    %dma_wait3A_239 = tpu.memref_squeeze %dma_wait3A_238 : memref<1x!tpu.dma_semaphore, #tpu.memory_space<semaphore_mem>> -> memref<!tpu.dma_semaphore, #tpu.memory_space<semaphore_mem>>
    %dma_wait3A_240 = arith.constant 0 : i32
    %dma_wait3A_241 = arith.constant 0 : i32
    %dma_wait3A_242 = tpu.memref_slice %arg4[%add3A_224, %dma_wait3A_240, %dma_wait3A_241] : memref<16384x56x128xf32, #tpu.memory_space<hbm>> -> memref<1x50x128xf32, #tpu.memory_space<hbm>>
    %dma_wait3A_243 = tpu.memref_squeeze %dma_wait3A_242 : memref<1x50x128xf32, #tpu.memory_space<hbm>> -> memref<50x128xf32, #tpu.memory_space<hbm>>
    %dma_wait3A_244 = arith.constant 0 : i32
    %dma_wait3A_245 = arith.constant 0 : i32
    %dma_wait3A_246 = tpu.memref_slice %arg6[%dma_wait3A_225, %dma_wait3A_244, %dma_wait3A_245] : memref<4x200x128xf32, #tpu.memory_space<vmem>> -> memref<1x200x128xf32, #tpu.memory_space<vmem>>
    %dma_wait3A_247 = tpu.memref_squeeze %dma_wait3A_246 : memref<1x200x128xf32, #tpu.memory_space<vmem>> -> memref<200x128xf32, #tpu.memory_space<vmem>>
    %dma_wait3A_248 = arith.constant 50 : i32
    %dma_wait3A_249 = arith.constant 0 : i32
    %dma_wait3A_250 = tpu.memref_slice %dma_wait3A_247[%dma_wait3A_248, %dma_wait3A_249] : memref<200x128xf32, #tpu.memory_space<vmem>> -> memref<50x128xf32, #tpu.memory_space<vmem>>
    tpu.wait_dma2 semaphore(%dma_wait3A_239 : memref<!tpu.dma_semaphore, #tpu.memory_space<semaphore_mem>>) src(%dma_wait3A_250 : memref<50x128xf32, #tpu.memory_space<vmem>>) dst(%dma_wait3A_243 : memref<50x128xf32, #tpu.memory_space<hbm>>)
    %add3A_251 = arith.constant 0 : i32
    %add3A_252 = arith.addi %mul3A_4, %add3A_251 : i32
    %add3A_253 = arith.constant 2 : i32
    %add3A_254 = arith.addi %add3A_252, %add3A_253 : i32
    %dma_wait3A_255 = arith.constant 1 : i32
    %dma_wait3A_256 = arith.constant 6 : i32
    %dma_wait3A_257 = arith.constant 0 : i32
    %dma_wait3A_258 = arith.constant 0 : i32
    %dma_wait3A_259 = tpu.memref_slice %arg6[%dma_wait3A_255, %dma_wait3A_257, %dma_wait3A_258] : memref<4x200x128xf32, #tpu.memory_space<vmem>> -> memref<1x200x128xf32, #tpu.memory_space<vmem>>
    %dma_wait3A_260 = tpu.memref_squeeze %dma_wait3A_259 : memref<1x200x128xf32, #tpu.memory_space<vmem>> -> memref<200x128xf32, #tpu.memory_space<vmem>>
    %dma_wait3A_261 = arith.constant 100 : i32
    %dma_wait3A_262 = arith.constant 0 : i32
    %dma_wait3A_263 = tpu.memref_slice %dma_wait3A_260[%dma_wait3A_261, %dma_wait3A_262] : memref<200x128xf32, #tpu.memory_space<vmem>> -> memref<50x128xf32, #tpu.memory_space<vmem>>
    %dma_wait3A_264 = arith.constant 0 : i32
    %dma_wait3A_265 = arith.constant 0 : i32
    %dma_wait3A_266 = tpu.memref_slice %arg4[%add3A_254, %dma_wait3A_264, %dma_wait3A_265] : memref<16384x56x128xf32, #tpu.memory_space<hbm>> -> memref<1x50x128xf32, #tpu.memory_space<hbm>>
    %dma_wait3A_267 = tpu.memref_squeeze %dma_wait3A_266 : memref<1x50x128xf32, #tpu.memory_space<hbm>> -> memref<50x128xf32, #tpu.memory_space<hbm>>
    %dma_wait3A_268 = tpu.memref_slice %arg8[%dma_wait3A_256] : memref<16x!tpu.dma_semaphore, #tpu.memory_space<semaphore_mem>> -> memref<1x!tpu.dma_semaphore, #tpu.memory_space<semaphore_mem>>
    %dma_wait3A_269 = tpu.memref_squeeze %dma_wait3A_268 : memref<1x!tpu.dma_semaphore, #tpu.memory_space<semaphore_mem>> -> memref<!tpu.dma_semaphore, #tpu.memory_space<semaphore_mem>>
    %dma_wait3A_270 = arith.constant 0 : i32
    %dma_wait3A_271 = arith.constant 0 : i32
    %dma_wait3A_272 = tpu.memref_slice %arg4[%add3A_254, %dma_wait3A_270, %dma_wait3A_271] : memref<16384x56x128xf32, #tpu.memory_space<hbm>> -> memref<1x50x128xf32, #tpu.memory_space<hbm>>
    %dma_wait3A_273 = tpu.memref_squeeze %dma_wait3A_272 : memref<1x50x128xf32, #tpu.memory_space<hbm>> -> memref<50x128xf32, #tpu.memory_space<hbm>>
    %dma_wait3A_274 = arith.constant 0 : i32
    %dma_wait3A_275 = arith.constant 0 : i32
    %dma_wait3A_276 = tpu.memref_slice %arg6[%dma_wait3A_255, %dma_wait3A_274, %dma_wait3A_275] : memref<4x200x128xf32, #tpu.memory_space<vmem>> -> memref<1x200x128xf32, #tpu.memory_space<vmem>>
    %dma_wait3A_277 = tpu.memref_squeeze %dma_wait3A_276 : memref<1x200x128xf32, #tpu.memory_space<vmem>> -> memref<200x128xf32, #tpu.memory_space<vmem>>
    %dma_wait3A_278 = arith.constant 100 : i32
    %dma_wait3A_279 = arith.constant 0 : i32
    %dma_wait3A_280 = tpu.memref_slice %dma_wait3A_277[%dma_wait3A_278, %dma_wait3A_279] : memref<200x128xf32, #tpu.memory_space<vmem>> -> memref<50x128xf32, #tpu.memory_space<vmem>>
    tpu.wait_dma2 semaphore(%dma_wait3A_269 : memref<!tpu.dma_semaphore, #tpu.memory_space<semaphore_mem>>) src(%dma_wait3A_280 : memref<50x128xf32, #tpu.memory_space<vmem>>) dst(%dma_wait3A_273 : memref<50x128xf32, #tpu.memory_space<hbm>>)
    %add3A_281 = arith.constant 0 : i32
    %add3A_282 = arith.addi %mul3A_4, %add3A_281 : i32
    %add3A_283 = arith.constant 3 : i32
    %add3A_284 = arith.addi %add3A_282, %add3A_283 : i32
    %dma_wait3A_285 = arith.constant 1 : i32
    %dma_wait3A_286 = arith.constant 7 : i32
    %dma_wait3A_287 = arith.constant 0 : i32
    %dma_wait3A_288 = arith.constant 0 : i32
    %dma_wait3A_289 = tpu.memref_slice %arg6[%dma_wait3A_285, %dma_wait3A_287, %dma_wait3A_288] : memref<4x200x128xf32, #tpu.memory_space<vmem>> -> memref<1x200x128xf32, #tpu.memory_space<vmem>>
    %dma_wait3A_290 = tpu.memref_squeeze %dma_wait3A_289 : memref<1x200x128xf32, #tpu.memory_space<vmem>> -> memref<200x128xf32, #tpu.memory_space<vmem>>
    %dma_wait3A_291 = arith.constant 150 : i32
    %dma_wait3A_292 = arith.constant 0 : i32
    %dma_wait3A_293 = tpu.memref_slice %dma_wait3A_290[%dma_wait3A_291, %dma_wait3A_292] : memref<200x128xf32, #tpu.memory_space<vmem>> -> memref<50x128xf32, #tpu.memory_space<vmem>>
    %dma_wait3A_294 = arith.constant 0 : i32
    %dma_wait3A_295 = arith.constant 0 : i32
    %dma_wait3A_296 = tpu.memref_slice %arg4[%add3A_284, %dma_wait3A_294, %dma_wait3A_295] : memref<16384x56x128xf32, #tpu.memory_space<hbm>> -> memref<1x50x128xf32, #tpu.memory_space<hbm>>
    %dma_wait3A_297 = tpu.memref_squeeze %dma_wait3A_296 : memref<1x50x128xf32, #tpu.memory_space<hbm>> -> memref<50x128xf32, #tpu.memory_space<hbm>>
    %dma_wait3A_298 = tpu.memref_slice %arg8[%dma_wait3A_286] : memref<16x!tpu.dma_semaphore, #tpu.memory_space<semaphore_mem>> -> memref<1x!tpu.dma_semaphore, #tpu.memory_space<semaphore_mem>>
    %dma_wait3A_299 = tpu.memref_squeeze %dma_wait3A_298 : memref<1x!tpu.dma_semaphore, #tpu.memory_space<semaphore_mem>> -> memref<!tpu.dma_semaphore, #tpu.memory_space<semaphore_mem>>
    %dma_wait3A_300 = arith.constant 0 : i32
    %dma_wait3A_301 = arith.constant 0 : i32
    %dma_wait3A_302 = tpu.memref_slice %arg4[%add3A_284, %dma_wait3A_300, %dma_wait3A_301] : memref<16384x56x128xf32, #tpu.memory_space<hbm>> -> memref<1x50x128xf32, #tpu.memory_space<hbm>>
    %dma_wait3A_303 = tpu.memref_squeeze %dma_wait3A_302 : memref<1x50x128xf32, #tpu.memory_space<hbm>> -> memref<50x128xf32, #tpu.memory_space<hbm>>
    %dma_wait3A_304 = arith.constant 0 : i32
    %dma_wait3A_305 = arith.constant 0 : i32
    %dma_wait3A_306 = tpu.memref_slice %arg6[%dma_wait3A_285, %dma_wait3A_304, %dma_wait3A_305] : memref<4x200x128xf32, #tpu.memory_space<vmem>> -> memref<1x200x128xf32, #tpu.memory_space<vmem>>
    %dma_wait3A_307 = tpu.memref_squeeze %dma_wait3A_306 : memref<1x200x128xf32, #tpu.memory_space<vmem>> -> memref<200x128xf32, #tpu.memory_space<vmem>>
    %dma_wait3A_308 = arith.constant 150 : i32
    %dma_wait3A_309 = arith.constant 0 : i32
    %dma_wait3A_310 = tpu.memref_slice %dma_wait3A_307[%dma_wait3A_308, %dma_wait3A_309] : memref<200x128xf32, #tpu.memory_space<vmem>> -> memref<50x128xf32, #tpu.memory_space<vmem>>
    tpu.wait_dma2 semaphore(%dma_wait3A_299 : memref<!tpu.dma_semaphore, #tpu.memory_space<semaphore_mem>>) src(%dma_wait3A_310 : memref<50x128xf32, #tpu.memory_space<vmem>>) dst(%dma_wait3A_303 : memref<50x128xf32, #tpu.memory_space<hbm>>)
    %add3A_311 = arith.constant 0 : i32
    %add3A_312 = arith.addi %mul3A_4, %add3A_311 : i32
    %add3A_313 = arith.constant 0 : i32
    %add3A_314 = arith.addi %add3A_312, %add3A_313 : i32
    %dma_wait3A_315 = arith.constant 2 : i32
    %dma_wait3A_316 = arith.constant 8 : i32
    %dma_wait3A_317 = arith.constant 0 : i32
    %dma_wait3A_318 = arith.constant 0 : i32
    %dma_wait3A_319 = tpu.memref_slice %arg6[%dma_wait3A_315, %dma_wait3A_317, %dma_wait3A_318] : memref<4x200x128xf32, #tpu.memory_space<vmem>> -> memref<1x200x128xf32, #tpu.memory_space<vmem>>
    %dma_wait3A_320 = tpu.memref_squeeze %dma_wait3A_319 : memref<1x200x128xf32, #tpu.memory_space<vmem>> -> memref<200x128xf32, #tpu.memory_space<vmem>>
    %dma_wait3A_321 = arith.constant 0 : i32
    %dma_wait3A_322 = arith.constant 0 : i32
    %dma_wait3A_323 = tpu.memref_slice %dma_wait3A_320[%dma_wait3A_321, %dma_wait3A_322] : memref<200x128xf32, #tpu.memory_space<vmem>> -> memref<50x128xf32, #tpu.memory_space<vmem>>
    %dma_wait3A_324 = arith.constant 0 : i32
    %dma_wait3A_325 = arith.constant 0 : i32
    %dma_wait3A_326 = tpu.memref_slice %arg4[%add3A_314, %dma_wait3A_324, %dma_wait3A_325] : memref<16384x56x128xf32, #tpu.memory_space<hbm>> -> memref<1x50x128xf32, #tpu.memory_space<hbm>>
    %dma_wait3A_327 = tpu.memref_squeeze %dma_wait3A_326 : memref<1x50x128xf32, #tpu.memory_space<hbm>> -> memref<50x128xf32, #tpu.memory_space<hbm>>
    %dma_wait3A_328 = tpu.memref_slice %arg8[%dma_wait3A_316] : memref<16x!tpu.dma_semaphore, #tpu.memory_space<semaphore_mem>> -> memref<1x!tpu.dma_semaphore, #tpu.memory_space<semaphore_mem>>
    %dma_wait3A_329 = tpu.memref_squeeze %dma_wait3A_328 : memref<1x!tpu.dma_semaphore, #tpu.memory_space<semaphore_mem>> -> memref<!tpu.dma_semaphore, #tpu.memory_space<semaphore_mem>>
    %dma_wait3A_330 = arith.constant 0 : i32
    %dma_wait3A_331 = arith.constant 0 : i32
    %dma_wait3A_332 = tpu.memref_slice %arg4[%add3A_314, %dma_wait3A_330, %dma_wait3A_331] : memref<16384x56x128xf32, #tpu.memory_space<hbm>> -> memref<1x50x128xf32, #tpu.memory_space<hbm>>
    %dma_wait3A_333 = tpu.memref_squeeze %dma_wait3A_332 : memref<1x50x128xf32, #tpu.memory_space<hbm>> -> memref<50x128xf32, #tpu.memory_space<hbm>>
    %dma_wait3A_334 = arith.constant 0 : i32
    %dma_wait3A_335 = arith.constant 0 : i32
    %dma_wait3A_336 = tpu.memref_slice %arg6[%dma_wait3A_315, %dma_wait3A_334, %dma_wait3A_335] : memref<4x200x128xf32, #tpu.memory_space<vmem>> -> memref<1x200x128xf32, #tpu.memory_space<vmem>>
    %dma_wait3A_337 = tpu.memref_squeeze %dma_wait3A_336 : memref<1x200x128xf32, #tpu.memory_space<vmem>> -> memref<200x128xf32, #tpu.memory_space<vmem>>
    %dma_wait3A_338 = arith.constant 0 : i32
    %dma_wait3A_339 = arith.constant 0 : i32
    %dma_wait3A_340 = tpu.memref_slice %dma_wait3A_337[%dma_wait3A_338, %dma_wait3A_339] : memref<200x128xf32, #tpu.memory_space<vmem>> -> memref<50x128xf32, #tpu.memory_space<vmem>>
    tpu.wait_dma2 semaphore(%dma_wait3A_329 : memref<!tpu.dma_semaphore, #tpu.memory_space<semaphore_mem>>) src(%dma_wait3A_340 : memref<50x128xf32, #tpu.memory_space<vmem>>) dst(%dma_wait3A_333 : memref<50x128xf32, #tpu.memory_space<hbm>>)
    %add3A_341 = arith.constant 0 : i32
    %add3A_342 = arith.addi %mul3A_4, %add3A_341 : i32
    %add3A_343 = arith.constant 1 : i32
    %add3A_344 = arith.addi %add3A_342, %add3A_343 : i32
    %dma_wait3A_345 = arith.constant 2 : i32
    %dma_wait3A_346 = arith.constant 9 : i32
    %dma_wait3A_347 = arith.constant 0 : i32
    %dma_wait3A_348 = arith.constant 0 : i32
    %dma_wait3A_349 = tpu.memref_slice %arg6[%dma_wait3A_345, %dma_wait3A_347, %dma_wait3A_348] : memref<4x200x128xf32, #tpu.memory_space<vmem>> -> memref<1x200x128xf32, #tpu.memory_space<vmem>>
    %dma_wait3A_350 = tpu.memref_squeeze %dma_wait3A_349 : memref<1x200x128xf32, #tpu.memory_space<vmem>> -> memref<200x128xf32, #tpu.memory_space<vmem>>
    %dma_wait3A_351 = arith.constant 50 : i32
    %dma_wait3A_352 = arith.constant 0 : i32
    %dma_wait3A_353 = tpu.memref_slice %dma_wait3A_350[%dma_wait3A_351, %dma_wait3A_352] : memref<200x128xf32, #tpu.memory_space<vmem>> -> memref<50x128xf32, #tpu.memory_space<vmem>>
    %dma_wait3A_354 = arith.constant 0 : i32
    %dma_wait3A_355 = arith.constant 0 : i32
    %dma_wait3A_356 = tpu.memref_slice %arg4[%add3A_344, %dma_wait3A_354, %dma_wait3A_355] : memref<16384x56x128xf32, #tpu.memory_space<hbm>> -> memref<1x50x128xf32, #tpu.memory_space<hbm>>
    %dma_wait3A_357 = tpu.memref_squeeze %dma_wait3A_356 : memref<1x50x128xf32, #tpu.memory_space<hbm>> -> memref<50x128xf32, #tpu.memory_space<hbm>>
    %dma_wait3A_358 = tpu.memref_slice %arg8[%dma_wait3A_346] : memref<16x!tpu.dma_semaphore, #tpu.memory_space<semaphore_mem>> -> memref<1x!tpu.dma_semaphore, #tpu.memory_space<semaphore_mem>>
    %dma_wait3A_359 = tpu.memref_squeeze %dma_wait3A_358 : memref<1x!tpu.dma_semaphore, #tpu.memory_space<semaphore_mem>> -> memref<!tpu.dma_semaphore, #tpu.memory_space<semaphore_mem>>
    %dma_wait3A_360 = arith.constant 0 : i32
    %dma_wait3A_361 = arith.constant 0 : i32
    %dma_wait3A_362 = tpu.memref_slice %arg4[%add3A_344, %dma_wait3A_360, %dma_wait3A_361] : memref<16384x56x128xf32, #tpu.memory_space<hbm>> -> memref<1x50x128xf32, #tpu.memory_space<hbm>>
    %dma_wait3A_363 = tpu.memref_squeeze %dma_wait3A_362 : memref<1x50x128xf32, #tpu.memory_space<hbm>> -> memref<50x128xf32, #tpu.memory_space<hbm>>
    %dma_wait3A_364 = arith.constant 0 : i32
    %dma_wait3A_365 = arith.constant 0 : i32
    %dma_wait3A_366 = tpu.memref_slice %arg6[%dma_wait3A_345, %dma_wait3A_364, %dma_wait3A_365] : memref<4x200x128xf32, #tpu.memory_space<vmem>> -> memref<1x200x128xf32, #tpu.memory_space<vmem>>
    %dma_wait3A_367 = tpu.memref_squeeze %dma_wait3A_366 : memref<1x200x128xf32, #tpu.memory_space<vmem>> -> memref<200x128xf32, #tpu.memory_space<vmem>>
    %dma_wait3A_368 = arith.constant 50 : i32
    %dma_wait3A_369 = arith.constant 0 : i32
    %dma_wait3A_370 = tpu.memref_slice %dma_wait3A_367[%dma_wait3A_368, %dma_wait3A_369] : memref<200x128xf32, #tpu.memory_space<vmem>> -> memref<50x128xf32, #tpu.memory_space<vmem>>
    tpu.wait_dma2 semaphore(%dma_wait3A_359 : memref<!tpu.dma_semaphore, #tpu.memory_space<semaphore_mem>>) src(%dma_wait3A_370 : memref<50x128xf32, #tpu.memory_space<vmem>>) dst(%dma_wait3A_363 : memref<50x128xf32, #tpu.memory_space<hbm>>)
    %add3A_371 = arith.constant 0 : i32
    %add3A_372 = arith.addi %mul3A_4, %add3A_371 : i32
    %add3A_373 = arith.constant 2 : i32
    %add3A_374 = arith.addi %add3A_372, %add3A_373 : i32
    %dma_wait3A_375 = arith.constant 2 : i32
    %dma_wait3A_376 = arith.constant 10 : i32
    %dma_wait3A_377 = arith.constant 0 : i32
    %dma_wait3A_378 = arith.constant 0 : i32
    %dma_wait3A_379 = tpu.memref_slice %arg6[%dma_wait3A_375, %dma_wait3A_377, %dma_wait3A_378] : memref<4x200x128xf32, #tpu.memory_space<vmem>> -> memref<1x200x128xf32, #tpu.memory_space<vmem>>
    %dma_wait3A_380 = tpu.memref_squeeze %dma_wait3A_379 : memref<1x200x128xf32, #tpu.memory_space<vmem>> -> memref<200x128xf32, #tpu.memory_space<vmem>>
    %dma_wait3A_381 = arith.constant 100 : i32
    %dma_wait3A_382 = arith.constant 0 : i32
    %dma_wait3A_383 = tpu.memref_slice %dma_wait3A_380[%dma_wait3A_381, %dma_wait3A_382] : memref<200x128xf32, #tpu.memory_space<vmem>> -> memref<50x128xf32, #tpu.memory_space<vmem>>
    %dma_wait3A_384 = arith.constant 0 : i32
    %dma_wait3A_385 = arith.constant 0 : i32
    %dma_wait3A_386 = tpu.memref_slice %arg4[%add3A_374, %dma_wait3A_384, %dma_wait3A_385] : memref<16384x56x128xf32, #tpu.memory_space<hbm>> -> memref<1x50x128xf32, #tpu.memory_space<hbm>>
    %dma_wait3A_387 = tpu.memref_squeeze %dma_wait3A_386 : memref<1x50x128xf32, #tpu.memory_space<hbm>> -> memref<50x128xf32, #tpu.memory_space<hbm>>
    %dma_wait3A_388 = tpu.memref_slice %arg8[%dma_wait3A_376] : memref<16x!tpu.dma_semaphore, #tpu.memory_space<semaphore_mem>> -> memref<1x!tpu.dma_semaphore, #tpu.memory_space<semaphore_mem>>
    %dma_wait3A_389 = tpu.memref_squeeze %dma_wait3A_388 : memref<1x!tpu.dma_semaphore, #tpu.memory_space<semaphore_mem>> -> memref<!tpu.dma_semaphore, #tpu.memory_space<semaphore_mem>>
    %dma_wait3A_390 = arith.constant 0 : i32
    %dma_wait3A_391 = arith.constant 0 : i32
    %dma_wait3A_392 = tpu.memref_slice %arg4[%add3A_374, %dma_wait3A_390, %dma_wait3A_391] : memref<16384x56x128xf32, #tpu.memory_space<hbm>> -> memref<1x50x128xf32, #tpu.memory_space<hbm>>
    %dma_wait3A_393 = tpu.memref_squeeze %dma_wait3A_392 : memref<1x50x128xf32, #tpu.memory_space<hbm>> -> memref<50x128xf32, #tpu.memory_space<hbm>>
    %dma_wait3A_394 = arith.constant 0 : i32
    %dma_wait3A_395 = arith.constant 0 : i32
    %dma_wait3A_396 = tpu.memref_slice %arg6[%dma_wait3A_375, %dma_wait3A_394, %dma_wait3A_395] : memref<4x200x128xf32, #tpu.memory_space<vmem>> -> memref<1x200x128xf32, #tpu.memory_space<vmem>>
    %dma_wait3A_397 = tpu.memref_squeeze %dma_wait3A_396 : memref<1x200x128xf32, #tpu.memory_space<vmem>> -> memref<200x128xf32, #tpu.memory_space<vmem>>
    %dma_wait3A_398 = arith.constant 100 : i32
    %dma_wait3A_399 = arith.constant 0 : i32
    %dma_wait3A_400 = tpu.memref_slice %dma_wait3A_397[%dma_wait3A_398, %dma_wait3A_399] : memref<200x128xf32, #tpu.memory_space<vmem>> -> memref<50x128xf32, #tpu.memory_space<vmem>>
    tpu.wait_dma2 semaphore(%dma_wait3A_389 : memref<!tpu.dma_semaphore, #tpu.memory_space<semaphore_mem>>) src(%dma_wait3A_400 : memref<50x128xf32, #tpu.memory_space<vmem>>) dst(%dma_wait3A_393 : memref<50x128xf32, #tpu.memory_space<hbm>>)
    %add3A_401 = arith.constant 0 : i32
    %add3A_402 = arith.addi %mul3A_4, %add3A_401 : i32
    %add3A_403 = arith.constant 3 : i32
    %add3A_404 = arith.addi %add3A_402, %add3A_403 : i32
    %dma_wait3A_405 = arith.constant 2 : i32
    %dma_wait3A_406 = arith.constant 11 : i32
    %dma_wait3A_407 = arith.constant 0 : i32
    %dma_wait3A_408 = arith.constant 0 : i32
    %dma_wait3A_409 = tpu.memref_slice %arg6[%dma_wait3A_405, %dma_wait3A_407, %dma_wait3A_408] : memref<4x200x128xf32, #tpu.memory_space<vmem>> -> memref<1x200x128xf32, #tpu.memory_space<vmem>>
    %dma_wait3A_410 = tpu.memref_squeeze %dma_wait3A_409 : memref<1x200x128xf32, #tpu.memory_space<vmem>> -> memref<200x128xf32, #tpu.memory_space<vmem>>
    %dma_wait3A_411 = arith.constant 150 : i32
    %dma_wait3A_412 = arith.constant 0 : i32
    %dma_wait3A_413 = tpu.memref_slice %dma_wait3A_410[%dma_wait3A_411, %dma_wait3A_412] : memref<200x128xf32, #tpu.memory_space<vmem>> -> memref<50x128xf32, #tpu.memory_space<vmem>>
    %dma_wait3A_414 = arith.constant 0 : i32
    %dma_wait3A_415 = arith.constant 0 : i32
    %dma_wait3A_416 = tpu.memref_slice %arg4[%add3A_404, %dma_wait3A_414, %dma_wait3A_415] : memref<16384x56x128xf32, #tpu.memory_space<hbm>> -> memref<1x50x128xf32, #tpu.memory_space<hbm>>
    %dma_wait3A_417 = tpu.memref_squeeze %dma_wait3A_416 : memref<1x50x128xf32, #tpu.memory_space<hbm>> -> memref<50x128xf32, #tpu.memory_space<hbm>>
    %dma_wait3A_418 = tpu.memref_slice %arg8[%dma_wait3A_406] : memref<16x!tpu.dma_semaphore, #tpu.memory_space<semaphore_mem>> -> memref<1x!tpu.dma_semaphore, #tpu.memory_space<semaphore_mem>>
    %dma_wait3A_419 = tpu.memref_squeeze %dma_wait3A_418 : memref<1x!tpu.dma_semaphore, #tpu.memory_space<semaphore_mem>> -> memref<!tpu.dma_semaphore, #tpu.memory_space<semaphore_mem>>
    %dma_wait3A_420 = arith.constant 0 : i32
    %dma_wait3A_421 = arith.constant 0 : i32
    %dma_wait3A_422 = tpu.memref_slice %arg4[%add3A_404, %dma_wait3A_420, %dma_wait3A_421] : memref<16384x56x128xf32, #tpu.memory_space<hbm>> -> memref<1x50x128xf32, #tpu.memory_space<hbm>>
    %dma_wait3A_423 = tpu.memref_squeeze %dma_wait3A_422 : memref<1x50x128xf32, #tpu.memory_space<hbm>> -> memref<50x128xf32, #tpu.memory_space<hbm>>
    %dma_wait3A_424 = arith.constant 0 : i32
    %dma_wait3A_425 = arith.constant 0 : i32
    %dma_wait3A_426 = tpu.memref_slice %arg6[%dma_wait3A_405, %dma_wait3A_424, %dma_wait3A_425] : memref<4x200x128xf32, #tpu.memory_space<vmem>> -> memref<1x200x128xf32, #tpu.memory_space<vmem>>
    %dma_wait3A_427 = tpu.memref_squeeze %dma_wait3A_426 : memref<1x200x128xf32, #tpu.memory_space<vmem>> -> memref<200x128xf32, #tpu.memory_space<vmem>>
    %dma_wait3A_428 = arith.constant 150 : i32
    %dma_wait3A_429 = arith.constant 0 : i32
    %dma_wait3A_430 = tpu.memref_slice %dma_wait3A_427[%dma_wait3A_428, %dma_wait3A_429] : memref<200x128xf32, #tpu.memory_space<vmem>> -> memref<50x128xf32, #tpu.memory_space<vmem>>
    tpu.wait_dma2 semaphore(%dma_wait3A_419 : memref<!tpu.dma_semaphore, #tpu.memory_space<semaphore_mem>>) src(%dma_wait3A_430 : memref<50x128xf32, #tpu.memory_space<vmem>>) dst(%dma_wait3A_423 : memref<50x128xf32, #tpu.memory_space<hbm>>)
    %add3A_431 = arith.constant 0 : i32
    %add3A_432 = arith.addi %mul3A_4, %add3A_431 : i32
    %add3A_433 = arith.constant 0 : i32
    %add3A_434 = arith.addi %add3A_432, %add3A_433 : i32
    %dma_wait3A_435 = arith.constant 3 : i32
    %dma_wait3A_436 = arith.constant 12 : i32
    %dma_wait3A_437 = arith.constant 0 : i32
    %dma_wait3A_438 = arith.constant 0 : i32
    %dma_wait3A_439 = tpu.memref_slice %arg6[%dma_wait3A_435, %dma_wait3A_437, %dma_wait3A_438] : memref<4x200x128xf32, #tpu.memory_space<vmem>> -> memref<1x200x128xf32, #tpu.memory_space<vmem>>
    %dma_wait3A_440 = tpu.memref_squeeze %dma_wait3A_439 : memref<1x200x128xf32, #tpu.memory_space<vmem>> -> memref<200x128xf32, #tpu.memory_space<vmem>>
    %dma_wait3A_441 = arith.constant 0 : i32
    %dma_wait3A_442 = arith.constant 0 : i32
    %dma_wait3A_443 = tpu.memref_slice %dma_wait3A_440[%dma_wait3A_441, %dma_wait3A_442] : memref<200x128xf32, #tpu.memory_space<vmem>> -> memref<50x128xf32, #tpu.memory_space<vmem>>
    %dma_wait3A_444 = arith.constant 0 : i32
    %dma_wait3A_445 = arith.constant 0 : i32
    %dma_wait3A_446 = tpu.memref_slice %arg4[%add3A_434, %dma_wait3A_444, %dma_wait3A_445] : memref<16384x56x128xf32, #tpu.memory_space<hbm>> -> memref<1x50x128xf32, #tpu.memory_space<hbm>>
    %dma_wait3A_447 = tpu.memref_squeeze %dma_wait3A_446 : memref<1x50x128xf32, #tpu.memory_space<hbm>> -> memref<50x128xf32, #tpu.memory_space<hbm>>
    %dma_wait3A_448 = tpu.memref_slice %arg8[%dma_wait3A_436] : memref<16x!tpu.dma_semaphore, #tpu.memory_space<semaphore_mem>> -> memref<1x!tpu.dma_semaphore, #tpu.memory_space<semaphore_mem>>
    %dma_wait3A_449 = tpu.memref_squeeze %dma_wait3A_448 : memref<1x!tpu.dma_semaphore, #tpu.memory_space<semaphore_mem>> -> memref<!tpu.dma_semaphore, #tpu.memory_space<semaphore_mem>>
    %dma_wait3A_450 = arith.constant 0 : i32
    %dma_wait3A_451 = arith.constant 0 : i32
    %dma_wait3A_452 = tpu.memref_slice %arg4[%add3A_434, %dma_wait3A_450, %dma_wait3A_451] : memref<16384x56x128xf32, #tpu.memory_space<hbm>> -> memref<1x50x128xf32, #tpu.memory_space<hbm>>
    %dma_wait3A_453 = tpu.memref_squeeze %dma_wait3A_452 : memref<1x50x128xf32, #tpu.memory_space<hbm>> -> memref<50x128xf32, #tpu.memory_space<hbm>>
    %dma_wait3A_454 = arith.constant 0 : i32
    %dma_wait3A_455 = arith.constant 0 : i32
    %dma_wait3A_456 = tpu.memref_slice %arg6[%dma_wait3A_435, %dma_wait3A_454, %dma_wait3A_455] : memref<4x200x128xf32, #tpu.memory_space<vmem>> -> memref<1x200x128xf32, #tpu.memory_space<vmem>>
    %dma_wait3A_457 = tpu.memref_squeeze %dma_wait3A_456 : memref<1x200x128xf32, #tpu.memory_space<vmem>> -> memref<200x128xf32, #tpu.memory_space<vmem>>
    %dma_wait3A_458 = arith.constant 0 : i32
    %dma_wait3A_459 = arith.constant 0 : i32
    %dma_wait3A_460 = tpu.memref_slice %dma_wait3A_457[%dma_wait3A_458, %dma_wait3A_459] : memref<200x128xf32, #tpu.memory_space<vmem>> -> memref<50x128xf32, #tpu.memory_space<vmem>>
    tpu.wait_dma2 semaphore(%dma_wait3A_449 : memref<!tpu.dma_semaphore, #tpu.memory_space<semaphore_mem>>) src(%dma_wait3A_460 : memref<50x128xf32, #tpu.memory_space<vmem>>) dst(%dma_wait3A_453 : memref<50x128xf32, #tpu.memory_space<hbm>>)
    %add3A_461 = arith.constant 0 : i32
    %add3A_462 = arith.addi %mul3A_4, %add3A_461 : i32
    %add3A_463 = arith.constant 1 : i32
    %add3A_464 = arith.addi %add3A_462, %add3A_463 : i32
    %dma_wait3A_465 = arith.constant 3 : i32
    %dma_wait3A_466 = arith.constant 13 : i32
    %dma_wait3A_467 = arith.constant 0 : i32
    %dma_wait3A_468 = arith.constant 0 : i32
    %dma_wait3A_469 = tpu.memref_slice %arg6[%dma_wait3A_465, %dma_wait3A_467, %dma_wait3A_468] : memref<4x200x128xf32, #tpu.memory_space<vmem>> -> memref<1x200x128xf32, #tpu.memory_space<vmem>>
    %dma_wait3A_470 = tpu.memref_squeeze %dma_wait3A_469 : memref<1x200x128xf32, #tpu.memory_space<vmem>> -> memref<200x128xf32, #tpu.memory_space<vmem>>
    %dma_wait3A_471 = arith.constant 50 : i32
    %dma_wait3A_472 = arith.constant 0 : i32
    %dma_wait3A_473 = tpu.memref_slice %dma_wait3A_470[%dma_wait3A_471, %dma_wait3A_472] : memref<200x128xf32, #tpu.memory_space<vmem>> -> memref<50x128xf32, #tpu.memory_space<vmem>>
    %dma_wait3A_474 = arith.constant 0 : i32
    %dma_wait3A_475 = arith.constant 0 : i32
    %dma_wait3A_476 = tpu.memref_slice %arg4[%add3A_464, %dma_wait3A_474, %dma_wait3A_475] : memref<16384x56x128xf32, #tpu.memory_space<hbm>> -> memref<1x50x128xf32, #tpu.memory_space<hbm>>
    %dma_wait3A_477 = tpu.memref_squeeze %dma_wait3A_476 : memref<1x50x128xf32, #tpu.memory_space<hbm>> -> memref<50x128xf32, #tpu.memory_space<hbm>>
    %dma_wait3A_478 = tpu.memref_slice %arg8[%dma_wait3A_466] : memref<16x!tpu.dma_semaphore, #tpu.memory_space<semaphore_mem>> -> memref<1x!tpu.dma_semaphore, #tpu.memory_space<semaphore_mem>>
    %dma_wait3A_479 = tpu.memref_squeeze %dma_wait3A_478 : memref<1x!tpu.dma_semaphore, #tpu.memory_space<semaphore_mem>> -> memref<!tpu.dma_semaphore, #tpu.memory_space<semaphore_mem>>
    %dma_wait3A_480 = arith.constant 0 : i32
    %dma_wait3A_481 = arith.constant 0 : i32
    %dma_wait3A_482 = tpu.memref_slice %arg4[%add3A_464, %dma_wait3A_480, %dma_wait3A_481] : memref<16384x56x128xf32, #tpu.memory_space<hbm>> -> memref<1x50x128xf32, #tpu.memory_space<hbm>>
    %dma_wait3A_483 = tpu.memref_squeeze %dma_wait3A_482 : memref<1x50x128xf32, #tpu.memory_space<hbm>> -> memref<50x128xf32, #tpu.memory_space<hbm>>
    %dma_wait3A_484 = arith.constant 0 : i32
    %dma_wait3A_485 = arith.constant 0 : i32
    %dma_wait3A_486 = tpu.memref_slice %arg6[%dma_wait3A_465, %dma_wait3A_484, %dma_wait3A_485] : memref<4x200x128xf32, #tpu.memory_space<vmem>> -> memref<1x200x128xf32, #tpu.memory_space<vmem>>
    %dma_wait3A_487 = tpu.memref_squeeze %dma_wait3A_486 : memref<1x200x128xf32, #tpu.memory_space<vmem>> -> memref<200x128xf32, #tpu.memory_space<vmem>>
    %dma_wait3A_488 = arith.constant 50 : i32
    %dma_wait3A_489 = arith.constant 0 : i32
    %dma_wait3A_490 = tpu.memref_slice %dma_wait3A_487[%dma_wait3A_488, %dma_wait3A_489] : memref<200x128xf32, #tpu.memory_space<vmem>> -> memref<50x128xf32, #tpu.memory_space<vmem>>
    tpu.wait_dma2 semaphore(%dma_wait3A_479 : memref<!tpu.dma_semaphore, #tpu.memory_space<semaphore_mem>>) src(%dma_wait3A_490 : memref<50x128xf32, #tpu.memory_space<vmem>>) dst(%dma_wait3A_483 : memref<50x128xf32, #tpu.memory_space<hbm>>)
    %add3A_491 = arith.constant 0 : i32
    %add3A_492 = arith.addi %mul3A_4, %add3A_491 : i32
    %add3A_493 = arith.constant 2 : i32
    %add3A_494 = arith.addi %add3A_492, %add3A_493 : i32
    %dma_wait3A_495 = arith.constant 3 : i32
    %dma_wait3A_496 = arith.constant 14 : i32
    %dma_wait3A_497 = arith.constant 0 : i32
    %dma_wait3A_498 = arith.constant 0 : i32
    %dma_wait3A_499 = tpu.memref_slice %arg6[%dma_wait3A_495, %dma_wait3A_497, %dma_wait3A_498] : memref<4x200x128xf32, #tpu.memory_space<vmem>> -> memref<1x200x128xf32, #tpu.memory_space<vmem>>
    %dma_wait3A_500 = tpu.memref_squeeze %dma_wait3A_499 : memref<1x200x128xf32, #tpu.memory_space<vmem>> -> memref<200x128xf32, #tpu.memory_space<vmem>>
    %dma_wait3A_501 = arith.constant 100 : i32
    %dma_wait3A_502 = arith.constant 0 : i32
    %dma_wait3A_503 = tpu.memref_slice %dma_wait3A_500[%dma_wait3A_501, %dma_wait3A_502] : memref<200x128xf32, #tpu.memory_space<vmem>> -> memref<50x128xf32, #tpu.memory_space<vmem>>
    %dma_wait3A_504 = arith.constant 0 : i32
    %dma_wait3A_505 = arith.constant 0 : i32
    %dma_wait3A_506 = tpu.memref_slice %arg4[%add3A_494, %dma_wait3A_504, %dma_wait3A_505] : memref<16384x56x128xf32, #tpu.memory_space<hbm>> -> memref<1x50x128xf32, #tpu.memory_space<hbm>>
    %dma_wait3A_507 = tpu.memref_squeeze %dma_wait3A_506 : memref<1x50x128xf32, #tpu.memory_space<hbm>> -> memref<50x128xf32, #tpu.memory_space<hbm>>
    %dma_wait3A_508 = tpu.memref_slice %arg8[%dma_wait3A_496] : memref<16x!tpu.dma_semaphore, #tpu.memory_space<semaphore_mem>> -> memref<1x!tpu.dma_semaphore, #tpu.memory_space<semaphore_mem>>
    %dma_wait3A_509 = tpu.memref_squeeze %dma_wait3A_508 : memref<1x!tpu.dma_semaphore, #tpu.memory_space<semaphore_mem>> -> memref<!tpu.dma_semaphore, #tpu.memory_space<semaphore_mem>>
    %dma_wait3A_510 = arith.constant 0 : i32
    %dma_wait3A_511 = arith.constant 0 : i32
    %dma_wait3A_512 = tpu.memref_slice %arg4[%add3A_494, %dma_wait3A_510, %dma_wait3A_511] : memref<16384x56x128xf32, #tpu.memory_space<hbm>> -> memref<1x50x128xf32, #tpu.memory_space<hbm>>
    %dma_wait3A_513 = tpu.memref_squeeze %dma_wait3A_512 : memref<1x50x128xf32, #tpu.memory_space<hbm>> -> memref<50x128xf32, #tpu.memory_space<hbm>>
    %dma_wait3A_514 = arith.constant 0 : i32
    %dma_wait3A_515 = arith.constant 0 : i32
    %dma_wait3A_516 = tpu.memref_slice %arg6[%dma_wait3A_495, %dma_wait3A_514, %dma_wait3A_515] : memref<4x200x128xf32, #tpu.memory_space<vmem>> -> memref<1x200x128xf32, #tpu.memory_space<vmem>>
    %dma_wait3A_517 = tpu.memref_squeeze %dma_wait3A_516 : memref<1x200x128xf32, #tpu.memory_space<vmem>> -> memref<200x128xf32, #tpu.memory_space<vmem>>
    %dma_wait3A_518 = arith.constant 100 : i32
    %dma_wait3A_519 = arith.constant 0 : i32
    %dma_wait3A_520 = tpu.memref_slice %dma_wait3A_517[%dma_wait3A_518, %dma_wait3A_519] : memref<200x128xf32, #tpu.memory_space<vmem>> -> memref<50x128xf32, #tpu.memory_space<vmem>>
    tpu.wait_dma2 semaphore(%dma_wait3A_509 : memref<!tpu.dma_semaphore, #tpu.memory_space<semaphore_mem>>) src(%dma_wait3A_520 : memref<50x128xf32, #tpu.memory_space<vmem>>) dst(%dma_wait3A_513 : memref<50x128xf32, #tpu.memory_space<hbm>>)
    %add3A_521 = arith.constant 0 : i32
    %add3A_522 = arith.addi %mul3A_4, %add3A_521 : i32
    %add3A_523 = arith.constant 3 : i32
    %add3A_524 = arith.addi %add3A_522, %add3A_523 : i32
    %dma_wait3A_525 = arith.constant 3 : i32
    %dma_wait3A_526 = arith.constant 15 : i32
    %dma_wait3A_527 = arith.constant 0 : i32
    %dma_wait3A_528 = arith.constant 0 : i32
    %dma_wait3A_529 = tpu.memref_slice %arg6[%dma_wait3A_525, %dma_wait3A_527, %dma_wait3A_528] : memref<4x200x128xf32, #tpu.memory_space<vmem>> -> memref<1x200x128xf32, #tpu.memory_space<vmem>>
    %dma_wait3A_530 = tpu.memref_squeeze %dma_wait3A_529 : memref<1x200x128xf32, #tpu.memory_space<vmem>> -> memref<200x128xf32, #tpu.memory_space<vmem>>
    %dma_wait3A_531 = arith.constant 150 : i32
    %dma_wait3A_532 = arith.constant 0 : i32
    %dma_wait3A_533 = tpu.memref_slice %dma_wait3A_530[%dma_wait3A_531, %dma_wait3A_532] : memref<200x128xf32, #tpu.memory_space<vmem>> -> memref<50x128xf32, #tpu.memory_space<vmem>>
    %dma_wait3A_534 = arith.constant 0 : i32
    %dma_wait3A_535 = arith.constant 0 : i32
    %dma_wait3A_536 = tpu.memref_slice %arg4[%add3A_524, %dma_wait3A_534, %dma_wait3A_535] : memref<16384x56x128xf32, #tpu.memory_space<hbm>> -> memref<1x50x128xf32, #tpu.memory_space<hbm>>
    %dma_wait3A_537 = tpu.memref_squeeze %dma_wait3A_536 : memref<1x50x128xf32, #tpu.memory_space<hbm>> -> memref<50x128xf32, #tpu.memory_space<hbm>>
    %dma_wait3A_538 = tpu.memref_slice %arg8[%dma_wait3A_526] : memref<16x!tpu.dma_semaphore, #tpu.memory_space<semaphore_mem>> -> memref<1x!tpu.dma_semaphore, #tpu.memory_space<semaphore_mem>>
    %dma_wait3A_539 = tpu.memref_squeeze %dma_wait3A_538 : memref<1x!tpu.dma_semaphore, #tpu.memory_space<semaphore_mem>> -> memref<!tpu.dma_semaphore, #tpu.memory_space<semaphore_mem>>
    %dma_wait3A_540 = arith.constant 0 : i32
    %dma_wait3A_541 = arith.constant 0 : i32
    %dma_wait3A_542 = tpu.memref_slice %arg4[%add3A_524, %dma_wait3A_540, %dma_wait3A_541] : memref<16384x56x128xf32, #tpu.memory_space<hbm>> -> memref<1x50x128xf32, #tpu.memory_space<hbm>>
    %dma_wait3A_543 = tpu.memref_squeeze %dma_wait3A_542 : memref<1x50x128xf32, #tpu.memory_space<hbm>> -> memref<50x128xf32, #tpu.memory_space<hbm>>
    %dma_wait3A_544 = arith.constant 0 : i32
    %dma_wait3A_545 = arith.constant 0 : i32
    %dma_wait3A_546 = tpu.memref_slice %arg6[%dma_wait3A_525, %dma_wait3A_544, %dma_wait3A_545] : memref<4x200x128xf32, #tpu.memory_space<vmem>> -> memref<1x200x128xf32, #tpu.memory_space<vmem>>
    %dma_wait3A_547 = tpu.memref_squeeze %dma_wait3A_546 : memref<1x200x128xf32, #tpu.memory_space<vmem>> -> memref<200x128xf32, #tpu.memory_space<vmem>>
    %dma_wait3A_548 = arith.constant 150 : i32
    %dma_wait3A_549 = arith.constant 0 : i32
    %dma_wait3A_550 = tpu.memref_slice %dma_wait3A_547[%dma_wait3A_548, %dma_wait3A_549] : memref<200x128xf32, #tpu.memory_space<vmem>> -> memref<50x128xf32, #tpu.memory_space<vmem>>
    tpu.wait_dma2 semaphore(%dma_wait3A_539 : memref<!tpu.dma_semaphore, #tpu.memory_space<semaphore_mem>>) src(%dma_wait3A_550 : memref<50x128xf32, #tpu.memory_space<vmem>>) dst(%dma_wait3A_543 : memref<50x128xf32, #tpu.memory_space<hbm>>)
    return
  }
}

</mosaic_0001>

<sc_bundles>
// kernel: kernel.3.cloned.1.call-start
scs
__scs_entry_jumppad:
0x0: {  	(pc) =	sbr.rel $0x88, $3  }
0x1: {  	(tag) =	ssettag $0x0;
	lr =	simm.s32 $0x1  }
0x2: {  	[smem:$0x3F9F] =	sst lr;
	_ =	strace $0xD0000000  }
0x3: {  	_ = 	snop  }
0x4: {  	_ = 	snop  }
0x5: {  	_ = 	snop  }
0x6: {  	_ = 	snop  }
0x7: {  	_ = 	snop  }
__scs_overlays_trampoline_lowered:
0x8: {  	[smem:$0x3FAE] =	sst s0  }
0x9: {  	[smem:$0x3FAF] =	sst s1  }
0xa: {  	[smem:$0x3FB0] =	sst s2  }
0xb: {  	[smem:$0x3FB1] =	sst s3  }
0xc: {  	[smem:$0x3FB2] =	sst s4  }
0xd: {  	[smem:$0x3FB3] =	sst s5  }
0xe: {  	[smem:$0x3FB4] =	sst s6  }
0xf: {  	[smem:$0x3FB5] =	sst s7  }
0x10: {  	[smem:$0x3FB6] =	sst s8  }
0x11: {  	[smem:$0x3FB7] =	sst s9;
	s0 =	simm.s32 @!p0 $0x0  }
0x12: {  	s1 =	sld [smem:$0x3F9D];
	s0 =	simm.s32 @p0 $0x1  }
0x13: {  	[smem:$0x3FB8] =	sst s0;
	s0 =	simm.s32 @!p1 $0x0  }
0x14: {  	s2 =	sld [smem:$0x3F9C];
	s0 =	simm.s32 @p1 $0x1  }
0x15: {  	[smem:$0x3FB9] =	sst s0;
	s0 =	simm.s32 @!p2 $0x0  }
0x16: {  	s3 =	sld [smem:$0x3FDB];
	s0 =	simm.s32 @p2 $0x1  }
0x17: {  	s4 =	simm.s32 $0x1BF5;
	[smem:$0x3FBB] =	sst s0  }
0x18: {  	s0 =	sld [smem:$0x3F9E];
	_ =	swait.ge [sflag:s4], $0x0  }
0x19: {  	s7 =	sld [smem:$0x3F9F]  }
0x1a: {  	s8 =	sadd.s32 $0xFFFFE003, lr  }
0x1b: {  	s9 =	sadd.s32 $0xFFFFFEF7, lr;
	s5 =	simm.s32 $0xFFFFFFFF;
	p2 =	slt.u32 s8, $0xFFFFF086  }
0x1c: {  	p1 =	slt.u32 s9, $0xF7A;
	s5 =	simm.s32 @!p2 $0x0  }
0x1d: {  	s5 =	simm.s32 @p1 $0x1;
	p0 =	seq.s32 s7, s2  }
0x1e: {  	s7 =	smul.u32 @!p0 $0xF7A, s2;
	p2 =	seq.s32 @!p0 s5, $0x0  }
0x1f: {  	s9 =	smul.u32 $0xF7A, s1;
	s8 =	simm.s32 @!p0 $0x1BF5;
	p2 =	por !p2, p0  }
0x20: {  	[sflag:s8] =	ssyncset.s32 @!p0 $0xFFFFF086;
	s6 =	sadd.s32 @!p0 s3, s7;
	s7 =	simm.s32 @!p0 $0x108  }
0x21: {  	s3 =	sadd.s32 s3, s9;
	s6 =	sadd.s32 @!p0 $0x88, s6;
	s7 =	simm.s32 @p2 $0x1082  }
0x22: {  	[simem:s7], [sflag:s8] =	dma.local @!p0 [hbm:s6], $0xF7A  }
0x23: {  	s9 =	sor.u32 $0xD0000000, s2;
	s6 =	simm.s32 $0x108;
	_ =	swait.ge @!p0 [sflag:s8], $0x0  }
0x24: {  	s3 =	sadd.s32 $0x88, s3;
	s6 =	simm.s32 @!p1 $0x1082;
	[sflag:s4] =	ssyncset.s32 $0xFFFFF086  }
0x25: {  	[simem:s6], [sflag:s4] =	dma.local [hbm:s3], $0xF7A  }
0x26: {  	[smem:$0x3F9F] =	sst s1;
	(tag) =	ssettag s2;
	_ =	strace s9  }
0x27: {  	s1 =	sld [smem:$0x3FAF]  }
0x28: {  	s2 =	sld [smem:$0x3FB0]  }
0x29: {  	s4 =	sld [smem:$0x3FB2]  }
0x2a: {  	p0 =	seq.s32 s5, $0x0;
	s5 =	sld [smem:$0x3FB3]  }
0x2b: {  	s6 =	sld [smem:$0x3FB4]  }
0x2c: {  	s7 =	sld [smem:$0x3FB5]  }
0x2d: {  	s3 =	simm.s32 $0x108;
	s8 =	sld [smem:$0x3FB6]  }
0x2e: {  	s3 =	simm.s32 @!p0 $0x1082;
	s9 =	sld [smem:$0x3FB7]  }
0x2f: {  	lr =	sadd.s32 s0, s3;
	s0 =	sld [smem:$0x3FAE]  }
0x30: {  	s3 =	sld [smem:$0x3FB1]  }
0x31: {  	[smem:$0x3FBA] =	sst s10  }
0x32: {  	s10 =	sld [smem:$0x3FB8];
	_ =	sdelay $0x3  }
0x33: {  	p0 =	seq.s32 s10, $0x1;
	s10 =	sld [smem:$0x3FBA];
	_ =	sdelay $0x3  }
0x34: {  	[smem:$0x3FBA] =	sst s10  }
0x35: {  	s10 =	sld [smem:$0x3FB9];
	_ =	sdelay $0x3  }
0x36: {  	p1 =	seq.s32 s10, $0x1;
	s10 =	sld [smem:$0x3FBA];
	_ =	sdelay $0x3  }
0x37: {  	[smem:$0x3FBA] =	sst s10  }
0x38: {  	s10 =	sld [smem:$0x3FBB]  }
0x39: {  	_ = 	snop;
	(pc) =	sbr.ind lr, $3  }
0x3a: {  	_ = 	snop  }
0x3b: {  	_ = 	snop  }
0x3c: {  	p2 =	seq.s32 s10, $0x1;
	s10 =	sld [smem:$0x3FBA]  }
0x3d: {  	_ =	shalt  }
0x3e: {  	_ =	shalt  }
0x3f: {  	_ =	shalt  }
0x40: {  	_ =	shalt  }
0x41: {  	_ =	shalt  }
0x42: {  	_ =	shalt  }
0x43: {  	_ =	shalt  }
0x44: {  	_ =	shalt  }
0x45: {  	_ =	shalt  }
0x46: {  	_ =	shalt  }
0x47: {  	_ =	shalt  }
0x48: {  	_ =	shalt  }
0x49: {  	_ =	shalt  }
0x4a: {  	_ =	shalt  }
0x4b: {  	_ =	shalt  }
0x4c: {  	_ =	shalt  }
0x4d: {  	_ =	shalt  }
0x4e: {  	_ =	shalt  }
0x4f: {  	_ =	shalt  }
0x50: {  	_ =	shalt  }
0x51: {  	_ =	shalt  }
0x52: {  	_ =	shalt  }
0x53: {  	_ =	shalt  }
0x54: {  	_ =	shalt  }
0x55: {  	_ =	shalt  }
0x56: {  	_ =	shalt  }
0x57: {  	_ =	shalt  }
0x58: {  	_ =	shalt  }
0x59: {  	_ =	shalt  }
0x5a: {  	_ =	shalt  }
0x5b: {  	_ =	shalt  }
0x5c: {  	_ =	shalt  }
0x5d: {  	_ =	shalt  }
0x5e: {  	_ =	shalt  }
0x5f: {  	_ =	shalt  }
0x60: {  	_ =	shalt  }
0x61: {  	_ =	shalt  }
0x62: {  	_ =	shalt  }
0x63: {  	_ =	shalt  }
0x64: {  	_ =	shalt  }
0x65: {  	_ =	shalt  }
0x66: {  	_ =	shalt  }
0x67: {  	_ =	shalt  }
0x68: {  	_ =	shalt  }
0x69: {  	_ =	shalt  }
0x6a: {  	_ =	shalt  }
0x6b: {  	_ =	shalt  }
0x6c: {  	_ =	shalt  }
0x6d: {  	_ =	shalt  }
0x6e: {  	_ =	shalt  }
0x6f: {  	_ =	shalt  }
0x70: {  	_ =	shalt  }
0x71: {  	_ =	shalt  }
0x72: {  	_ =	shalt  }
0x73: {  	_ =	shalt  }
0x74: {  	_ =	shalt  }
0x75: {  	_ =	shalt  }
0x76: {  	_ =	shalt  }
0x77: {  	_ =	shalt  }
0x78: {  	_ =	shalt  }
0x79: {  	_ =	shalt  }
0x7a: {  	_ =	shalt  }
0x7b: {  	_ =	shalt  }
0x7c: {  	_ =	shalt  }
0x7d: {  	_ =	shalt  }
0x7e: {  	_ =	shalt  }
0x7f: {  	_ =	shalt  }
0x80: {  	_ =	shalt  }
0x81: {  	_ =	shalt  }
0x82: {  	_ =	shalt  }
0x83: {  	_ =	shalt  }
0x84: {  	_ =	shalt  }
0x85: {  	_ =	shalt  }
0x86: {  	_ =	shalt  }
0x87: {  	_ =	shalt  }
.Lfunc_end0:
.L_simem_size_0:
called_computation.1_lowered:
.L_overlay_start_0:
0x88: {  	s2 =	sld [smem:$0x3FD9]  }
0x89: {  	s3 =	sld [smem:$0x3FFE];
	_ =	sdelay $0x1  }
0x8a: {  	s1 =	srdreg.scid  }
0x8b: {  	s0 =	sand.u32 $0x1, s1  }
0x8c: {  	s17 =	sshll.u32 s0, $0xA;
	s2 =	sadd.s32 s3, s2  }
0x8d: {  	s2 =	sadd.s32 s2, s17  }
0x8e: {  	[smem:$0x3FC6] =	sst s2  }
0x8f: {  	_ = 	snop  }
0x90: {  	s2 =	sld [smem:$0x3FD0];
	(tm) =	ssettm $0x1  }
0x91: {  	s18 =	sld [smem:$0x3FFB];
	_ =	sdelay $0x3  }
0x92: {  	_ =	strace s18  }
0x93: {  	s3 =	sld [smem:$0x3FFC];
	_ =	sdelay $0x3  }
0x94: {  	_ =	strace s3  }
0x95: {  	s3 =	sld [smem:$0x3FFD];
	_ =	sdelay $0x3  }
0x96: {  	_ =	strace s3  }
0x97: {  	_ =	strace $0x8FFFFFFF  }
0x98: {  	s19 =	sld [smem:$0x3FDB];
	_ =	sdelay $0x1  }
0x99: {  	s4 =	simm.s32 $_scs_section_size  }
0x9a: {  	s5 =	simm.s32 $_size__tile_overlayer_lowered;
	s6 =	simm.s32 $_tile_overlayer_lowered  }
0x9b: {  	s22 =	simm.s32 $0x1BFF;
	s21 =	sshll.u32 s6, $0x1;
	s3 =	sadd.s32 s4, s19  }
0x9c: {  	s7 =	simm.s32 $0x0;
	s20 =	sshll.u32 s5, $0x1;
	s5 =	sadd.s32 s21, s3  }
0x9d: {  	[timem:s7], [sflag:s22] =	dma.local [hbm:s5], s20  }
0x9e: {  	_ =	swait.ge [sflag:s22], s20  }
0x9f: {  	s4 =	ssub.s32 $0x0, s20;
	[sflag:s22] =	ssyncset.done $0x0  }
0xa0: {  	[sflag:s22] =	ssyncadd.s32 s4;
	_ =	sdelay $0x1  }
0xa1: {  	s23 =	simm.s32 $0x1B8B  }
0xa2: {  	_ =	swait.ge [sflag:s23], $0x1  }
0xa3: {  	[sflag:s23] =	ssyncset.done $0x0  }
0xa4: {  	s25 =	simm.s32 $0x1B8E;
	s24 =	sld [smem:$0x3FFE];
	[sflag:s23] =	ssyncadd.s32 $0xFFFFFFFF  }
0xa5: {  	s26 =	simm.s32 $execute0_lowered;
	[smem:$0x3FD2] =	sst s25  }
0xa6: {  	s5 =	sshll.u32 s26, $0x1;
	_ =	strace $0x80000046;
	[dreg:$0x1] =	wrdreg $0xFFFFFFFF  }
0xa7: {  	s28 =	simm.s32 $_size_execute0_lowered;
	s3 =	sadd.s32 s3, s5;
	[dreg:$0x0] =	wrdreg $0x0  }
0xa8: {  	s5 =	sshll.u32 s28, $0x1;
	[dreg:$0x2] =	wrdreg s3  }
0xa9: {  	[dreg:$0x3] =	wrdreg s5  }
0xaa: {  	[dreg:$0x4] =	wrdreg $0xC0  }
0xab: {  	_ =	task [dreg:s7], $0x5FFFF  }
0xac: {  	[dreg:$0x1] =	wrdreg $0xFFFFFFFF  }
0xad: {  	[dreg:$0x0] =	wrdreg $0x60  }
0xae: {  	[dreg:$0x2] =	wrdreg s24  }
0xaf: {  	[dreg:$0x3] =	wrdreg s2  }
0xb0: {  	[dreg:$0x4] =	wrdreg $0x9  }
0xb1: {  	_ =	task.clear_ibuf [dreg:s7], $0x5FFFF;
	_ =	strace $0x90000046  }
0xb2: {  	s29 =	simm.s32 $0x9;
	_ =	strace $0x80000048  }
0xb3: {  	_ =	swait.ge [sflag:s29], $0x1  }
0xb4: {  	[sflag:s29] =	ssyncadd.s32 $0xFFFFFFFF  }
0xb5: {  	_ =	strace $0x90000048  }
0xb6: {  	_ =	sfence  }
0xb7: {  	s30 =	sld [smem:$0x0];
	_ =	sdelay $0x2  }
0xb8: {  	s31 =	sshll.u32 s1, $0xD;
	s1 =	sshrl.u32 s1, $0x2  }
0xb9: {  	s3 =	sand.u32 $0x4000, s31;
	s1 =	sadd.s32 s1, s30  }
0xba: {  	s0 =	sor.u32 s3, s0;
	s1 =	sshll.u32 s1, $0x11  }
0xbb: {  	s0 =	sor.u32 s1, s0  }
0xbc: {  	s0 =	sadd.s32 $0x8F2B, s0  }
0xbd: {  	[sflag:s0] =	ssyncadd.remote.s32 $0x1  }
0xbe: {  	_ =	sfence.sel $0xFFFF  }
0xbf: {  	[dreg:$0x0] =	wrdreg $0xFFFFFFFF;
	(pc) =	sbr.abs _section_cstart, $3  }
0xc0: {  	[dreg:$0x1] =	wrdreg $0xFFFFFFFF  }
0xc1: {  	_ =	task.clear_ibuf [dreg:s7], $0x2FFFF;
	_ =	strace $0x9FFFFFFF  }
0xc2: {  	(tm) =	ssettm $0x7FFFFFFF  }
0xc3: {  	_ =	shalt  }
tec
execute0_lowered:
.L_overlay_start_1:
0x0: {  	(tag) =	ssettag $0x1  }
0x1: {  	s0 =	rddreg [dreg:$0x0]  }
0x2: {  	s1 =	rddreg [dreg:$0x1];
	s3 =	srdreg.scid  }
0x3: {  	s10 =	stileid.u32;
	s2 =	simm.s32 $0x0;
	s31 =	simm.s32 $0x12C00  }
0x4: {  	s28 =	simm.s32 $0xD;
	s29 =	simm.s32 $0xE;
	s30 =	simm.s32 $0xF  }
0x5: {  	s4 =	sand.u32 $0x1, s3;
	s5 =	smul.u32 $0x700000, s10;
	[smem:$0x7FF] =	sst s2  }
0x6: {  	s3 =	sadd.s32 $0xF42E00, s0;
	s7 =	sshll.u32 s10, $0x1;
	s17 =	smul.u32 $0xE0000, s10  }
0x7: {  	s0 =	sadd.s32 $0xA00, s0;
	s6 =	smul.u32 $0x380000, s4;
	_ =	strace $0x80000047  }
0x8: {  	s8 =	ssub.s32 $0x2, s4;
	s7 =	sor.u32 s4, s7;
	s4 =	smul.u32 $0x70000, s4  }
0x9: {  	s11 =	sshrl.u32 s8, $0x1;
	s7 =	smul.u32 $0xC80, s7;
	s19 =	sadd.s32 s17, s0  }
0xa: {  	s17 =	simm.s32 $0x80;
	s5 =	sadd.s32 s6, s5;
	s6 =	ssub.s32 s8, s11  }
0xb: {  	s9 =	sor.u32 $0xC400, s5;
	s1 =	sadd.s32 s1, s7;
	s13 =	smax.u32 s6, $0x1  }
0xc: {  	s15 =	sor.u32 $0xA800, s5;
	s16 =	sor.u32 $0x8C00, s5;
	s20 =	sor.u32 $0x5400, s5  }
0xd: {  	s21 =	sor.u32 $0x1A400, s5;
	s22 =	sor.u32 $0x18800, s5;
	s24 =	sor.u32 $0x16C00, s5  }
0xe: {  	s25 =	sor.u32 $0x13400, s5;
	s5 =	sor.u32 $0x11800, s5;
	[dreg:$0x3] =	wrdreg s1  }
0xf: {  	s7 =	simm.s32 $0x0;
	s12 =	sshrl.u32 s9, $0x3;
	[dreg:$0x4] =	wrdreg s13  }
0x10: {  	s1 =	sshrl.u32 s15, $0x3;
	s6 =	sshrl.u32 s16, $0x3;
	s23 =	sshrl.u32 s22, $0x3  }
0x11: {  	s26 =	sshrl.u32 s5, $0x3;
	s22 =	simm.s32 $0xC800;
	s5 =	simm.s32 $0x19000  }
0x12: {  	s14 =	sadd.s32 s12, s0;
	s1 =	sadd.s32 s1, s0;
	s18 =	sadd.s32 s6, s0  }
0x13: {  	s12 =	sadd.s32 s23, s0;
	s15 =	sadd.s32 s26, s0;
	[dreg:$0x5] =	wrdreg s14  }
0x14: {  	s26 =	simm.s32 $0x2;
	s23 =	simm.s32 $0x10;
	[dreg:$0x6] =	wrdreg s1  }
0x15: {  	[dreg:$0x7] =	wrdreg s18;
	s1 =	sadd.s32 s4, s19;
	s4 =	sshrl.u32 s21, $0x3  }
0x16: {  	s19 =	simm.s32 $0x48;
	s18 =	simm.s32 $0x6;
	s21 =	simm.s32 $0x8  }
.Ltmp0:
0x17: {  	[dreg:$0x8] =	wrdreg s1;
	s1 =	sshrl.u32 s20, $0x3;
	(pc) =	sbr.rel .LBB2_1-.Ltmp0, $4  }
0x18: {  	s11 =	sadd.s32 s4, s0;
	s4 =	sshrl.u32 s25, $0x3;
	s25 =	simm.s32 $0x1  }
0x19: {  	s20 =	simm.s32 $0x4;
	s1 =	sadd.s32 s1, s0;
	s14 =	sadd.s32 s4, s0  }
0x1a: {  	[dreg:$0x9] =	wrdreg s1;
	s1 =	sshrl.u32 s24, $0x3;
	s24 =	simm.s32 $0x5  }
0x1b: {  	s13 =	sadd.s32 s1, s0;
	s1 =	simm.s32 $0x3;
	s0 =	simm.s32 $0x7  }
.LBB2_4:
0x1c: {  	s4 =	simm.s32 $0x9  }
0x1d: {  	_ =	swait.ge [sflag:s4], $0x1900  }
0x1e: {  	[sflag:s4] =	ssyncset.done $0x0  }
0x1f: {  	s7 =	simm.s32 $0xA;
	[sflag:s4] =	ssyncadd.s32 $0xFFFFE700  }
0x20: {  	_ =	swait.ge [sflag:s7], $0x1900  }
0x21: {  	[sflag:s7] =	ssyncset.done $0x0  }
0x22: {  	s8 =	simm.s32 $0xB;
	[sflag:s7] =	ssyncadd.s32 $0xFFFFE700  }
0x23: {  	_ =	swait.ge [sflag:s8], $0x1900  }
0x24: {  	[sflag:s8] =	ssyncset.done $0x0  }
0x25: {  	s9 =	simm.s32 $0xC;
	[sflag:s8] =	ssyncadd.s32 $0xFFFFE700  }
0x26: {  	_ =	swait.ge [sflag:s9], $0x1900  }
0x27: {  	[sflag:s9] =	ssyncset.done $0x0  }
0x28: {  	[sflag:s9] =	ssyncadd.s32 $0xFFFFE700  }
0x29: {  	_ =	swait.ge [sflag:s28], $0x1900  }
0x2a: {  	[sflag:s28] =	ssyncset.done $0x0  }
0x2b: {  	[sflag:s28] =	ssyncadd.s32 $0xFFFFE700  }
0x2c: {  	_ =	swait.ge [sflag:s29], $0x1900  }
0x2d: {  	[sflag:s29] =	ssyncset.done $0x0  }
0x2e: {  	[sflag:s29] =	ssyncadd.s32 $0xFFFFE700  }
0x2f: {  	_ =	swait.ge [sflag:s30], $0x1900  }
0x30: {  	[sflag:s30] =	ssyncset.done $0x0  }
0x31: {  	[sflag:s30] =	ssyncadd.s32 $0xFFFFE700  }
0x32: {  	_ =	swait.ge [sflag:s23], $0x1900  }
0x33: {  	[sflag:s23] =	ssyncset.done $0x0  }
0x34: {  	s10 =	simm.s32 $0x11;
	[sflag:s23] =	ssyncadd.s32 $0xFFFFE700  }
0x35: {  	_ =	swait.ge [sflag:s10], $0x1900  }
0x36: {  	[sflag:s10] =	ssyncset.done $0x0  }
0x37: {  	s16 =	simm.s32 $0x12;
	[sflag:s10] =	ssyncadd.s32 $0xFFFFE700  }
0x38: {  	_ =	swait.ge [sflag:s16], $0x1900  }
0x39: {  	[sflag:s16] =	ssyncset.done $0x0  }
0x3a: {  	s6 =	simm.s32 $0x13;
	[sflag:s16] =	ssyncadd.s32 $0xFFFFE700  }
0x3b: {  	_ =	swait.ge [sflag:s6], $0x1900  }
0x3c: {  	[sflag:s6] =	ssyncset.done $0x0  }
0x3d: {  	s7 =	simm.s32 $0x14;
	[sflag:s6] =	ssyncadd.s32 $0xFFFFE700  }
0x3e: {  	_ =	swait.ge [sflag:s7], $0x1900  }
0x3f: {  	[sflag:s7] =	ssyncset.done $0x0  }
0x40: {  	s8 =	simm.s32 $0x15;
	[sflag:s7] =	ssyncadd.s32 $0xFFFFE700  }
0x41: {  	_ =	swait.ge [sflag:s8], $0x1900  }
0x42: {  	[sflag:s8] =	ssyncset.done $0x0  }
0x43: {  	s9 =	simm.s32 $0x16;
	[sflag:s8] =	ssyncadd.s32 $0xFFFFE700  }
0x44: {  	_ =	swait.ge [sflag:s9], $0x1900  }
0x45: {  	[sflag:s9] =	ssyncset.done $0x0  }
0x46: {  	s10 =	simm.s32 $0x17;
	[sflag:s9] =	ssyncadd.s32 $0xFFFFE700  }
0x47: {  	_ =	swait.ge [sflag:s10], $0x1900  }
0x48: {  	[sflag:s10] =	ssyncset.done $0x0  }
0x49: {  	s6 =	simm.s32 $0x18;
	[sflag:s10] =	ssyncadd.s32 $0xFFFFE700  }
0x4a: {  	_ =	swait.ge [sflag:s6], $0x1900  }
0x4b: {  	s7 =	rddreg [dreg:$0xa]  }
0x4c: {  	s16 =	rddreg [dreg:$0x4];
	s7 =	sadd.s32 $0x1, s7  }
0x4d: {  	p0 =	sne.s32 s7, s16  }
.Ltmp1:
0x4e: {  	_ = 	snop;
	(pc) =	sbr.rel @!p0 .LBB2_5-.Ltmp1, $3  }
0x4f: {  	_ =	sdelay $0x1  }
0x50: {  	[sflag:s6] =	ssyncset.done $0x0  }
0x51: {  	[sflag:s6] =	ssyncadd.s32 $0xFFFFE700  }
.LBB2_1:
0x52: {  	[dreg:$0xa] =	wrdreg s7  }
0x53: {  	s4 =	rddreg [dreg:$0x3];
	s7 =	simm.s32 $0x19  }
0x54: {  	[tilespmem:s2], [sflag:$0x19] =	stream.linear.gather [hbm4b:s4+s2], $0x6400, $0x38;
	[tilespmem:$0x1F400] =	vst v63  }
0x55: {  	_ =	swait.ge [sflag:s7], $0x6400  }
0x56: {  	[sflag:s7] =	ssyncset.done $0x0  }
0x57: {  	s8 =	simm.s32 $0x6400;
	[sflag:s7] =	ssyncadd.s32 $0xFFFF9C00  }
0x58: {  	[tilespmem:s8], [sflag:$0x1] =	stream.indirect.gather [hbm4b:s3+s17], $0x80, s2, s17, $0xb8;
	[tilespmem:$0x1F400] =	vst v63  }
0x59: {  	s9 =	simm.s32 $0xA400  }
0x5a: {  	[tilespmem:s9], [sflag:$0x2] =	stream.indirect.gather [hbm4b:s3+s19], $0x80, s17, s19, $0xb8;
	[tilespmem:$0x1F400] =	vst v63  }
0x5b: {  	s10 =	simm.s32 $0xC8  }
0x5c: {  	[tilespmem:s22], [sflag:$0x3] =	stream.indirect.gather [hbm4b:s3+s17], $0x80, s10, s17, $0xb8;
	[tilespmem:$0x1F400] =	vst v63  }
0x5d: {  	s16 =	simm.s32 $0x148;
	s6 =	simm.s32 $0x10800  }
0x5e: {  	[tilespmem:s6], [sflag:$0x4] =	stream.indirect.gather [hbm4b:s3+s19], $0x80, s16, s19, $0xb8;
	[tilespmem:$0x1F400] =	vst v63  }
0x5f: {  	s4 =	simm.s32 $0x468;
	s16 =	simm.s32 $0xFFFFFFFC;
	s6 =	simm.s32 $0x0  }
.LBB2_2:
0x60: {  	_ =	swait.ge [sflag:s25], $0x4000  }
0x61: {  	[sflag:s25] =	ssyncset.done $0x0  }
0x62: {  	[sflag:s25] =	ssyncadd.s32 $0xFFFFC000  }
0x63: {  	_ =	swait.ge [sflag:s26], $0x2400  }
0x64: {  	[sflag:s26] =	ssyncset.done $0x0;
	s7 =	rddreg [dreg:$0x8]  }
0x65: {  	s8 =	simm.s32 $0x6400;
	[sflag:s26] =	ssyncadd.s32 $0xFFFFDC00;
	s7 =	sadd.s32 s6, s7  }
0x66: {  	[hbm4b:s7+s2] =	stream.linear.scatter [tilespmem:s8], [sflag:$0x9], $0x1900, $0x38;
	[tilespmem:$0x1F400] =	vst v63  }
0x67: {  	s9 =	simm.s32 $0x7D00;
	s10 =	sadd.s32 $0x380, s7  }
0x68: {  	[hbm4b:s10+s2] =	stream.linear.scatter [tilespmem:s9], [sflag:$0xA], $0x1900, $0x38;
	[tilespmem:$0x1F400] =	vst v63  }
0x69: {  	s9 =	sadd.s32 $0x700, s7;
	s10 =	simm.s32 $0x9600  }
0x6a: {  	[hbm4b:s9+s2] =	stream.linear.scatter [tilespmem:s10], [sflag:$0xB], $0x1900, $0x38;
	[tilespmem:$0x1F400] =	vst v63  }
0x6b: {  	s9 =	rddreg [dreg:$0x9]  }
0x6c: {  	p0 =	sgt.u32 s16, $0x7B;
	s10 =	simm.s32 $0xAF00;
	s8 =	sadd.s32 s6, s9  }
0x6d: {  	[hbm4b:s8+s2] =	stream.linear.scatter [tilespmem:s10], [sflag:$0xC], $0x1900, $0x38;
	[tilespmem:$0x1F400] =	vst v63  }
0x6e: {  	s8 =	simm.s32 @!p0 $0x11  }
0x6f: {  	_ =	swait.ge @!p0 [sflag:s8], $0x1900  }
0x70: {  	[sflag:s8] =	ssyncset.done @!p0 $0x0  }
0x71: {  	[sflag:s8] =	ssyncadd.s32 @!p0 $0xFFFFE700;
	s8 =	simm.s32 @!p0 $0x12  }
0x72: {  	_ =	swait.ge @!p0 [sflag:s8], $0x1900  }
0x73: {  	[sflag:s8] =	ssyncset.done @!p0 $0x0  }
0x74: {  	[sflag:s8] =	ssyncadd.s32 @!p0 $0xFFFFE700;
	s8 =	simm.s32 @!p0 $0x13  }
0x75: {  	_ =	swait.ge @!p0 [sflag:s8], $0x1900  }
0x76: {  	[sflag:s8] =	ssyncset.done @!p0 $0x0  }
0x77: {  	[sflag:s8] =	ssyncadd.s32 @!p0 $0xFFFFE700;
	s8 =	simm.s32 @!p0 $0x14  }
0x78: {  	_ =	swait.ge @!p0 [sflag:s8], $0x1900  }
0x79: {  	[sflag:s8] =	ssyncset.done @!p0 $0x0  }
0x7a: {  	s10 =	sadd.s32 $0xFFFFFD28, s4;
	[sflag:s8] =	ssyncadd.s32 @!p0 $0xFFFFE700  }
0x7b: {  	[tilespmem:s31], [sflag:$0x5] =	stream.indirect.gather [hbm4b:s3+s17], $0x80, s10, s17, $0xb8;
	[tilespmem:$0x1F400] =	vst v63  }
0x7c: {  	s9 =	sadd.s32 $0xFFFFFDA8, s4;
	s10 =	simm.s32 $0x16C00  }
0x7d: {  	[tilespmem:s10], [sflag:$0x6] =	stream.indirect.gather [hbm4b:s3+s19], $0x80, s9, s19, $0xb8;
	[tilespmem:$0x1F400] =	vst v63  }
0x7e: {  	_ =	swait.ge [sflag:s1], $0x4000  }
0x7f: {  	[sflag:s1] =	ssyncset.done $0x0  }
0x80: {  	[sflag:s1] =	ssyncadd.s32 $0xFFFFC000  }
0x81: {  	_ =	swait.ge [sflag:s20], $0x2400  }
0x82: {  	[sflag:s20] =	ssyncset.done $0x0  }
0x83: {  	s10 =	sadd.s32 $0xE00, s7;
	s9 =	rddreg [dreg:$0x7];
	[sflag:s20] =	ssyncadd.s32 $0xFFFFDC00  }
0x84: {  	[hbm4b:s10+s2] =	stream.linear.scatter [tilespmem:s22], [sflag:$0xD], $0x1900, $0x38;
	[tilespmem:$0x1F400] =	vst v63  }
0x85: {  	s8 =	sadd.s32 s6, s9;
	s9 =	rddreg [dreg:$0x6];
	s10 =	simm.s32 $0xE100  }
0x86: {  	[hbm4b:s8+s2] =	stream.linear.scatter [tilespmem:s10], [sflag:$0xE], $0x1900, $0x38;
	[tilespmem:$0x1F400] =	vst v63  }
0x87: {  	s8 =	sadd.s32 s6, s9;
	s10 =	simm.s32 $0xFA00;
	s9 =	rddreg [dreg:$0x5]  }
0x88: {  	[hbm4b:s8+s2] =	stream.linear.scatter [tilespmem:s10], [sflag:$0xF], $0x1900, $0x38;
	[tilespmem:$0x1F400] =	vst v63  }
0x89: {  	p0 =	seq.s32 s6, $0x0;
	s8 =	sadd.s32 s6, s9;
	s10 =	simm.s32 $0x11300  }
0x8a: {  	[hbm4b:s8+s2] =	stream.linear.scatter [tilespmem:s10], [sflag:$0x10], $0x1900, $0x38;
	[tilespmem:$0x1F400] =	vst v63  }
0x8b: {  	s8 =	simm.s32 @!p0 $0x15  }
0x8c: {  	_ =	swait.ge @!p0 [sflag:s8], $0x1900  }
0x8d: {  	[sflag:s8] =	ssyncset.done @!p0 $0x0  }
0x8e: {  	[sflag:s8] =	ssyncadd.s32 @!p0 $0xFFFFE700;
	s8 =	simm.s32 @!p0 $0x16  }
0x8f: {  	_ =	swait.ge @!p0 [sflag:s8], $0x1900  }
0x90: {  	[sflag:s8] =	ssyncset.done @!p0 $0x0  }
0x91: {  	[sflag:s8] =	ssyncadd.s32 @!p0 $0xFFFFE700;
	s8 =	simm.s32 @!p0 $0x17  }
0x92: {  	_ =	swait.ge @!p0 [sflag:s8], $0x1900  }
0x93: {  	[sflag:s8] =	ssyncset.done @!p0 $0x0  }
0x94: {  	[sflag:s8] =	ssyncadd.s32 @!p0 $0xFFFFE700;
	s8 =	simm.s32 @!p0 $0x18  }
0x95: {  	_ =	swait.ge @!p0 [sflag:s8], $0x1900  }
0x96: {  	[sflag:s8] =	ssyncset.done @!p0 $0x0  }
0x97: {  	s10 =	sadd.s32 $0xFFFFFDF0, s4;
	[sflag:s8] =	ssyncadd.s32 @!p0 $0xFFFFE700  }
0x98: {  	[tilespmem:s5], [sflag:$0x7] =	stream.indirect.gather [hbm4b:s3+s17], $0x80, s10, s17, $0xb8;
	[tilespmem:$0x1F400] =	vst v63  }
0x99: {  	s9 =	sadd.s32 $0xFFFFFE70, s4;
	s10 =	simm.s32 $0x1D000  }
0x9a: {  	[tilespmem:s10], [sflag:$0x8] =	stream.indirect.gather [hbm4b:s3+s19], $0x80, s9, s19, $0xb8;
	[tilespmem:$0x1F400] =	vst v63  }
0x9b: {  	_ =	swait.ge [sflag:s24], $0x4000  }
0x9c: {  	[sflag:s24] =	ssyncset.done $0x0  }
0x9d: {  	[sflag:s24] =	ssyncadd.s32 $0xFFFFC000  }
0x9e: {  	_ =	swait.ge [sflag:s18], $0x2400  }
0x9f: {  	[sflag:s18] =	ssyncset.done $0x0  }
0xa0: {  	s10 =	sadd.s32 $0x1C00, s7;
	[sflag:s18] =	ssyncadd.s32 $0xFFFFDC00  }
0xa1: {  	[hbm4b:s10+s2] =	stream.linear.scatter [tilespmem:s31], [sflag:$0x11], $0x1900, $0x38;
	[tilespmem:$0x1F400] =	vst v63  }
0xa2: {  	s9 =	sadd.s32 $0x1F80, s7;
	s10 =	simm.s32 $0x14500  }
0xa3: {  	[hbm4b:s9+s2] =	stream.linear.scatter [tilespmem:s10], [sflag:$0x12], $0x1900, $0x38;
	[tilespmem:$0x1F400] =	vst v63  }
0xa4: {  	p0 =	seq.s32 s6, $0x6C800;
	s9 =	sadd.s32 s6, s15;
	s10 =	simm.s32 $0x15E00  }
0xa5: {  	[hbm4b:s9+s2] =	stream.linear.scatter [tilespmem:s10], [sflag:$0x13], $0x1900, $0x38;
	[tilespmem:$0x1F400] =	vst v63  }
0xa6: {  	s8 =	simm.s32 @!p0 $0x9;
	s9 =	sadd.s32 s6, s14;
	s10 =	simm.s32 $0x17700  }
0xa7: {  	[hbm4b:s9+s2] =	stream.linear.scatter [tilespmem:s10], [sflag:$0x14], $0x1900, $0x38;
	[tilespmem:$0x1F400] =	vst v63  }
0xa8: {  	_ =	swait.ge @!p0 [sflag:s8], $0x1900  }
0xa9: {  	[sflag:s8] =	ssyncset.done @!p0 $0x0  }
0xaa: {  	[sflag:s8] =	ssyncadd.s32 @!p0 $0xFFFFE700;
	s8 =	simm.s32 @!p0 $0xA  }
0xab: {  	_ =	swait.ge @!p0 [sflag:s8], $0x1900  }
0xac: {  	[sflag:s8] =	ssyncset.done @!p0 $0x0  }
0xad: {  	[sflag:s8] =	ssyncadd.s32 @!p0 $0xFFFFE700;
	s8 =	simm.s32 @!p0 $0xB  }
0xae: {  	_ =	swait.ge @!p0 [sflag:s8], $0x1900  }
0xaf: {  	[sflag:s8] =	ssyncset.done @!p0 $0x0  }
0xb0: {  	[sflag:s8] =	ssyncadd.s32 @!p0 $0xFFFFE700;
	s8 =	simm.s32 @!p0 $0xC  }
0xb1: {  	_ =	swait.ge @!p0 [sflag:s8], $0x1900  }
0xb2: {  	s9 =	simm.s32 @!p0 $0x80;
	[sflag:s8] =	ssyncset.done @!p0 $0x0  }
0xb3: {  	s10 =	simm.s32 @!p0 $0x6400;
	[sflag:s8] =	ssyncadd.s32 @!p0 $0xFFFFE700;
	s8 =	sadd.s32 @!p0 $0xFFFFFEB8, s4  }
0xb4: {  	[tilespmem:s10], [sflag:$0x1] =	stream.indirect.gather @!p0 [hbm4b:s3+s9], $0x80, s8, s9, $0xb8;
	[tilespmem:$0x1F400] =	vst v63  }
0xb5: {  	s8 =	sadd.s32 @!p0 $0xFFFFFF38, s4;
	s9 =	simm.s32 @!p0 $0x48;
	s10 =	simm.s32 @!p0 $0xA400  }
0xb6: {  	[tilespmem:s10], [sflag:$0x2] =	stream.indirect.gather @!p0 [hbm4b:s3+s9], $0x80, s8, s9, $0xb8;
	[tilespmem:$0x1F400] =	vst v63  }
0xb7: {  	_ =	swait.ge [sflag:s0], $0x4000  }
0xb8: {  	[sflag:s0] =	ssyncset.done $0x0  }
0xb9: {  	[sflag:s0] =	ssyncadd.s32 $0xFFFFC000  }
0xba: {  	_ =	swait.ge [sflag:s21], $0x2400  }
0xbb: {  	[sflag:s21] =	ssyncset.done $0x0  }
0xbc: {  	s7 =	sadd.s32 $0x2A00, s7;
	[sflag:s21] =	ssyncadd.s32 $0xFFFFDC00  }
0xbd: {  	[hbm4b:s7+s2] =	stream.linear.scatter [tilespmem:s5], [sflag:$0x15], $0x1900, $0x38;
	[tilespmem:$0x1F400] =	vst v63  }
0xbe: {  	s9 =	sadd.s32 s6, s13;
	s10 =	simm.s32 $0x1A900  }
0xbf: {  	[hbm4b:s9+s2] =	stream.linear.scatter [tilespmem:s10], [sflag:$0x16], $0x1900, $0x38;
	[tilespmem:$0x1F400] =	vst v63  }
.Ltmp2:
0xc0: {  	_ = 	snop;
	(pc) =	sbr.rel @p0 .LBB2_4-.Ltmp2, $4  }
0xc1: {  	s9 =	sadd.s32 s6, s12;
	s10 =	simm.s32 $0x1C200  }
0xc2: {  	[hbm4b:s9+s2] =	stream.linear.scatter [tilespmem:s10], [sflag:$0x17], $0x1900, $0x38;
	[tilespmem:$0x1F400] =	vst v63  }
0xc3: {  	s9 =	sadd.s32 s6, s11;
	s10 =	simm.s32 $0x1DB00  }
0xc4: {  	[hbm4b:s9+s2] =	stream.linear.scatter [tilespmem:s10], [sflag:$0x18], $0x1900, $0x38;
	[tilespmem:$0x1F400] =	vst v63  }
0xc5: {  	_ =	swait.ge [sflag:s28], $0x1900  }
0xc6: {  	[sflag:s28] =	ssyncset.done $0x0  }
0xc7: {  	[sflag:s28] =	ssyncadd.s32 $0xFFFFE700  }
0xc8: {  	_ =	swait.ge [sflag:s29], $0x1900  }
0xc9: {  	[sflag:s29] =	ssyncset.done $0x0  }
0xca: {  	[sflag:s29] =	ssyncadd.s32 $0xFFFFE700  }
0xcb: {  	_ =	swait.ge [sflag:s30], $0x1900  }
0xcc: {  	[sflag:s30] =	ssyncset.done $0x0  }
0xcd: {  	[sflag:s30] =	ssyncadd.s32 $0xFFFFE700  }
0xce: {  	_ =	swait.ge [sflag:s23], $0x1900  }
0xcf: {  	[sflag:s23] =	ssyncset.done $0x0  }
.Ltmp3:
0xd0: {  	s7 =	sadd.s32 $0xFFFFFF80, s4;
	[sflag:s23] =	ssyncadd.s32 $0xFFFFE700;
	(pc) =	sbr.rel .LBB2_2-.Ltmp3, $4  }
0xd1: {  	[tilespmem:s22], [sflag:$0x3] =	stream.indirect.gather [hbm4b:s3+s17], $0x80, s7, s17, $0xb8;
	[tilespmem:$0x1F400] =	vst v63  }
0xd2: {  	s10 =	simm.s32 $0x10800  }
0xd3: {  	[tilespmem:s10], [sflag:$0x4] =	stream.indirect.gather [hbm4b:s3+s19], $0x80, s4, s19, $0xb8;
	[tilespmem:$0x1F400] =	vst v63  }
0xd4: {  	s6 =	sadd.s32 $0x3800, s6;
	s16 =	sadd.s32 $0x4, s16;
	s4 =	sadd.s32 $0x320, s4  }
.LBB2_5:
0xd5: {  	_ =	sfence.sel $0x180000  }
0xd6: {  	[bflag:$0x0] =	sbarrier.arrive $0xFFFF  }
0xd7: {  	_ =	strace $0x90000047  }
0xd8: {  	s0 =	stileid.u32;
	[bflag:$0x2] =	sbarrier.arrive $0xFFFF  }
0xd9: {  	p0 =	sne.s32 s0, $0x0;
	s0 =	rddreg [dreg:$0x2]  }
0xda: {  	s0 =	sadd.s32 @!p0 $0x100000, s0  }
0xdb: {  	[sflag:s0] =	ssyncadd.tile.s32 @!p0 $0x1;
	_ =	shalt  }
.Lfunc_end2:
_tile_overlayer_lowered:
.L_overlay_start_2:
0xdc: {  	(tag) =	ssettag $0x2  }
0xdd: {  	s0 =	rddreg [dreg:$0x0];
	s2 =	stileid.u32  }
0xde: {  	s1 =	rddreg [dreg:$0x1];
	p0 =	sne.s32 s2, $0x0  }
0xdf: {  	s3 =	rddreg [dreg:$0x2];
	[bflag:$0x3] =	sbarrier.arrive $0xFFFF;
	s2 =	simm.s32 @!p0 $0x1C19  }
0xe0: {  	[timem:s3], [sflag:s2] =	dma.local @!p0 [hbm:s0], s1  }
0xe1: {  	s0 =	simm.s32 @!p0 $0x19  }
0xe2: {  	_ =	swait.ge @!p0 [sflag:s0], s1  }
0xe3: {  	s1 =	ssub.s32 @!p0 $0x0, s1;
	[sflag:s0] =	ssyncset.done @!p0 $0x0  }
0xe4: {  	[sflag:s0] =	ssyncadd.s32 @!p0 s1  }
0xe5: {  	[bflag:$0x3] =	sbarrier.arrive $0xFFFF  }
0xe6: {  	_ =	shalt  }

// kernel: sparse-core-data-format-call.cloned.1.call-start
scs
called_computation_lowered:
.L_overlay_start_0:
0x0: {  	s2 =	sld [smem:$0x3FD9]  }
0x1: {  	s3 =	sld [smem:$0x3FFE];
	_ =	sdelay $0x1  }
0x2: {  	s1 =	srdreg.scid  }
0x3: {  	s0 =	sand.u32 $0x1, s1  }
0x4: {  	s18 =	sshll.u32 s0, $0xA;
	s2 =	sadd.s32 s3, s2  }
0x5: {  	s2 =	sadd.s32 s2, s18  }
0x6: {  	[smem:$0x3FC6] =	sst s2  }
0x7: {  	_ = 	snop  }
0x8: {  	s2 =	sld [smem:$0x3FD0];
	(tm) =	ssettm $0x1  }
0x9: {  	s19 =	sld [smem:$0x3FFB];
	_ =	sdelay $0x3  }
0xa: {  	_ =	strace s19  }
0xb: {  	s3 =	sld [smem:$0x3FFC];
	_ =	sdelay $0x3  }
0xc: {  	_ =	strace s3  }
0xd: {  	s3 =	sld [smem:$0x3FFD];
	_ =	sdelay $0x3  }
0xe: {  	_ =	strace s3  }
0xf: {  	_ =	strace $0x8FFFFFFF  }
0x10: {  	s20 =	sld [smem:$0x3FDB];
	_ =	sdelay $0x1  }
0x11: {  	s4 =	simm.s32 $_scs_section_size  }
0x12: {  	s5 =	simm.s32 $_size__tile_overlayer_lowered;
	s6 =	simm.s32 $_tile_overlayer_lowered  }
0x13: {  	s23 =	simm.s32 $0x1BFF;
	s22 =	sshll.u32 s6, $0x1;
	s3 =	sadd.s32 s4, s20  }
0x14: {  	s7 =	simm.s32 $0x0;
	s21 =	sshll.u32 s5, $0x1;
	s5 =	sadd.s32 s22, s3  }
0x15: {  	[timem:s7], [sflag:s23] =	dma.local [hbm:s5], s21  }
0x16: {  	_ =	swait.ge [sflag:s23], s21  }
0x17: {  	s4 =	ssub.s32 $0x0, s21;
	[sflag:s23] =	ssyncset.done $0x0  }
0x18: {  	[sflag:s23] =	ssyncadd.s32 s4;
	_ =	sdelay $0x1  }
0x19: {  	s24 =	simm.s32 $0x1B8B  }
0x1a: {  	_ =	swait.ge [sflag:s24], $0x1  }
0x1b: {  	[sflag:s24] =	ssyncset.done $0x0  }
0x1c: {  	s26 =	simm.s32 $0x1B8E;
	s25 =	sld [smem:$0x3FFE];
	[sflag:s24] =	ssyncadd.s32 $0xFFFFFFFF  }
0x1d: {  	s27 =	simm.s32 $execute0_lowered;
	[smem:$0x3FD2] =	sst s26  }
0x1e: {  	s5 =	sshll.u32 s27, $0x1;
	_ =	strace $0x80000049;
	[dreg:$0x1] =	wrdreg $0xFFFFFFFF  }
0x1f: {  	s28 =	simm.s32 $_size_execute0_lowered;
	s3 =	sadd.s32 s3, s5;
	[dreg:$0x0] =	wrdreg $0x0  }
0x20: {  	s5 =	sshll.u32 s28, $0x1;
	[dreg:$0x2] =	wrdreg s3  }
0x21: {  	[dreg:$0x3] =	wrdreg s5  }
0x22: {  	[dreg:$0x4] =	wrdreg $0xC0  }
0x23: {  	_ =	task [dreg:s7], $0x5FFFF  }
0x24: {  	[dreg:$0x1] =	wrdreg $0xFFFFFFFF  }
0x25: {  	[dreg:$0x0] =	wrdreg $0x60  }
0x26: {  	[dreg:$0x2] =	wrdreg s25  }
0x27: {  	[dreg:$0x3] =	wrdreg s2  }
0x28: {  	[dreg:$0x4] =	wrdreg $0x9  }
0x29: {  	_ =	task.clear_ibuf [dreg:s7], $0x5FFFF;
	_ =	strace $0x90000049  }
0x2a: {  	s29 =	simm.s32 $0x9;
	_ =	strace $0x8000004B  }
0x2b: {  	_ =	swait.ge [sflag:s29], $0x1  }
0x2c: {  	[sflag:s29] =	ssyncadd.s32 $0xFFFFFFFF  }
0x2d: {  	_ =	strace $0x9000004B  }
0x2e: {  	_ =	sfence  }
0x2f: {  	s30 =	sld [smem:$0x0];
	_ =	sdelay $0x2  }
0x30: {  	s31 =	sshll.u32 s1, $0xD;
	s1 =	sshrl.u32 s1, $0x2  }
0x31: {  	s3 =	sand.u32 $0x4000, s31;
	s1 =	sadd.s32 s1, s30  }
0x32: {  	s0 =	sor.u32 s3, s0;
	s1 =	sshll.u32 s1, $0x11  }
0x33: {  	s0 =	sor.u32 s1, s0  }
0x34: {  	s0 =	sadd.s32 $0x8F2B, s0  }
0x35: {  	[sflag:s0] =	ssyncadd.remote.s32 $0x1  }
0x36: {  	_ =	sfence.sel $0xFFFF  }
0x37: {  	[dreg:$0x0] =	wrdreg $0xFFFFFFFF;
	(pc) =	sbr.abs _section_cstart, $3  }
0x38: {  	[dreg:$0x1] =	wrdreg $0xFFFFFFFF  }
0x39: {  	_ =	task.clear_ibuf [dreg:s7], $0x2FFFF;
	_ =	strace $0x9FFFFFFF  }
0x3a: {  	(tm) =	ssettm $0x7FFFFFFF  }
0x3b: {  	_ =	shalt  }
tec
execute0_lowered:
.L_overlay_start_1:
0x0: {  	(tag) =	ssettag $0x1  }
0x1: {  	s0 =	srdreg.scid  }
0x2: {  	s1 =	sshll.u32 s0, $0x4  }
0x3: {  	s0 =	stileid.u32;
	s1 =	sand.u32 $0x10, s1  }
0x4: {  	s1 =	sor.u32 s0, s1  }
0x5: {  	s6 =	rddreg [dreg:$0x0];
	s4 =	simm.s32 $0x1;
	s2 =	sshll.u32 s1, $0x7  }
0x6: {  	s7 =	simm.s32 $0x2;
	s12 =	simm.s32 $0x0;
	s1 =	ssub.s32 $0x4000, s2  }
0x7: {  	s8 =	simm.s32 $0x20000;
	s13 =	simm.s32 $0x0;
	s3 =	sand.u32 $0xF80, s1  }
0x8: {  	s9 =	simm.s32 $0x0;
	s5 =	sshrl.u32 s1, $0xC;
	p0 =	sne.s32 s3, $0x0  }
.Ltmp0:
0x9: {  	s1 =	rddreg [dreg:$0x2];
	s4 =	simm.s32 @!p0 $0x0;
	(pc) =	sbr.rel .LBB1_1-.Ltmp0, $4  }
0xa: {  	s11 =	simm.s32 $0x0;
	s3 =	rddreg [dreg:$0x1];
	s5 =	sadd.s32 s4, s5  }
0xb: {  	_ =	strace $0x8000004A;
	s4 =	simm.s32 $0x1;
	s5 =	smul.u32 $0x32, s5  }
0xc: {  	s6 =	sadd.s32 $0xA00, s6;
	s10 =	smov.u32 s2;
	[sflag:s4] =	ssyncpa.u1 $0x0  }
0xd: {  	p0 =	por $0x0, $0x0;
	[sflag:s7] =	ssyncpa.u1 $0x0;
	s7 =	sor.u32 $0x1, s5  }
.LBB1_4:
0xe: {  	s16 =	sshll.u32 s13, $0x3;
	s17 =	sand.u32 $0x78, s13  }
0xf: {  	s30 =	sand.u32 $0x1F800, s13;
	s12 =	sshll.u32 s12, $0x11;
	s16 =	sand.u32 $0x3C00, s16  }
0x10: {  	[tilespmem:s15+$0x810 ss:$0x81] =	vst.msk $0xffff, v2;
	s31 =	sand.u32 $0x7, s13;
	s16 =	sor.u32 s17, s16;
	s17 =	sadd.s32 s3, s30  }
0x11: {  	[tilespmem:s15+$0x1020 ss:$0x81] =	vst.msk $0xffff, v0;
	s13 =	sshll.u32 s31, $0x12;
	s12 =	sadd.s32 s12, s17;
	s16 =	sshrl.u32 s16, $0x3  }
0x12: {  	[tilespmem:s15+$0x0 ss:$0x81] =	vst.msk $0xffff, v1;
	s13 =	sor.u32 $0x400, s13;
	s12 =	sadd.s32 s16, s12  }
0x13: {  	[hbm4b:s12+s13] =	stream.strided.scatter [tilespmem:s14], [sflag:$0x2], $0x2000, s8, s13, $0x20;
	[tilespmem:$0x8080] =	vst v63  }
.LBB1_5:
0x14: {  	s14 =	sadd.s32 $0x1, s9  }
0x15: {  	s12 =	sadd.s32 $0x1000, s10;
	s16 =	smov.u32 s10;
	p2 =	sgt.s32 s14, $0x31  }
0x16: {  	s16 =	smov.u32 @p2 s12  }
0x17: {  	s14 =	simm.s32 @p2 $0x0;
	p2 =	sgt.s32 s16, $0x3FFF  }
0x18: {  	s16 =	smov.u32 @p2 s2;
	p2 =	sne.s32 s11, s7  }
.Ltmp1:
0x19: {  	p1 =	slt.u32 s11, $0x2;
	(pc) =	sbr.rel @!p2 .LBB1_6-.Ltmp1, $4  }
0x1a: {  	s15 =	simm.s32 @!p1 $0x2  }
0x1b: {  	s13 =	smov.u32 s10;
	p0 =	por !p0, !p0;
	_ =	swait.ge @!p1 [sflag:s15], $0x2000  }
0x1c: {  	s12 =	smov.u32 s9;
	[sflag:s15] =	ssyncset.done @!p1 $0x0;
	s9 =	smov.u32 s14  }
0x1d: {  	s11 =	sadd.s32 $0x1, s11;
	[sflag:s15] =	ssyncadd.s32 @!p1 $0xFFFFE000;
	s10 =	smov.u32 s16  }
.LBB1_1:
0x1e: {  	p1 =	sge.u32 s11, s5  }
0x1f: {  	s14 =	sand.u32 @!p1 $0x1FFFFFF, s9  }
0x20: {  	s15 =	smulhi.u32 @!p1 $0x4924925, s14;
	_ =	sdelay $0x1  }
0x21: {  	s15 =	smul.u32 @!p1 $0x38, s15  }
0x22: {  	s16 =	sxor.u32 @!p1 $0xFFFFFFFF, s11;
	s17 =	smul.u32 @!p1 $0x380, s10  }
0x23: {  	s31 =	sadd.s32 $0xFFFFFFFF, s11;
	s16 =	sshll.u32 @!p1 s16, $0xD;
	s14 =	ssub.s32 @!p1 s14, s15  }
0x24: {  	s15 =	sand.u32 @!p1 $0x2000, s16;
	s16 =	sadd.s32 @!p1 s6, s17;
	s14 =	sshll.u32 @!p1 s14, $0x4  }
0x25: {  	s17 =	simm.s32 @!p1 $0x1C00;
	s14 =	sadd.s32 @!p1 s14, s16;
	s16 =	simm.s32 @!p1 $0x40  }
0x26: {  	[tilespmem:s15], [sflag:$0x1] =	stream.strided.gather @!p1 [hbm4b:s14+s16], $0x2000, s17, s16, $0x38;
	[tilespmem:$0x8080] =	vst v63  }
0x27: {  	p1 =	sge.u32 s31, s5  }
.Ltmp2:
0x28: {  	_ = 	snop;
	(pc) =	sbr.rel @p1 .LBB1_5-.Ltmp2, $1  }
0x29: {  	_ =	sdelay $0x3  }
0x2a: {  	s14 =	simm.s32 $0x1  }
0x2b: {  	_ =	swait.ge [sflag:s4], $0x2000;
	s14 =	simm.s32 @!p0 $0x0  }
0x2c: {  	[sflag:s4] =	ssyncset.done $0x0;
	s15 =	sshll.u32 s14, $0xD  }
0x2d: {  	[sflag:s4] =	ssyncadd.s32 $0xFFFFE000;
	s18 =	sor.u32 $0x20, s15  }
0x2e: {  	s14 =	smul.u32 $0x8100, s14;
	v3 =	vld [tilespmem:s18+$0x10]  }
0x2f: {  	s30 =	sand.u32 $0x1, s11;
	v2 =	vld [tilespmem:s18+$0xFFFFFFF0]  }
0x30: {  	s15 =	smul.u32 $0x8100, s30;
	s14 =	sshrl.u32 s14, $0x2;
	v0 =	vld [tilespmem:s18+$0x0]  }
0x31: {  	v1 =	vld [tilespmem:s18+$0xFFFFFFE0];
	s16 =	sor.u32 $0x4000, s14  }
0x32: {  	s31 =	sshrl.u32 s15, $0x2;
	s15 =	sadd.s32 $0x0, s16  }
0x33: {  	s17 =	simm.s32 $0x4;
	s18 =	sadd.s32 $0x40, s18;
	s14 =	sor.u32 $0x4000, s31;
	[tilespmem:s15+$0x1830 ss:$0x81] =	vst.msk $0xffff, v3  }
.LBB1_3:
0x34: {  	v3 =	vld [tilespmem:s18+$0x10];
	p1 =	sne.s32 s17, $0x1FC;
	[tilespmem:s15+$0x810 ss:$0x81] =	vst.msk $0xffff, v2;
	s19 =	smov.u32 s17;
	s17 =	sadd.s32 $0x4, s17  }
.Ltmp3:
0x35: {  	v2 =	vld [tilespmem:s18+$0xFFFFFFF0];
	[tilespmem:s15+$0x1020 ss:$0x81] =	vst.msk $0xffff, v0;
	(pc) =	sbr.rel @p1 .LBB1_3-.Ltmp3, $4  }
0x36: {  	v0 =	vld [tilespmem:s18+$0x0];
	[tilespmem:s15+$0x0 ss:$0x81] =	vst.msk $0xffff, v1  }
0x37: {  	s15 =	sshra.s32 s19, $0x2;
	v1 =	vld [tilespmem:s18+$0xFFFFFFE0]  }
0x38: {  	s15 =	sadd.s32 s15, s16  }
0x39: {  	s18 =	sadd.s32 $0x40, s18;
	[tilespmem:s15+$0x1830 ss:$0x81] =	vst.msk $0xffff, v3  }
.Ltmp4:
0x3a: {  	_ = 	snop;
	(pc) =	sbr.rel .LBB1_4-.Ltmp4, $1  }
0x3b: {  	_ =	sdelay $0x3  }
.LBB1_6:
0x3c: {  	_ =	sfence.sel $0x180000  }
0x3d: {  	s2 =	simm.s32 $0x1;
	[bflag:$0x0] =	sbarrier.arrive $0xFFFF  }
0x3e: {  	s31 =	simm.s32 $0x2;
	[sflag:s2] =	ssyncpa.u1 $0x1  }
0x3f: {  	[sflag:s31] =	ssyncpa.u1 $0x1  }
0x40: {  	p0 =	sne.s32 s0, $0x0;
	_ =	strace $0x9000004A  }
0x41: {  	s0 =	sadd.s32 @!p0 $0x100000, s1;
	[bflag:$0x2] =	sbarrier.arrive $0xFFFF  }
0x42: {  	[sflag:s0] =	ssyncadd.tile.s32 @!p0 $0x1;
	_ =	shalt  }
.Lfunc_end1:
_tile_overlayer_lowered:
.L_overlay_start_2:
0x43: {  	(tag) =	ssettag $0x2  }
0x44: {  	s0 =	rddreg [dreg:$0x0];
	s2 =	stileid.u32  }
0x45: {  	s1 =	rddreg [dreg:$0x1];
	p0 =	sne.s32 s2, $0x0  }
0x46: {  	s3 =	rddreg [dreg:$0x2];
	[bflag:$0x3] =	sbarrier.arrive $0xFFFF;
	s2 =	simm.s32 @!p0 $0x1C01  }
0x47: {  	[timem:s3], [sflag:s2] =	dma.local @!p0 [hbm:s0], s1  }
0x48: {  	s0 =	simm.s32 @!p0 $0x1  }
0x49: {  	_ =	swait.ge @!p0 [sflag:s0], s1  }
0x4a: {  	s1 =	ssub.s32 @!p0 $0x0, s1;
	[sflag:s0] =	ssyncset.done @!p0 $0x0  }
0x4b: {  	[sflag:s0] =	ssyncadd.s32 @!p0 s1  }
0x4c: {  	[bflag:$0x3] =	sbarrier.arrive $0xFFFF  }
0x4d: {  	_ =	shalt  }

</sc_bundles>
